<compile_context>
chip_gen: v7x
topology: tpu7x:2x2x1
jax: 0.10.2.dev20260603
libtpu: 0.0.44.dev20260713+nightly
codegen_flags: <defaults>
</compile_context>

<pallas_src>
import jax
import jax.numpy as jnp
from jax import lax
from jax.experimental import pallas as pl
from jax.experimental.pallas import tpu as pltpu
from jax.experimental.pallas import tpu_sc as plsc

CONTEXT = 8192
EMBED = 64
NROW = 4096
NPOS = 200
NC, NS = 2, 16
NW = NC * NS
NDG = 8
DPG = EMBED // NDG
NPG = NW // NDG
PBLK = 8
NPB = NPOS // PBLK
RBLK = 256
NRB = NROW // RBLK
RGPC = RBLK // 128


def _gather_body(tP, tflat, out, table_v, idx0, idx1, out0, out1,
                 isem0, isem1, osem0, osem1):
    wid = lax.axis_index("s") * NC + lax.axis_index("c")
    dg = lax.rem(wid, NDG)
    pg = wid // NDG
    idx_bufs = (idx0, idx1)
    out_bufs = (out0, out1)
    isems = (isem0, isem1)
    osems = (osem0, osem1)

    for k in range(DPG):
        pltpu.sync_copy(
            tflat.at[pl.ds((dg * DPG + k) * CONTEXT, CONTEXT)],
            table_v.at[pl.ds(k * CONTEXT, CONTEXT)],
        )

    nchunks = NPB * NRB // NPG

    def coords(c):
        u = pg + NPG * c
        pb = u // NRB
        rg = lax.rem(u, NRB)
        return pb * PBLK, rg

    def idx_dma(c, b):
        p0, rg = coords(c)
        return pltpu.make_async_copy(
            tP.at[pl.ds(p0, PBLK), pl.ds(rg * RBLK, RBLK)],
            idx_bufs[b], isems[b])

    def out_dma(c, b, rgl):
        p0, rg = coords(c)
        return pltpu.make_async_copy(
            out_bufs[b].at[rgl],
            out.at[pl.ds(p0, PBLK), dg, rg * RGPC + rgl],
            osems[b])

    def compute(b):
        idx_v = idx_bufs[b]
        out_v = out_bufs[b]

        @plsc.parallel_loop(0, PBLK * (RBLK // 16), step=1, unroll=16)
        def nbody(n):
            pp = n // (RBLK // 16)
            j = lax.rem(n, RBLK // 16)
            rgl = j // 8
            base = lax.rem(j, 8) * 16
            iv = idx_v[pp, pl.ds(j * 16, 16)]
            for dd in range(DPG):
                out_v[rgl, pp, dd, pl.ds(base, 16)] = plsc.load_gather(
                    table_v.at[pl.ds(dd * CONTEXT, CONTEXT)], [iv])

    def half(c, b):
        idx_dma(c, b).wait()

        @pl.when(c >= 2)
        def _():
            out_dma(0, b, 0).wait()
            out_dma(0, b, 0).wait()

        compute(b)
        out_dma(c, b, 0).start()
        out_dma(c, b, 1).start()

        @pl.when(c + 2 < nchunks)
        def _():
            idx_dma(c + 2, b).start()

    idx_dma(0, 0).start()
    idx_dma(1, 1).start()

    def pair(j, carry):
        half(2 * j, 0)
        half(2 * j + 1, 1)
        return carry

    lax.fori_loop(0, nchunks // 2, pair, 0)
    out_dma(0, 0, 0).wait()
    out_dma(0, 0, 0).wait()
    out_dma(0, 1, 0).wait()
    out_dma(0, 1, 0).wait()


@jax.jit
def _lookup(tP, tflat):
    mesh = plsc.VectorSubcoreMesh(core_axis_name="c", subcore_axis_name="s")
    f = pl.kernel(
        _gather_body,
        out_type=jax.ShapeDtypeStruct(
            (NPOS, NDG, NROW // 128, DPG, 128), jnp.float32),
        mesh=mesh,
        scratch_types=[
            pltpu.VMEM((DPG * CONTEXT,), jnp.float32),
            pltpu.VMEM((PBLK, RBLK), jnp.int32),
            pltpu.VMEM((PBLK, RBLK), jnp.int32),
            pltpu.VMEM((RGPC, PBLK, DPG, 128), jnp.float32),
            pltpu.VMEM((RGPC, PBLK, DPG, 128), jnp.float32),
            pltpu.SemaphoreType.DMA,
            pltpu.SemaphoreType.DMA,
            pltpu.SemaphoreType.DMA,
            pltpu.SemaphoreType.DMA,
        ],
        compiler_params=pltpu.CompilerParams(
            use_tc_tiling_on_sc=False, needs_layout_passes=False),
    )
    return f(tP, tflat)


def kernel(t, table):
    out5 = _lookup(t.T, table.T.reshape(-1).astype(jnp.float32))
    return jnp.transpose(out5, (2, 4, 0, 1, 3)).reshape(NROW, NPOS, EMBED)

# --- scband reference (transcript-rebuilt; emitter-appended) ---
"""Pipeline reference for scband-sin-cos-position-encoding-33449205301258 (READ-ONLY COPY).

The authoritative reference and input builder live on the scoring server;
editing this copy changes nothing except your own understanding.
"""

import jax, jax.numpy as jnp
import numpy as np

CONTEXT_SIZE = 8192
EMBED_SIZE = 64

def get_sin_cos_embeddings(context_size, embed_size):
    pos = jnp.arange(context_size, dtype=jnp.float32)[:, None]
    i = jnp.arange(embed_size // 2, dtype=jnp.float32)[None, :]
    angle = pos / jnp.power(10000.0, 2.0 * i / embed_size)
    emb = jnp.zeros((context_size, embed_size), dtype=jnp.float32)
    emb = emb.at[:, 0::2].set(jnp.sin(angle))
    emb = emb.at[:, 1::2].set(jnp.cos(angle))
    return emb

def setup_inputs(seed: int = 0) -> dict:
    key = jax.random.key(seed)
    k1, _ = jax.random.split(key)
    t = jax.random.randint(k1, (4096, 200), 0, CONTEXT_SIZE, dtype=jnp.int64 if jax.config.jax_enable_x64 else jnp.int32)
    table = get_sin_cos_embeddings(CONTEXT_SIZE, EMBED_SIZE)
    return {"t": t, "table": table}

def reference(t, table):
    # nn.Embedding lookup: gather rows of the precomputed sin/cos table
    return jnp.take(table, t, axis=0)

if __name__ == "__main__":
    import jax
    _d = setup_inputs()
    print(jax.jit(kernel)(*tuple(_d.values())))

</pallas_src>

<mosaic_0001>
#map = affine_map<(d0, d1) -> (0, 0)>
#map1 = affine_map<(d0, d1) -> (0)>
#map2 = affine_map<(d0, d1) -> (0, 0, 0, 0, 0)>
module attributes {stable_mosaic.version = 14 : i64} {
  func.func @_gather_body(%arg0: i32, %arg1: i32, %arg2: memref<200x4096xi32, #tpu.memory_space<hbm>>, %arg3: memref<524288xf32, #tpu.memory_space<hbm>>, %arg4: memref<200x8x32x8x128xf32, #tpu.memory_space<hbm>>, %arg5: memref<65536xf32, #tpu.memory_space<vmem>>, %arg6: memref<8x256xi32, #tpu.memory_space<vmem>>, %arg7: memref<8x256xi32, #tpu.memory_space<vmem>>, %arg8: memref<2x8x8x128xf32, #tpu.memory_space<vmem>>, %arg9: memref<2x8x8x128xf32, #tpu.memory_space<vmem>>, %arg10: memref<!tpu.dma_semaphore, #tpu.memory_space<semaphore_mem>>, %arg11: memref<!tpu.dma_semaphore, #tpu.memory_space<semaphore_mem>>, %arg12: memref<!tpu.dma_semaphore, #tpu.memory_space<semaphore_mem>>, %arg13: memref<!tpu.dma_semaphore, #tpu.memory_space<semaphore_mem>>) attributes {dimension_semantics = [#tpu.dimension_semantics<core_parallel>, #tpu.dimension_semantics<subcore_parallel>], iteration_bounds = array<i64: 2, 16>, scalar_prefetch = 0 : i64, scratch_operands = 9 : i64, tpu.core_type = #tpu.core_type<sc_vector_subcore>, window_params = [{transform_indices = #map}, {transform_indices = #map1}, {transform_indices = #map2}]} {
    %mul3A = arith.constant 2 : i32
    %mul3A_0 = arith.muli %arg1, %mul3A : i32
    %add3A = arith.addi %mul3A_0, %arg0 : i32
    %rem3A = arith.constant 8 : i32
    %rem3A_1 = arith.remsi %add3A, %rem3A : i32
    %jit3A = arith.constant 8 : i32
    %div3A = arith.divsi %add3A, %jit3A : i32
    %sign3A = arith.constant 0 : i32
    %sign3A_2 = arith.cmpi sgt, %add3A, %sign3A : i32
    %sign3A_3 = arith.extui %sign3A_2 : i1 to i32
    %sign3A_4 = arith.constant 0 : i32
    %sign3A_5 = arith.cmpi slt, %add3A, %sign3A_4 : i32
    %sign3A_6 = arith.extui %sign3A_5 : i1 to i32
    %sign3A_7 = arith.subi %sign3A_3, %sign3A_6 : i32
    %sign3A_8 = arith.constant 0 : i32
    %sign3A_9 = arith.cmpi sgt, %jit3A, %sign3A_8 : i32
    %sign3A_10 = arith.extui %sign3A_9 : i1 to i32
    %sign3A_11 = arith.constant 0 : i32
    %sign3A_12 = arith.cmpi slt, %jit3A, %sign3A_11 : i32
    %sign3A_13 = arith.extui %sign3A_12 : i1 to i32
    %sign3A_14 = arith.subi %sign3A_10, %sign3A_13 : i32
    %ne3A = arith.cmpi ne, %sign3A_7, %sign3A_14 : i32
    %rem3A_15 = arith.remsi %add3A, %jit3A : i32
    %ne3A_16 = arith.constant 0 : i32
    %ne3A_17 = arith.cmpi ne, %rem3A_15, %ne3A_16 : i32
    %and3A = arith.andi %ne3A, %ne3A_17 : i1
    %sub3A = arith.constant 1 : i32
    %sub3A_18 = arith.subi %div3A, %sub3A : i32
    %select_n3A = arith.select %and3A, %sub3A_18, %div3A : i32
    %mul3A_19 = arith.constant 8 : i32
    %mul3A_20 = arith.muli %rem3A_1, %mul3A_19 : i32
    %add3A_21 = arith.constant 0 : i32
    %add3A_22 = arith.addi %mul3A_20, %add3A_21 : i32
    %mul3A_23 = arith.constant 8192 : i32
    %mul3A_24 = arith.muli %add3A_22, %mul3A_23 : i32
    "tpu.region"() ({
      %run_scoped3A = tpu.sem_alloc : memref<!tpu.dma_semaphore, #tpu.memory_space<semaphore_mem>>
      %dma_start3A_350 = arith.constant 0 : i32
      %dma_start3A_351 = tpu.memref_slice %arg5[%dma_start3A_350] : memref<65536xf32, #tpu.memory_space<vmem>> -> memref<8192xf32, #tpu.memory_space<vmem>>
      %dma_start3A_352 = tpu.memref_slice %arg3[%mul3A_24] : memref<524288xf32, #tpu.memory_space<hbm>> -> memref<8192xf32, #tpu.memory_space<hbm>>
      %dma_start3A_353 = arith.constant 0 : i32
      %dma_start3A_354 = tpu.memref_slice %arg5[%dma_start3A_353] : memref<65536xf32, #tpu.memory_space<vmem>> -> memref<8192xf32, #tpu.memory_space<vmem>>
      %dma_start3A_355 = tpu.memref_slice %arg3[%mul3A_24] : memref<524288xf32, #tpu.memory_space<hbm>> -> memref<8192xf32, #tpu.memory_space<hbm>>
      tpu.enqueue_dma source(%dma_start3A_355 : memref<8192xf32, #tpu.memory_space<hbm>>) target(%dma_start3A_354 : memref<8192xf32, #tpu.memory_space<vmem>>) target_semaphore(%run_scoped3A : memref<!tpu.dma_semaphore, #tpu.memory_space<semaphore_mem>>)
      %dma_wait3A_356 = arith.constant 0 : i32
      %dma_wait3A_357 = tpu.memref_slice %arg5[%dma_wait3A_356] : memref<65536xf32, #tpu.memory_space<vmem>> -> memref<8192xf32, #tpu.memory_space<vmem>>
      %dma_wait3A_358 = tpu.memref_slice %arg3[%mul3A_24] : memref<524288xf32, #tpu.memory_space<hbm>> -> memref<8192xf32, #tpu.memory_space<hbm>>
      %dma_wait3A_359 = arith.constant 0 : i32
      %dma_wait3A_360 = tpu.memref_slice %arg5[%dma_wait3A_359] : memref<65536xf32, #tpu.memory_space<vmem>> -> memref<8192xf32, #tpu.memory_space<vmem>>
      %dma_wait3A_361 = tpu.memref_slice %arg3[%mul3A_24] : memref<524288xf32, #tpu.memory_space<hbm>> -> memref<8192xf32, #tpu.memory_space<hbm>>
      tpu.wait_dma2 semaphore(%run_scoped3A : memref<!tpu.dma_semaphore, #tpu.memory_space<semaphore_mem>>) src(%dma_wait3A_361 : memref<8192xf32, #tpu.memory_space<hbm>>) dst(%dma_wait3A_360 : memref<8192xf32, #tpu.memory_space<vmem>>)
      tpu.yield
    }) : () -> ()
    %mul3A_25 = arith.constant 8 : i32
    %mul3A_26 = arith.muli %rem3A_1, %mul3A_25 : i32
    %add3A_27 = arith.constant 1 : i32
    %add3A_28 = arith.addi %mul3A_26, %add3A_27 : i32
    %mul3A_29 = arith.constant 8192 : i32
    %mul3A_30 = arith.muli %add3A_28, %mul3A_29 : i32
    "tpu.region"() ({
      %run_scoped3A = tpu.sem_alloc : memref<!tpu.dma_semaphore, #tpu.memory_space<semaphore_mem>>
      %dma_start3A_350 = arith.constant 8192 : i32
      %dma_start3A_351 = tpu.memref_slice %arg5[%dma_start3A_350] : memref<65536xf32, #tpu.memory_space<vmem>> -> memref<8192xf32, #tpu.memory_space<vmem>>
      %dma_start3A_352 = tpu.memref_slice %arg3[%mul3A_30] : memref<524288xf32, #tpu.memory_space<hbm>> -> memref<8192xf32, #tpu.memory_space<hbm>>
      %dma_start3A_353 = arith.constant 8192 : i32
      %dma_start3A_354 = tpu.memref_slice %arg5[%dma_start3A_353] : memref<65536xf32, #tpu.memory_space<vmem>> -> memref<8192xf32, #tpu.memory_space<vmem>>
      %dma_start3A_355 = tpu.memref_slice %arg3[%mul3A_30] : memref<524288xf32, #tpu.memory_space<hbm>> -> memref<8192xf32, #tpu.memory_space<hbm>>
      tpu.enqueue_dma source(%dma_start3A_355 : memref<8192xf32, #tpu.memory_space<hbm>>) target(%dma_start3A_354 : memref<8192xf32, #tpu.memory_space<vmem>>) target_semaphore(%run_scoped3A : memref<!tpu.dma_semaphore, #tpu.memory_space<semaphore_mem>>)
      %dma_wait3A_356 = arith.constant 8192 : i32
      %dma_wait3A_357 = tpu.memref_slice %arg5[%dma_wait3A_356] : memref<65536xf32, #tpu.memory_space<vmem>> -> memref<8192xf32, #tpu.memory_space<vmem>>
      %dma_wait3A_358 = tpu.memref_slice %arg3[%mul3A_30] : memref<524288xf32, #tpu.memory_space<hbm>> -> memref<8192xf32, #tpu.memory_space<hbm>>
      %dma_wait3A_359 = arith.constant 8192 : i32
      %dma_wait3A_360 = tpu.memref_slice %arg5[%dma_wait3A_359] : memref<65536xf32, #tpu.memory_space<vmem>> -> memref<8192xf32, #tpu.memory_space<vmem>>
      %dma_wait3A_361 = tpu.memref_slice %arg3[%mul3A_30] : memref<524288xf32, #tpu.memory_space<hbm>> -> memref<8192xf32, #tpu.memory_space<hbm>>
      tpu.wait_dma2 semaphore(%run_scoped3A : memref<!tpu.dma_semaphore, #tpu.memory_space<semaphore_mem>>) src(%dma_wait3A_361 : memref<8192xf32, #tpu.memory_space<hbm>>) dst(%dma_wait3A_360 : memref<8192xf32, #tpu.memory_space<vmem>>)
      tpu.yield
    }) : () -> ()
    %mul3A_31 = arith.constant 8 : i32
    %mul3A_32 = arith.muli %rem3A_1, %mul3A_31 : i32
    %add3A_33 = arith.constant 2 : i32
    %add3A_34 = arith.addi %mul3A_32, %add3A_33 : i32
    %mul3A_35 = arith.constant 8192 : i32
    %mul3A_36 = arith.muli %add3A_34, %mul3A_35 : i32
    "tpu.region"() ({
      %run_scoped3A = tpu.sem_alloc : memref<!tpu.dma_semaphore, #tpu.memory_space<semaphore_mem>>
      %dma_start3A_350 = arith.constant 16384 : i32
      %dma_start3A_351 = tpu.memref_slice %arg5[%dma_start3A_350] : memref<65536xf32, #tpu.memory_space<vmem>> -> memref<8192xf32, #tpu.memory_space<vmem>>
      %dma_start3A_352 = tpu.memref_slice %arg3[%mul3A_36] : memref<524288xf32, #tpu.memory_space<hbm>> -> memref<8192xf32, #tpu.memory_space<hbm>>
      %dma_start3A_353 = arith.constant 16384 : i32
      %dma_start3A_354 = tpu.memref_slice %arg5[%dma_start3A_353] : memref<65536xf32, #tpu.memory_space<vmem>> -> memref<8192xf32, #tpu.memory_space<vmem>>
      %dma_start3A_355 = tpu.memref_slice %arg3[%mul3A_36] : memref<524288xf32, #tpu.memory_space<hbm>> -> memref<8192xf32, #tpu.memory_space<hbm>>
      tpu.enqueue_dma source(%dma_start3A_355 : memref<8192xf32, #tpu.memory_space<hbm>>) target(%dma_start3A_354 : memref<8192xf32, #tpu.memory_space<vmem>>) target_semaphore(%run_scoped3A : memref<!tpu.dma_semaphore, #tpu.memory_space<semaphore_mem>>)
      %dma_wait3A_356 = arith.constant 16384 : i32
      %dma_wait3A_357 = tpu.memref_slice %arg5[%dma_wait3A_356] : memref<65536xf32, #tpu.memory_space<vmem>> -> memref<8192xf32, #tpu.memory_space<vmem>>
      %dma_wait3A_358 = tpu.memref_slice %arg3[%mul3A_36] : memref<524288xf32, #tpu.memory_space<hbm>> -> memref<8192xf32, #tpu.memory_space<hbm>>
      %dma_wait3A_359 = arith.constant 16384 : i32
      %dma_wait3A_360 = tpu.memref_slice %arg5[%dma_wait3A_359] : memref<65536xf32, #tpu.memory_space<vmem>> -> memref<8192xf32, #tpu.memory_space<vmem>>
      %dma_wait3A_361 = tpu.memref_slice %arg3[%mul3A_36] : memref<524288xf32, #tpu.memory_space<hbm>> -> memref<8192xf32, #tpu.memory_space<hbm>>
      tpu.wait_dma2 semaphore(%run_scoped3A : memref<!tpu.dma_semaphore, #tpu.memory_space<semaphore_mem>>) src(%dma_wait3A_361 : memref<8192xf32, #tpu.memory_space<hbm>>) dst(%dma_wait3A_360 : memref<8192xf32, #tpu.memory_space<vmem>>)
      tpu.yield
    }) : () -> ()
    %mul3A_37 = arith.constant 8 : i32
    %mul3A_38 = arith.muli %rem3A_1, %mul3A_37 : i32
    %add3A_39 = arith.constant 3 : i32
    %add3A_40 = arith.addi %mul3A_38, %add3A_39 : i32
    %mul3A_41 = arith.constant 8192 : i32
    %mul3A_42 = arith.muli %add3A_40, %mul3A_41 : i32
    "tpu.region"() ({
      %run_scoped3A = tpu.sem_alloc : memref<!tpu.dma_semaphore, #tpu.memory_space<semaphore_mem>>
      %dma_start3A_350 = arith.constant 24576 : i32
      %dma_start3A_351 = tpu.memref_slice %arg5[%dma_start3A_350] : memref<65536xf32, #tpu.memory_space<vmem>> -> memref<8192xf32, #tpu.memory_space<vmem>>
      %dma_start3A_352 = tpu.memref_slice %arg3[%mul3A_42] : memref<524288xf32, #tpu.memory_space<hbm>> -> memref<8192xf32, #tpu.memory_space<hbm>>
      %dma_start3A_353 = arith.constant 24576 : i32
      %dma_start3A_354 = tpu.memref_slice %arg5[%dma_start3A_353] : memref<65536xf32, #tpu.memory_space<vmem>> -> memref<8192xf32, #tpu.memory_space<vmem>>
      %dma_start3A_355 = tpu.memref_slice %arg3[%mul3A_42] : memref<524288xf32, #tpu.memory_space<hbm>> -> memref<8192xf32, #tpu.memory_space<hbm>>
      tpu.enqueue_dma source(%dma_start3A_355 : memref<8192xf32, #tpu.memory_space<hbm>>) target(%dma_start3A_354 : memref<8192xf32, #tpu.memory_space<vmem>>) target_semaphore(%run_scoped3A : memref<!tpu.dma_semaphore, #tpu.memory_space<semaphore_mem>>)
      %dma_wait3A_356 = arith.constant 24576 : i32
      %dma_wait3A_357 = tpu.memref_slice %arg5[%dma_wait3A_356] : memref<65536xf32, #tpu.memory_space<vmem>> -> memref<8192xf32, #tpu.memory_space<vmem>>
      %dma_wait3A_358 = tpu.memref_slice %arg3[%mul3A_42] : memref<524288xf32, #tpu.memory_space<hbm>> -> memref<8192xf32, #tpu.memory_space<hbm>>
      %dma_wait3A_359 = arith.constant 24576 : i32
      %dma_wait3A_360 = tpu.memref_slice %arg5[%dma_wait3A_359] : memref<65536xf32, #tpu.memory_space<vmem>> -> memref<8192xf32, #tpu.memory_space<vmem>>
      %dma_wait3A_361 = tpu.memref_slice %arg3[%mul3A_42] : memref<524288xf32, #tpu.memory_space<hbm>> -> memref<8192xf32, #tpu.memory_space<hbm>>
      tpu.wait_dma2 semaphore(%run_scoped3A : memref<!tpu.dma_semaphore, #tpu.memory_space<semaphore_mem>>) src(%dma_wait3A_361 : memref<8192xf32, #tpu.memory_space<hbm>>) dst(%dma_wait3A_360 : memref<8192xf32, #tpu.memory_space<vmem>>)
      tpu.yield
    }) : () -> ()
    %mul3A_43 = arith.constant 8 : i32
    %mul3A_44 = arith.muli %rem3A_1, %mul3A_43 : i32
    %add3A_45 = arith.constant 4 : i32
    %add3A_46 = arith.addi %mul3A_44, %add3A_45 : i32
    %mul3A_47 = arith.constant 8192 : i32
    %mul3A_48 = arith.muli %add3A_46, %mul3A_47 : i32
    "tpu.region"() ({
      %run_scoped3A = tpu.sem_alloc : memref<!tpu.dma_semaphore, #tpu.memory_space<semaphore_mem>>
      %dma_start3A_350 = arith.constant 32768 : i32
      %dma_start3A_351 = tpu.memref_slice %arg5[%dma_start3A_350] : memref<65536xf32, #tpu.memory_space<vmem>> -> memref<8192xf32, #tpu.memory_space<vmem>>
      %dma_start3A_352 = tpu.memref_slice %arg3[%mul3A_48] : memref<524288xf32, #tpu.memory_space<hbm>> -> memref<8192xf32, #tpu.memory_space<hbm>>
      %dma_start3A_353 = arith.constant 32768 : i32
      %dma_start3A_354 = tpu.memref_slice %arg5[%dma_start3A_353] : memref<65536xf32, #tpu.memory_space<vmem>> -> memref<8192xf32, #tpu.memory_space<vmem>>
      %dma_start3A_355 = tpu.memref_slice %arg3[%mul3A_48] : memref<524288xf32, #tpu.memory_space<hbm>> -> memref<8192xf32, #tpu.memory_space<hbm>>
      tpu.enqueue_dma source(%dma_start3A_355 : memref<8192xf32, #tpu.memory_space<hbm>>) target(%dma_start3A_354 : memref<8192xf32, #tpu.memory_space<vmem>>) target_semaphore(%run_scoped3A : memref<!tpu.dma_semaphore, #tpu.memory_space<semaphore_mem>>)
      %dma_wait3A_356 = arith.constant 32768 : i32
      %dma_wait3A_357 = tpu.memref_slice %arg5[%dma_wait3A_356] : memref<65536xf32, #tpu.memory_space<vmem>> -> memref<8192xf32, #tpu.memory_space<vmem>>
      %dma_wait3A_358 = tpu.memref_slice %arg3[%mul3A_48] : memref<524288xf32, #tpu.memory_space<hbm>> -> memref<8192xf32, #tpu.memory_space<hbm>>
      %dma_wait3A_359 = arith.constant 32768 : i32
      %dma_wait3A_360 = tpu.memref_slice %arg5[%dma_wait3A_359] : memref<65536xf32, #tpu.memory_space<vmem>> -> memref<8192xf32, #tpu.memory_space<vmem>>
      %dma_wait3A_361 = tpu.memref_slice %arg3[%mul3A_48] : memref<524288xf32, #tpu.memory_space<hbm>> -> memref<8192xf32, #tpu.memory_space<hbm>>
      tpu.wait_dma2 semaphore(%run_scoped3A : memref<!tpu.dma_semaphore, #tpu.memory_space<semaphore_mem>>) src(%dma_wait3A_361 : memref<8192xf32, #tpu.memory_space<hbm>>) dst(%dma_wait3A_360 : memref<8192xf32, #tpu.memory_space<vmem>>)
      tpu.yield
    }) : () -> ()
    %mul3A_49 = arith.constant 8 : i32
    %mul3A_50 = arith.muli %rem3A_1, %mul3A_49 : i32
    %add3A_51 = arith.constant 5 : i32
    %add3A_52 = arith.addi %mul3A_50, %add3A_51 : i32
    %mul3A_53 = arith.constant 8192 : i32
    %mul3A_54 = arith.muli %add3A_52, %mul3A_53 : i32
    "tpu.region"() ({
      %run_scoped3A = tpu.sem_alloc : memref<!tpu.dma_semaphore, #tpu.memory_space<semaphore_mem>>
      %dma_start3A_350 = arith.constant 40960 : i32
      %dma_start3A_351 = tpu.memref_slice %arg5[%dma_start3A_350] : memref<65536xf32, #tpu.memory_space<vmem>> -> memref<8192xf32, #tpu.memory_space<vmem>>
      %dma_start3A_352 = tpu.memref_slice %arg3[%mul3A_54] : memref<524288xf32, #tpu.memory_space<hbm>> -> memref<8192xf32, #tpu.memory_space<hbm>>
      %dma_start3A_353 = arith.constant 40960 : i32
      %dma_start3A_354 = tpu.memref_slice %arg5[%dma_start3A_353] : memref<65536xf32, #tpu.memory_space<vmem>> -> memref<8192xf32, #tpu.memory_space<vmem>>
      %dma_start3A_355 = tpu.memref_slice %arg3[%mul3A_54] : memref<524288xf32, #tpu.memory_space<hbm>> -> memref<8192xf32, #tpu.memory_space<hbm>>
      tpu.enqueue_dma source(%dma_start3A_355 : memref<8192xf32, #tpu.memory_space<hbm>>) target(%dma_start3A_354 : memref<8192xf32, #tpu.memory_space<vmem>>) target_semaphore(%run_scoped3A : memref<!tpu.dma_semaphore, #tpu.memory_space<semaphore_mem>>)
      %dma_wait3A_356 = arith.constant 40960 : i32
      %dma_wait3A_357 = tpu.memref_slice %arg5[%dma_wait3A_356] : memref<65536xf32, #tpu.memory_space<vmem>> -> memref<8192xf32, #tpu.memory_space<vmem>>
      %dma_wait3A_358 = tpu.memref_slice %arg3[%mul3A_54] : memref<524288xf32, #tpu.memory_space<hbm>> -> memref<8192xf32, #tpu.memory_space<hbm>>
      %dma_wait3A_359 = arith.constant 40960 : i32
      %dma_wait3A_360 = tpu.memref_slice %arg5[%dma_wait3A_359] : memref<65536xf32, #tpu.memory_space<vmem>> -> memref<8192xf32, #tpu.memory_space<vmem>>
      %dma_wait3A_361 = tpu.memref_slice %arg3[%mul3A_54] : memref<524288xf32, #tpu.memory_space<hbm>> -> memref<8192xf32, #tpu.memory_space<hbm>>
      tpu.wait_dma2 semaphore(%run_scoped3A : memref<!tpu.dma_semaphore, #tpu.memory_space<semaphore_mem>>) src(%dma_wait3A_361 : memref<8192xf32, #tpu.memory_space<hbm>>) dst(%dma_wait3A_360 : memref<8192xf32, #tpu.memory_space<vmem>>)
      tpu.yield
    }) : () -> ()
    %mul3A_55 = arith.constant 8 : i32
    %mul3A_56 = arith.muli %rem3A_1, %mul3A_55 : i32
    %add3A_57 = arith.constant 6 : i32
    %add3A_58 = arith.addi %mul3A_56, %add3A_57 : i32
    %mul3A_59 = arith.constant 8192 : i32
    %mul3A_60 = arith.muli %add3A_58, %mul3A_59 : i32
    "tpu.region"() ({
      %run_scoped3A = tpu.sem_alloc : memref<!tpu.dma_semaphore, #tpu.memory_space<semaphore_mem>>
      %dma_start3A_350 = arith.constant 49152 : i32
      %dma_start3A_351 = tpu.memref_slice %arg5[%dma_start3A_350] : memref<65536xf32, #tpu.memory_space<vmem>> -> memref<8192xf32, #tpu.memory_space<vmem>>
      %dma_start3A_352 = tpu.memref_slice %arg3[%mul3A_60] : memref<524288xf32, #tpu.memory_space<hbm>> -> memref<8192xf32, #tpu.memory_space<hbm>>
      %dma_start3A_353 = arith.constant 49152 : i32
      %dma_start3A_354 = tpu.memref_slice %arg5[%dma_start3A_353] : memref<65536xf32, #tpu.memory_space<vmem>> -> memref<8192xf32, #tpu.memory_space<vmem>>
      %dma_start3A_355 = tpu.memref_slice %arg3[%mul3A_60] : memref<524288xf32, #tpu.memory_space<hbm>> -> memref<8192xf32, #tpu.memory_space<hbm>>
      tpu.enqueue_dma source(%dma_start3A_355 : memref<8192xf32, #tpu.memory_space<hbm>>) target(%dma_start3A_354 : memref<8192xf32, #tpu.memory_space<vmem>>) target_semaphore(%run_scoped3A : memref<!tpu.dma_semaphore, #tpu.memory_space<semaphore_mem>>)
      %dma_wait3A_356 = arith.constant 49152 : i32
      %dma_wait3A_357 = tpu.memref_slice %arg5[%dma_wait3A_356] : memref<65536xf32, #tpu.memory_space<vmem>> -> memref<8192xf32, #tpu.memory_space<vmem>>
      %dma_wait3A_358 = tpu.memref_slice %arg3[%mul3A_60] : memref<524288xf32, #tpu.memory_space<hbm>> -> memref<8192xf32, #tpu.memory_space<hbm>>
      %dma_wait3A_359 = arith.constant 49152 : i32
      %dma_wait3A_360 = tpu.memref_slice %arg5[%dma_wait3A_359] : memref<65536xf32, #tpu.memory_space<vmem>> -> memref<8192xf32, #tpu.memory_space<vmem>>
      %dma_wait3A_361 = tpu.memref_slice %arg3[%mul3A_60] : memref<524288xf32, #tpu.memory_space<hbm>> -> memref<8192xf32, #tpu.memory_space<hbm>>
      tpu.wait_dma2 semaphore(%run_scoped3A : memref<!tpu.dma_semaphore, #tpu.memory_space<semaphore_mem>>) src(%dma_wait3A_361 : memref<8192xf32, #tpu.memory_space<hbm>>) dst(%dma_wait3A_360 : memref<8192xf32, #tpu.memory_space<vmem>>)
      tpu.yield
    }) : () -> ()
    %mul3A_61 = arith.constant 8 : i32
    %mul3A_62 = arith.muli %rem3A_1, %mul3A_61 : i32
    %add3A_63 = arith.constant 7 : i32
    %add3A_64 = arith.addi %mul3A_62, %add3A_63 : i32
    %mul3A_65 = arith.constant 8192 : i32
    %mul3A_66 = arith.muli %add3A_64, %mul3A_65 : i32
    "tpu.region"() ({
      %run_scoped3A = tpu.sem_alloc : memref<!tpu.dma_semaphore, #tpu.memory_space<semaphore_mem>>
      %dma_start3A_350 = arith.constant 57344 : i32
      %dma_start3A_351 = tpu.memref_slice %arg5[%dma_start3A_350] : memref<65536xf32, #tpu.memory_space<vmem>> -> memref<8192xf32, #tpu.memory_space<vmem>>
      %dma_start3A_352 = tpu.memref_slice %arg3[%mul3A_66] : memref<524288xf32, #tpu.memory_space<hbm>> -> memref<8192xf32, #tpu.memory_space<hbm>>
      %dma_start3A_353 = arith.constant 57344 : i32
      %dma_start3A_354 = tpu.memref_slice %arg5[%dma_start3A_353] : memref<65536xf32, #tpu.memory_space<vmem>> -> memref<8192xf32, #tpu.memory_space<vmem>>
      %dma_start3A_355 = tpu.memref_slice %arg3[%mul3A_66] : memref<524288xf32, #tpu.memory_space<hbm>> -> memref<8192xf32, #tpu.memory_space<hbm>>
      tpu.enqueue_dma source(%dma_start3A_355 : memref<8192xf32, #tpu.memory_space<hbm>>) target(%dma_start3A_354 : memref<8192xf32, #tpu.memory_space<vmem>>) target_semaphore(%run_scoped3A : memref<!tpu.dma_semaphore, #tpu.memory_space<semaphore_mem>>)
      %dma_wait3A_356 = arith.constant 57344 : i32
      %dma_wait3A_357 = tpu.memref_slice %arg5[%dma_wait3A_356] : memref<65536xf32, #tpu.memory_space<vmem>> -> memref<8192xf32, #tpu.memory_space<vmem>>
      %dma_wait3A_358 = tpu.memref_slice %arg3[%mul3A_66] : memref<524288xf32, #tpu.memory_space<hbm>> -> memref<8192xf32, #tpu.memory_space<hbm>>
      %dma_wait3A_359 = arith.constant 57344 : i32
      %dma_wait3A_360 = tpu.memref_slice %arg5[%dma_wait3A_359] : memref<65536xf32, #tpu.memory_space<vmem>> -> memref<8192xf32, #tpu.memory_space<vmem>>
      %dma_wait3A_361 = tpu.memref_slice %arg3[%mul3A_66] : memref<524288xf32, #tpu.memory_space<hbm>> -> memref<8192xf32, #tpu.memory_space<hbm>>
      tpu.wait_dma2 semaphore(%run_scoped3A : memref<!tpu.dma_semaphore, #tpu.memory_space<semaphore_mem>>) src(%dma_wait3A_361 : memref<8192xf32, #tpu.memory_space<hbm>>) dst(%dma_wait3A_360 : memref<8192xf32, #tpu.memory_space<vmem>>)
      tpu.yield
    }) : () -> ()
    %add3A_67 = arith.constant 0 : i32
    %add3A_68 = arith.addi %select_n3A, %add3A_67 : i32
    %jit3A_69 = arith.constant 16 : i32
    %div3A_70 = arith.divsi %add3A_68, %jit3A_69 : i32
    %sign3A_71 = arith.constant 0 : i32
    %sign3A_72 = arith.cmpi sgt, %add3A_68, %sign3A_71 : i32
    %sign3A_73 = arith.extui %sign3A_72 : i1 to i32
    %sign3A_74 = arith.constant 0 : i32
    %sign3A_75 = arith.cmpi slt, %add3A_68, %sign3A_74 : i32
    %sign3A_76 = arith.extui %sign3A_75 : i1 to i32
    %sign3A_77 = arith.subi %sign3A_73, %sign3A_76 : i32
    %sign3A_78 = arith.constant 0 : i32
    %sign3A_79 = arith.cmpi sgt, %jit3A_69, %sign3A_78 : i32
    %sign3A_80 = arith.extui %sign3A_79 : i1 to i32
    %sign3A_81 = arith.constant 0 : i32
    %sign3A_82 = arith.cmpi slt, %jit3A_69, %sign3A_81 : i32
    %sign3A_83 = arith.extui %sign3A_82 : i1 to i32
    %sign3A_84 = arith.subi %sign3A_80, %sign3A_83 : i32
    %ne3A_85 = arith.cmpi ne, %sign3A_77, %sign3A_84 : i32
    %rem3A_86 = arith.remsi %add3A_68, %jit3A_69 : i32
    %ne3A_87 = arith.constant 0 : i32
    %ne3A_88 = arith.cmpi ne, %rem3A_86, %ne3A_87 : i32
    %and3A_89 = arith.andi %ne3A_85, %ne3A_88 : i1
    %sub3A_90 = arith.constant 1 : i32
    %sub3A_91 = arith.subi %div3A_70, %sub3A_90 : i32
    %select_n3A_92 = arith.select %and3A_89, %sub3A_91, %div3A_70 : i32
    %rem3A_93 = arith.constant 16 : i32
    %rem3A_94 = arith.remsi %add3A_68, %rem3A_93 : i32
    %mul3A_95 = arith.constant 8 : i32
    %mul3A_96 = arith.muli %select_n3A_92, %mul3A_95 : i32
    %mul3A_97 = arith.constant 256 : i32
    %mul3A_98 = arith.muli %rem3A_94, %mul3A_97 : i32
    %dma_start3A = tpu.memref_slice %arg2[%mul3A_96, %mul3A_98] : memref<200x4096xi32, #tpu.memory_space<hbm>> -> memref<8x256xi32, #tpu.memory_space<hbm>>
    %dma_start3A_99 = tpu.memref_slice %arg2[%mul3A_96, %mul3A_98] : memref<200x4096xi32, #tpu.memory_space<hbm>> -> memref<8x256xi32, #tpu.memory_space<hbm>>
    tpu.enqueue_dma source(%dma_start3A_99 : memref<8x256xi32, #tpu.memory_space<hbm>>) target(%arg6 : memref<8x256xi32, #tpu.memory_space<vmem>>) target_semaphore(%arg10 : memref<!tpu.dma_semaphore, #tpu.memory_space<semaphore_mem>>)
    %add3A_100 = arith.constant 4 : i32
    %add3A_101 = arith.addi %select_n3A, %add3A_100 : i32
    %jit3A_102 = arith.constant 16 : i32
    %div3A_103 = arith.divsi %add3A_101, %jit3A_102 : i32
    %sign3A_104 = arith.constant 0 : i32
    %sign3A_105 = arith.cmpi sgt, %add3A_101, %sign3A_104 : i32
    %sign3A_106 = arith.extui %sign3A_105 : i1 to i32
    %sign3A_107 = arith.constant 0 : i32
    %sign3A_108 = arith.cmpi slt, %add3A_101, %sign3A_107 : i32
    %sign3A_109 = arith.extui %sign3A_108 : i1 to i32
    %sign3A_110 = arith.subi %sign3A_106, %sign3A_109 : i32
    %sign3A_111 = arith.constant 0 : i32
    %sign3A_112 = arith.cmpi sgt, %jit3A_102, %sign3A_111 : i32
    %sign3A_113 = arith.extui %sign3A_112 : i1 to i32
    %sign3A_114 = arith.constant 0 : i32
    %sign3A_115 = arith.cmpi slt, %jit3A_102, %sign3A_114 : i32
    %sign3A_116 = arith.extui %sign3A_115 : i1 to i32
    %sign3A_117 = arith.subi %sign3A_113, %sign3A_116 : i32
    %ne3A_118 = arith.cmpi ne, %sign3A_110, %sign3A_117 : i32
    %rem3A_119 = arith.remsi %add3A_101, %jit3A_102 : i32
    %ne3A_120 = arith.constant 0 : i32
    %ne3A_121 = arith.cmpi ne, %rem3A_119, %ne3A_120 : i32
    %and3A_122 = arith.andi %ne3A_118, %ne3A_121 : i1
    %sub3A_123 = arith.constant 1 : i32
    %sub3A_124 = arith.subi %div3A_103, %sub3A_123 : i32
    %select_n3A_125 = arith.select %and3A_122, %sub3A_124, %div3A_103 : i32
    %rem3A_126 = arith.constant 16 : i32
    %rem3A_127 = arith.remsi %add3A_101, %rem3A_126 : i32
    %mul3A_128 = arith.constant 8 : i32
    %mul3A_129 = arith.muli %select_n3A_125, %mul3A_128 : i32
    %mul3A_130 = arith.constant 256 : i32
    %mul3A_131 = arith.muli %rem3A_127, %mul3A_130 : i32
    %dma_start3A_132 = tpu.memref_slice %arg2[%mul3A_129, %mul3A_131] : memref<200x4096xi32, #tpu.memory_space<hbm>> -> memref<8x256xi32, #tpu.memory_space<hbm>>
    %dma_start3A_133 = tpu.memref_slice %arg2[%mul3A_129, %mul3A_131] : memref<200x4096xi32, #tpu.memory_space<hbm>> -> memref<8x256xi32, #tpu.memory_space<hbm>>
    tpu.enqueue_dma source(%dma_start3A_133 : memref<8x256xi32, #tpu.memory_space<hbm>>) target(%arg7 : memref<8x256xi32, #tpu.memory_space<vmem>>) target_semaphore(%arg11 : memref<!tpu.dma_semaphore, #tpu.memory_space<semaphore_mem>>)
    %scan3A = arith.constant 0 : i32
    %scan3A_134 = arith.constant 0 : i32
    %scan3A_135 = arith.constant 50 : i32
    %scan3A_136 = arith.addi %scan3A_134, %scan3A_135 : i32
    %scan3A_137 = arith.constant 1 : i32
    scf.for %scan3A_350 = %scan3A_134 to %scan3A_136 step %scan3A_137  : i32 {
      %mul3A_351 = arith.constant 2 : i32
      %mul3A_352 = arith.muli %mul3A_351, %scan3A_350 : i32
      %mul3A_353 = arith.constant 4 : i32
      %mul3A_354 = arith.muli %mul3A_353, %mul3A_352 : i32
      %add3A_355 = arith.addi %select_n3A, %mul3A_354 : i32
      %jit3A_356 = arith.constant 16 : i32
      %div3A_357 = arith.divsi %add3A_355, %jit3A_356 : i32
      %sign3A_358 = arith.constant 0 : i32
      %sign3A_359 = arith.cmpi sgt, %add3A_355, %sign3A_358 : i32
      %sign3A_360 = arith.extui %sign3A_359 : i1 to i32
      %sign3A_361 = arith.constant 0 : i32
      %sign3A_362 = arith.cmpi slt, %add3A_355, %sign3A_361 : i32
      %sign3A_363 = arith.extui %sign3A_362 : i1 to i32
      %sign3A_364 = arith.subi %sign3A_360, %sign3A_363 : i32
      %sign3A_365 = arith.constant 0 : i32
      %sign3A_366 = arith.cmpi sgt, %jit3A_356, %sign3A_365 : i32
      %sign3A_367 = arith.extui %sign3A_366 : i1 to i32
      %sign3A_368 = arith.constant 0 : i32
      %sign3A_369 = arith.cmpi slt, %jit3A_356, %sign3A_368 : i32
      %sign3A_370 = arith.extui %sign3A_369 : i1 to i32
      %sign3A_371 = arith.subi %sign3A_367, %sign3A_370 : i32
      %ne3A_372 = arith.cmpi ne, %sign3A_364, %sign3A_371 : i32
      %rem3A_373 = arith.remsi %add3A_355, %jit3A_356 : i32
      %ne3A_374 = arith.constant 0 : i32
      %ne3A_375 = arith.cmpi ne, %rem3A_373, %ne3A_374 : i32
      %and3A_376 = arith.andi %ne3A_372, %ne3A_375 : i1
      %sub3A_377 = arith.constant 1 : i32
      %sub3A_378 = arith.subi %div3A_357, %sub3A_377 : i32
      %select_n3A_379 = arith.select %and3A_376, %sub3A_378, %div3A_357 : i32
      %rem3A_380 = arith.constant 16 : i32
      %rem3A_381 = arith.remsi %add3A_355, %rem3A_380 : i32
      %mul3A_382 = arith.constant 8 : i32
      %mul3A_383 = arith.muli %select_n3A_379, %mul3A_382 : i32
      %mul3A_384 = arith.constant 256 : i32
      %mul3A_385 = arith.muli %rem3A_381, %mul3A_384 : i32
      %dma_wait3A_386 = tpu.memref_slice %arg2[%mul3A_383, %mul3A_385] : memref<200x4096xi32, #tpu.memory_space<hbm>> -> memref<8x256xi32, #tpu.memory_space<hbm>>
      %dma_wait3A_387 = tpu.memref_slice %arg2[%mul3A_383, %mul3A_385] : memref<200x4096xi32, #tpu.memory_space<hbm>> -> memref<8x256xi32, #tpu.memory_space<hbm>>
      tpu.wait_dma2 semaphore(%arg10 : memref<!tpu.dma_semaphore, #tpu.memory_space<semaphore_mem>>) src(%dma_wait3A_387 : memref<8x256xi32, #tpu.memory_space<hbm>>) dst(%arg6 : memref<8x256xi32, #tpu.memory_space<vmem>>)
      %ge3A = arith.constant 2 : i32
      %ge3A_388 = arith.cmpi sge, %mul3A_352, %ge3A : i32
      %convert_element_type3A = arith.extui %ge3A_388 : i1 to i32
      %cond3A = arith.constant 0 : i32
      %cond3A_389 = arith.cmpi ne, %convert_element_type3A, %cond3A : i32
      scf.if %cond3A_389 {
        %add3A_668 = arith.constant 0 : i32
        %add3A_669 = arith.addi %select_n3A, %add3A_668 : i32
        %jit3A_670 = arith.constant 16 : i32
        %div3A_671 = arith.divsi %add3A_669, %jit3A_670 : i32
        %sign3A_672 = arith.constant 0 : i32
        %sign3A_673 = arith.cmpi sgt, %add3A_669, %sign3A_672 : i32
        %sign3A_674 = arith.extui %sign3A_673 : i1 to i32
        %sign3A_675 = arith.constant 0 : i32
        %sign3A_676 = arith.cmpi slt, %add3A_669, %sign3A_675 : i32
        %sign3A_677 = arith.extui %sign3A_676 : i1 to i32
        %sign3A_678 = arith.subi %sign3A_674, %sign3A_677 : i32
        %sign3A_679 = arith.constant 0 : i32
        %sign3A_680 = arith.cmpi sgt, %jit3A_670, %sign3A_679 : i32
        %sign3A_681 = arith.extui %sign3A_680 : i1 to i32
        %sign3A_682 = arith.constant 0 : i32
        %sign3A_683 = arith.cmpi slt, %jit3A_670, %sign3A_682 : i32
        %sign3A_684 = arith.extui %sign3A_683 : i1 to i32
        %sign3A_685 = arith.subi %sign3A_681, %sign3A_684 : i32
        %ne3A_686 = arith.cmpi ne, %sign3A_678, %sign3A_685 : i32
        %rem3A_687 = arith.remsi %add3A_669, %jit3A_670 : i32
        %ne3A_688 = arith.constant 0 : i32
        %ne3A_689 = arith.cmpi ne, %rem3A_687, %ne3A_688 : i32
        %and3A_690 = arith.andi %ne3A_686, %ne3A_689 : i1
        %sub3A_691 = arith.constant 1 : i32
        %sub3A_692 = arith.subi %div3A_671, %sub3A_691 : i32
        %select_n3A_693 = arith.select %and3A_690, %sub3A_692, %div3A_671 : i32
        %rem3A_694 = arith.constant 16 : i32
        %rem3A_695 = arith.remsi %add3A_669, %rem3A_694 : i32
        %mul3A_696 = arith.constant 8 : i32
        %mul3A_697 = arith.muli %select_n3A_693, %mul3A_696 : i32
        %mul3A_698 = arith.constant 2 : i32
        %mul3A_699 = arith.muli %rem3A_695, %mul3A_698 : i32
        %add3A_700 = arith.constant 0 : i32
        %add3A_701 = arith.addi %mul3A_699, %add3A_700 : i32
        %dma_wait3A_702 = arith.constant 0 : i32
        %dma_wait3A_703 = arith.constant 0 : i32
        %dma_wait3A_704 = arith.constant 0 : i32
        %dma_wait3A_705 = arith.constant 0 : i32
        %dma_wait3A_706 = tpu.memref_slice %arg8[%dma_wait3A_702, %dma_wait3A_703, %dma_wait3A_704, %dma_wait3A_705] : memref<2x8x8x128xf32, #tpu.memory_space<vmem>> -> memref<1x8x8x128xf32, #tpu.memory_space<vmem>>
        %dma_wait3A_707 = tpu.memref_squeeze %dma_wait3A_706 : memref<1x8x8x128xf32, #tpu.memory_space<vmem>> -> memref<8x8x128xf32, #tpu.memory_space<vmem>>
        %dma_wait3A_708 = arith.constant 0 : i32
        %dma_wait3A_709 = arith.constant 0 : i32
        %dma_wait3A_710 = tpu.memref_slice %arg4[%mul3A_697, %rem3A_1, %add3A_701, %dma_wait3A_708, %dma_wait3A_709] : memref<200x8x32x8x128xf32, #tpu.memory_space<hbm>> -> memref<8x1x1x8x128xf32, #tpu.memory_space<hbm>>
        %dma_wait3A_711 = tpu.memref_squeeze %dma_wait3A_710 : memref<8x1x1x8x128xf32, #tpu.memory_space<hbm>> -> memref<8x8x128xf32, #tpu.memory_space<hbm>>
        %dma_wait3A_712 = arith.constant 0 : i32
        %dma_wait3A_713 = arith.constant 0 : i32
        %dma_wait3A_714 = tpu.memref_slice %arg4[%mul3A_697, %rem3A_1, %add3A_701, %dma_wait3A_712, %dma_wait3A_713] : memref<200x8x32x8x128xf32, #tpu.memory_space<hbm>> -> memref<8x1x1x8x128xf32, #tpu.memory_space<hbm>>
        %dma_wait3A_715 = tpu.memref_squeeze %dma_wait3A_714 : memref<8x1x1x8x128xf32, #tpu.memory_space<hbm>> -> memref<8x8x128xf32, #tpu.memory_space<hbm>>
        %dma_wait3A_716 = arith.constant 0 : i32
        %dma_wait3A_717 = arith.constant 0 : i32
        %dma_wait3A_718 = arith.constant 0 : i32
        %dma_wait3A_719 = tpu.memref_slice %arg8[%dma_wait3A_702, %dma_wait3A_716, %dma_wait3A_717, %dma_wait3A_718] : memref<2x8x8x128xf32, #tpu.memory_space<vmem>> -> memref<1x8x8x128xf32, #tpu.memory_space<vmem>>
        %dma_wait3A_720 = tpu.memref_squeeze %dma_wait3A_719 : memref<1x8x8x128xf32, #tpu.memory_space<vmem>> -> memref<8x8x128xf32, #tpu.memory_space<vmem>>
        tpu.wait_dma2 semaphore(%arg12 : memref<!tpu.dma_semaphore, #tpu.memory_space<semaphore_mem>>) src(%dma_wait3A_720 : memref<8x8x128xf32, #tpu.memory_space<vmem>>) dst(%dma_wait3A_715 : memref<8x8x128xf32, #tpu.memory_space<hbm>>)
        %add3A_721 = arith.constant 0 : i32
        %add3A_722 = arith.addi %select_n3A, %add3A_721 : i32
        %jit3A_723 = arith.constant 16 : i32
        %div3A_724 = arith.divsi %add3A_722, %jit3A_723 : i32
        %sign3A_725 = arith.constant 0 : i32
        %sign3A_726 = arith.cmpi sgt, %add3A_722, %sign3A_725 : i32
        %sign3A_727 = arith.extui %sign3A_726 : i1 to i32
        %sign3A_728 = arith.constant 0 : i32
        %sign3A_729 = arith.cmpi slt, %add3A_722, %sign3A_728 : i32
        %sign3A_730 = arith.extui %sign3A_729 : i1 to i32
        %sign3A_731 = arith.subi %sign3A_727, %sign3A_730 : i32
        %sign3A_732 = arith.constant 0 : i32
        %sign3A_733 = arith.cmpi sgt, %jit3A_723, %sign3A_732 : i32
        %sign3A_734 = arith.extui %sign3A_733 : i1 to i32
        %sign3A_735 = arith.constant 0 : i32
        %sign3A_736 = arith.cmpi slt, %jit3A_723, %sign3A_735 : i32
        %sign3A_737 = arith.extui %sign3A_736 : i1 to i32
        %sign3A_738 = arith.subi %sign3A_734, %sign3A_737 : i32
        %ne3A_739 = arith.cmpi ne, %sign3A_731, %sign3A_738 : i32
        %rem3A_740 = arith.remsi %add3A_722, %jit3A_723 : i32
        %ne3A_741 = arith.constant 0 : i32
        %ne3A_742 = arith.cmpi ne, %rem3A_740, %ne3A_741 : i32
        %and3A_743 = arith.andi %ne3A_739, %ne3A_742 : i1
        %sub3A_744 = arith.constant 1 : i32
        %sub3A_745 = arith.subi %div3A_724, %sub3A_744 : i32
        %select_n3A_746 = arith.select %and3A_743, %sub3A_745, %div3A_724 : i32
        %rem3A_747 = arith.constant 16 : i32
        %rem3A_748 = arith.remsi %add3A_722, %rem3A_747 : i32
        %mul3A_749 = arith.constant 8 : i32
        %mul3A_750 = arith.muli %select_n3A_746, %mul3A_749 : i32
        %mul3A_751 = arith.constant 2 : i32
        %mul3A_752 = arith.muli %rem3A_748, %mul3A_751 : i32
        %add3A_753 = arith.constant 0 : i32
        %add3A_754 = arith.addi %mul3A_752, %add3A_753 : i32
        %dma_wait3A_755 = arith.constant 0 : i32
        %dma_wait3A_756 = arith.constant 0 : i32
        %dma_wait3A_757 = arith.constant 0 : i32
        %dma_wait3A_758 = arith.constant 0 : i32
        %dma_wait3A_759 = tpu.memref_slice %arg8[%dma_wait3A_755, %dma_wait3A_756, %dma_wait3A_757, %dma_wait3A_758] : memref<2x8x8x128xf32, #tpu.memory_space<vmem>> -> memref<1x8x8x128xf32, #tpu.memory_space<vmem>>
        %dma_wait3A_760 = tpu.memref_squeeze %dma_wait3A_759 : memref<1x8x8x128xf32, #tpu.memory_space<vmem>> -> memref<8x8x128xf32, #tpu.memory_space<vmem>>
        %dma_wait3A_761 = arith.constant 0 : i32
        %dma_wait3A_762 = arith.constant 0 : i32
        %dma_wait3A_763 = tpu.memref_slice %arg4[%mul3A_750, %rem3A_1, %add3A_754, %dma_wait3A_761, %dma_wait3A_762] : memref<200x8x32x8x128xf32, #tpu.memory_space<hbm>> -> memref<8x1x1x8x128xf32, #tpu.memory_space<hbm>>
        %dma_wait3A_764 = tpu.memref_squeeze %dma_wait3A_763 : memref<8x1x1x8x128xf32, #tpu.memory_space<hbm>> -> memref<8x8x128xf32, #tpu.memory_space<hbm>>
        %dma_wait3A_765 = arith.constant 0 : i32
        %dma_wait3A_766 = arith.constant 0 : i32
        %dma_wait3A_767 = tpu.memref_slice %arg4[%mul3A_750, %rem3A_1, %add3A_754, %dma_wait3A_765, %dma_wait3A_766] : memref<200x8x32x8x128xf32, #tpu.memory_space<hbm>> -> memref<8x1x1x8x128xf32, #tpu.memory_space<hbm>>
        %dma_wait3A_768 = tpu.memref_squeeze %dma_wait3A_767 : memref<8x1x1x8x128xf32, #tpu.memory_space<hbm>> -> memref<8x8x128xf32, #tpu.memory_space<hbm>>
        %dma_wait3A_769 = arith.constant 0 : i32
        %dma_wait3A_770 = arith.constant 0 : i32
        %dma_wait3A_771 = arith.constant 0 : i32
        %dma_wait3A_772 = tpu.memref_slice %arg8[%dma_wait3A_755, %dma_wait3A_769, %dma_wait3A_770, %dma_wait3A_771] : memref<2x8x8x128xf32, #tpu.memory_space<vmem>> -> memref<1x8x8x128xf32, #tpu.memory_space<vmem>>
        %dma_wait3A_773 = tpu.memref_squeeze %dma_wait3A_772 : memref<1x8x8x128xf32, #tpu.memory_space<vmem>> -> memref<8x8x128xf32, #tpu.memory_space<vmem>>
        tpu.wait_dma2 semaphore(%arg12 : memref<!tpu.dma_semaphore, #tpu.memory_space<semaphore_mem>>) src(%dma_wait3A_773 : memref<8x8x128xf32, #tpu.memory_space<vmem>>) dst(%dma_wait3A_768 : memref<8x8x128xf32, #tpu.memory_space<hbm>>)
      } else {
      }
      %parallel_loop3A = arith.constant 0 : i32
      %parallel_loop3A_390 = arith.constant 128 : i32
      %parallel_loop3A_391 = arith.constant 1 : i32
      scf.for %parallel_loop3A_668 = %parallel_loop3A to %parallel_loop3A_390 step %parallel_loop3A_391  : i32 {
        %parallel_loop3A_669 = arith.constant 16 : i32
        %parallel_loop3A_670 = arith.divsi %parallel_loop3A_668, %parallel_loop3A_669 : i32
        %parallel_loop3A_671 = arith.constant 0 : i32
        %parallel_loop3A_672 = arith.cmpi sgt, %parallel_loop3A_668, %parallel_loop3A_671 : i32
        %parallel_loop3A_673 = arith.extui %parallel_loop3A_672 : i1 to i32
        %parallel_loop3A_674 = arith.constant 0 : i32
        %parallel_loop3A_675 = arith.cmpi slt, %parallel_loop3A_668, %parallel_loop3A_674 : i32
        %parallel_loop3A_676 = arith.extui %parallel_loop3A_675 : i1 to i32
        %parallel_loop3A_677 = arith.subi %parallel_loop3A_673, %parallel_loop3A_676 : i32
        %parallel_loop3A_678 = arith.constant 0 : i32
        %parallel_loop3A_679 = arith.cmpi sgt, %parallel_loop3A_669, %parallel_loop3A_678 : i32
        %parallel_loop3A_680 = arith.extui %parallel_loop3A_679 : i1 to i32
        %parallel_loop3A_681 = arith.constant 0 : i32
        %parallel_loop3A_682 = arith.cmpi slt, %parallel_loop3A_669, %parallel_loop3A_681 : i32
        %parallel_loop3A_683 = arith.extui %parallel_loop3A_682 : i1 to i32
        %parallel_loop3A_684 = arith.subi %parallel_loop3A_680, %parallel_loop3A_683 : i32
        %parallel_loop3A_685 = arith.cmpi ne, %parallel_loop3A_677, %parallel_loop3A_684 : i32
        %parallel_loop3A_686 = arith.remsi %parallel_loop3A_668, %parallel_loop3A_669 : i32
        %parallel_loop3A_687 = arith.constant 0 : i32
        %parallel_loop3A_688 = arith.cmpi ne, %parallel_loop3A_686, %parallel_loop3A_687 : i32
        %parallel_loop3A_689 = arith.andi %parallel_loop3A_685, %parallel_loop3A_688 : i1
        %parallel_loop3A_690 = arith.constant 1 : i32
        %parallel_loop3A_691 = arith.subi %parallel_loop3A_670, %parallel_loop3A_690 : i32
        %parallel_loop3A_692 = arith.select %parallel_loop3A_689, %parallel_loop3A_691, %parallel_loop3A_670 : i32
        %parallel_loop3A_693 = arith.constant 16 : i32
        %parallel_loop3A_694 = arith.remsi %parallel_loop3A_668, %parallel_loop3A_693 : i32
        %parallel_loop3A_695 = arith.constant 8 : i32
        %parallel_loop3A_696 = arith.divsi %parallel_loop3A_694, %parallel_loop3A_695 : i32
        %parallel_loop3A_697 = arith.constant 0 : i32
        %parallel_loop3A_698 = arith.cmpi sgt, %parallel_loop3A_694, %parallel_loop3A_697 : i32
        %parallel_loop3A_699 = arith.extui %parallel_loop3A_698 : i1 to i32
        %parallel_loop3A_700 = arith.constant 0 : i32
        %parallel_loop3A_701 = arith.cmpi slt, %parallel_loop3A_694, %parallel_loop3A_700 : i32
        %parallel_loop3A_702 = arith.extui %parallel_loop3A_701 : i1 to i32
        %parallel_loop3A_703 = arith.subi %parallel_loop3A_699, %parallel_loop3A_702 : i32
        %parallel_loop3A_704 = arith.constant 0 : i32
        %parallel_loop3A_705 = arith.cmpi sgt, %parallel_loop3A_695, %parallel_loop3A_704 : i32
        %parallel_loop3A_706 = arith.extui %parallel_loop3A_705 : i1 to i32
        %parallel_loop3A_707 = arith.constant 0 : i32
        %parallel_loop3A_708 = arith.cmpi slt, %parallel_loop3A_695, %parallel_loop3A_707 : i32
        %parallel_loop3A_709 = arith.extui %parallel_loop3A_708 : i1 to i32
        %parallel_loop3A_710 = arith.subi %parallel_loop3A_706, %parallel_loop3A_709 : i32
        %parallel_loop3A_711 = arith.cmpi ne, %parallel_loop3A_703, %parallel_loop3A_710 : i32
        %parallel_loop3A_712 = arith.remsi %parallel_loop3A_694, %parallel_loop3A_695 : i32
        %parallel_loop3A_713 = arith.constant 0 : i32
        %parallel_loop3A_714 = arith.cmpi ne, %parallel_loop3A_712, %parallel_loop3A_713 : i32
        %parallel_loop3A_715 = arith.andi %parallel_loop3A_711, %parallel_loop3A_714 : i1
        %parallel_loop3A_716 = arith.constant 1 : i32
        %parallel_loop3A_717 = arith.subi %parallel_loop3A_696, %parallel_loop3A_716 : i32
        %parallel_loop3A_718 = arith.select %parallel_loop3A_715, %parallel_loop3A_717, %parallel_loop3A_696 : i32
        %parallel_loop3A_719 = arith.constant 8 : i32
        %parallel_loop3A_720 = arith.remsi %parallel_loop3A_694, %parallel_loop3A_719 : i32
        %parallel_loop3A_721 = arith.constant 16 : i32
        %parallel_loop3A_722 = arith.muli %parallel_loop3A_720, %parallel_loop3A_721 : i32
        %parallel_loop3A_723 = arith.constant 16 : i32
        %parallel_loop3A_724 = arith.muli %parallel_loop3A_694, %parallel_loop3A_723 : i32
        %parallel_loop3A_725 = arith.index_cast %parallel_loop3A_692 : i32 to index
        %parallel_loop3A_726 = arith.index_cast %parallel_loop3A_724 : i32 to index
        %parallel_loop3A_727 = tpu.vector_load %arg6[%parallel_loop3A_725, %parallel_loop3A_726] {strides = array<i32>} : memref<8x256xi32, #tpu.memory_space<vmem>>, vector<16xi32>,
        %parallel_loop3A_728 = arith.constant 0 : i32
        %parallel_loop3A_729 = tpu.memref_slice %arg5[%parallel_loop3A_728] : memref<65536xf32, #tpu.memory_space<vmem>> -> memref<8192xf32, #tpu.memory_space<vmem>>
        %parallel_loop3A_730 = tpu.vector_load_idx %parallel_loop3A_729[%parallel_loop3A_727] : memref<8192xf32, #tpu.memory_space<vmem>>[vector<16xi32>], vector<16xf32>,
        %parallel_loop3A_731 = arith.constant 0 : i32
        %parallel_loop3A_732 = arith.index_cast %parallel_loop3A_718 : i32 to index
        %parallel_loop3A_733 = arith.index_cast %parallel_loop3A_692 : i32 to index
        %parallel_loop3A_734 = arith.index_cast %parallel_loop3A_731 : i32 to index
        %parallel_loop3A_735 = arith.index_cast %parallel_loop3A_722 : i32 to index
        %parallel_loop3A_736 = tpu.vector_load %arg8[%parallel_loop3A_732, %parallel_loop3A_733, %parallel_loop3A_734, %parallel_loop3A_735] {strides = array<i32>} : memref<2x8x8x128xf32, #tpu.memory_space<vmem>>, vector<16xf32>,
        tpu.vector_store %arg8[%parallel_loop3A_732, %parallel_loop3A_733, %parallel_loop3A_734, %parallel_loop3A_735], %parallel_loop3A_730 {strides = array<i32>} : memref<2x8x8x128xf32, #tpu.memory_space<vmem>>, vector<16xf32>,
        %parallel_loop3A_737 = arith.constant 8192 : i32
        %parallel_loop3A_738 = tpu.memref_slice %arg5[%parallel_loop3A_737] : memref<65536xf32, #tpu.memory_space<vmem>> -> memref<8192xf32, #tpu.memory_space<vmem>>
        %parallel_loop3A_739 = tpu.vector_load_idx %parallel_loop3A_738[%parallel_loop3A_727] : memref<8192xf32, #tpu.memory_space<vmem>>[vector<16xi32>], vector<16xf32>,
        %parallel_loop3A_740 = arith.constant 1 : i32
        %parallel_loop3A_741 = arith.index_cast %parallel_loop3A_718 : i32 to index
        %parallel_loop3A_742 = arith.index_cast %parallel_loop3A_692 : i32 to index
        %parallel_loop3A_743 = arith.index_cast %parallel_loop3A_740 : i32 to index
        %parallel_loop3A_744 = arith.index_cast %parallel_loop3A_722 : i32 to index
        %parallel_loop3A_745 = tpu.vector_load %arg8[%parallel_loop3A_741, %parallel_loop3A_742, %parallel_loop3A_743, %parallel_loop3A_744] {strides = array<i32>} : memref<2x8x8x128xf32, #tpu.memory_space<vmem>>, vector<16xf32>,
        tpu.vector_store %arg8[%parallel_loop3A_741, %parallel_loop3A_742, %parallel_loop3A_743, %parallel_loop3A_744], %parallel_loop3A_739 {strides = array<i32>} : memref<2x8x8x128xf32, #tpu.memory_space<vmem>>, vector<16xf32>,
        %parallel_loop3A_746 = arith.constant 16384 : i32
        %parallel_loop3A_747 = tpu.memref_slice %arg5[%parallel_loop3A_746] : memref<65536xf32, #tpu.memory_space<vmem>> -> memref<8192xf32, #tpu.memory_space<vmem>>
        %parallel_loop3A_748 = tpu.vector_load_idx %parallel_loop3A_747[%parallel_loop3A_727] : memref<8192xf32, #tpu.memory_space<vmem>>[vector<16xi32>], vector<16xf32>,
        %parallel_loop3A_749 = arith.constant 2 : i32
        %parallel_loop3A_750 = arith.index_cast %parallel_loop3A_718 : i32 to index
        %parallel_loop3A_751 = arith.index_cast %parallel_loop3A_692 : i32 to index
        %parallel_loop3A_752 = arith.index_cast %parallel_loop3A_749 : i32 to index
        %parallel_loop3A_753 = arith.index_cast %parallel_loop3A_722 : i32 to index
        %parallel_loop3A_754 = tpu.vector_load %arg8[%parallel_loop3A_750, %parallel_loop3A_751, %parallel_loop3A_752, %parallel_loop3A_753] {strides = array<i32>} : memref<2x8x8x128xf32, #tpu.memory_space<vmem>>, vector<16xf32>,
        tpu.vector_store %arg8[%parallel_loop3A_750, %parallel_loop3A_751, %parallel_loop3A_752, %parallel_loop3A_753], %parallel_loop3A_748 {strides = array<i32>} : memref<2x8x8x128xf32, #tpu.memory_space<vmem>>, vector<16xf32>,
        %parallel_loop3A_755 = arith.constant 24576 : i32
        %parallel_loop3A_756 = tpu.memref_slice %arg5[%parallel_loop3A_755] : memref<65536xf32, #tpu.memory_space<vmem>> -> memref<8192xf32, #tpu.memory_space<vmem>>
        %parallel_loop3A_757 = tpu.vector_load_idx %parallel_loop3A_756[%parallel_loop3A_727] : memref<8192xf32, #tpu.memory_space<vmem>>[vector<16xi32>], vector<16xf32>,
        %parallel_loop3A_758 = arith.constant 3 : i32
        %parallel_loop3A_759 = arith.index_cast %parallel_loop3A_718 : i32 to index
        %parallel_loop3A_760 = arith.index_cast %parallel_loop3A_692 : i32 to index
        %parallel_loop3A_761 = arith.index_cast %parallel_loop3A_758 : i32 to index
        %parallel_loop3A_762 = arith.index_cast %parallel_loop3A_722 : i32 to index
        %parallel_loop3A_763 = tpu.vector_load %arg8[%parallel_loop3A_759, %parallel_loop3A_760, %parallel_loop3A_761, %parallel_loop3A_762] {strides = array<i32>} : memref<2x8x8x128xf32, #tpu.memory_space<vmem>>, vector<16xf32>,
        tpu.vector_store %arg8[%parallel_loop3A_759, %parallel_loop3A_760, %parallel_loop3A_761, %parallel_loop3A_762], %parallel_loop3A_757 {strides = array<i32>} : memref<2x8x8x128xf32, #tpu.memory_space<vmem>>, vector<16xf32>,
        %parallel_loop3A_764 = arith.constant 32768 : i32
        %parallel_loop3A_765 = tpu.memref_slice %arg5[%parallel_loop3A_764] : memref<65536xf32, #tpu.memory_space<vmem>> -> memref<8192xf32, #tpu.memory_space<vmem>>
        %parallel_loop3A_766 = tpu.vector_load_idx %parallel_loop3A_765[%parallel_loop3A_727] : memref<8192xf32, #tpu.memory_space<vmem>>[vector<16xi32>], vector<16xf32>,
        %parallel_loop3A_767 = arith.constant 4 : i32
        %parallel_loop3A_768 = arith.index_cast %parallel_loop3A_718 : i32 to index
        %parallel_loop3A_769 = arith.index_cast %parallel_loop3A_692 : i32 to index
        %parallel_loop3A_770 = arith.index_cast %parallel_loop3A_767 : i32 to index
        %parallel_loop3A_771 = arith.index_cast %parallel_loop3A_722 : i32 to index
        %parallel_loop3A_772 = tpu.vector_load %arg8[%parallel_loop3A_768, %parallel_loop3A_769, %parallel_loop3A_770, %parallel_loop3A_771] {strides = array<i32>} : memref<2x8x8x128xf32, #tpu.memory_space<vmem>>, vector<16xf32>,
        tpu.vector_store %arg8[%parallel_loop3A_768, %parallel_loop3A_769, %parallel_loop3A_770, %parallel_loop3A_771], %parallel_loop3A_766 {strides = array<i32>} : memref<2x8x8x128xf32, #tpu.memory_space<vmem>>, vector<16xf32>,
        %parallel_loop3A_773 = arith.constant 40960 : i32
        %parallel_loop3A_774 = tpu.memref_slice %arg5[%parallel_loop3A_773] : memref<65536xf32, #tpu.memory_space<vmem>> -> memref<8192xf32, #tpu.memory_space<vmem>>
        %parallel_loop3A_775 = tpu.vector_load_idx %parallel_loop3A_774[%parallel_loop3A_727] : memref<8192xf32, #tpu.memory_space<vmem>>[vector<16xi32>], vector<16xf32>,
        %parallel_loop3A_776 = arith.constant 5 : i32
        %parallel_loop3A_777 = arith.index_cast %parallel_loop3A_718 : i32 to index
        %parallel_loop3A_778 = arith.index_cast %parallel_loop3A_692 : i32 to index
        %parallel_loop3A_779 = arith.index_cast %parallel_loop3A_776 : i32 to index
        %parallel_loop3A_780 = arith.index_cast %parallel_loop3A_722 : i32 to index
        %parallel_loop3A_781 = tpu.vector_load %arg8[%parallel_loop3A_777, %parallel_loop3A_778, %parallel_loop3A_779, %parallel_loop3A_780] {strides = array<i32>} : memref<2x8x8x128xf32, #tpu.memory_space<vmem>>, vector<16xf32>,
        tpu.vector_store %arg8[%parallel_loop3A_777, %parallel_loop3A_778, %parallel_loop3A_779, %parallel_loop3A_780], %parallel_loop3A_775 {strides = array<i32>} : memref<2x8x8x128xf32, #tpu.memory_space<vmem>>, vector<16xf32>,
        %parallel_loop3A_782 = arith.constant 49152 : i32
        %parallel_loop3A_783 = tpu.memref_slice %arg5[%parallel_loop3A_782] : memref<65536xf32, #tpu.memory_space<vmem>> -> memref<8192xf32, #tpu.memory_space<vmem>>
        %parallel_loop3A_784 = tpu.vector_load_idx %parallel_loop3A_783[%parallel_loop3A_727] : memref<8192xf32, #tpu.memory_space<vmem>>[vector<16xi32>], vector<16xf32>,
        %parallel_loop3A_785 = arith.constant 6 : i32
        %parallel_loop3A_786 = arith.index_cast %parallel_loop3A_718 : i32 to index
        %parallel_loop3A_787 = arith.index_cast %parallel_loop3A_692 : i32 to index
        %parallel_loop3A_788 = arith.index_cast %parallel_loop3A_785 : i32 to index
        %parallel_loop3A_789 = arith.index_cast %parallel_loop3A_722 : i32 to index
        %parallel_loop3A_790 = tpu.vector_load %arg8[%parallel_loop3A_786, %parallel_loop3A_787, %parallel_loop3A_788, %parallel_loop3A_789] {strides = array<i32>} : memref<2x8x8x128xf32, #tpu.memory_space<vmem>>, vector<16xf32>,
        tpu.vector_store %arg8[%parallel_loop3A_786, %parallel_loop3A_787, %parallel_loop3A_788, %parallel_loop3A_789], %parallel_loop3A_784 {strides = array<i32>} : memref<2x8x8x128xf32, #tpu.memory_space<vmem>>, vector<16xf32>,
        %parallel_loop3A_791 = arith.constant 57344 : i32
        %parallel_loop3A_792 = tpu.memref_slice %arg5[%parallel_loop3A_791] : memref<65536xf32, #tpu.memory_space<vmem>> -> memref<8192xf32, #tpu.memory_space<vmem>>
        %parallel_loop3A_793 = tpu.vector_load_idx %parallel_loop3A_792[%parallel_loop3A_727] : memref<8192xf32, #tpu.memory_space<vmem>>[vector<16xi32>], vector<16xf32>,
        %parallel_loop3A_794 = arith.constant 7 : i32
        %parallel_loop3A_795 = arith.index_cast %parallel_loop3A_718 : i32 to index
        %parallel_loop3A_796 = arith.index_cast %parallel_loop3A_692 : i32 to index
        %parallel_loop3A_797 = arith.index_cast %parallel_loop3A_794 : i32 to index
        %parallel_loop3A_798 = arith.index_cast %parallel_loop3A_722 : i32 to index
        %parallel_loop3A_799 = tpu.vector_load %arg8[%parallel_loop3A_795, %parallel_loop3A_796, %parallel_loop3A_797, %parallel_loop3A_798] {strides = array<i32>} : memref<2x8x8x128xf32, #tpu.memory_space<vmem>>, vector<16xf32>,
        tpu.vector_store %arg8[%parallel_loop3A_795, %parallel_loop3A_796, %parallel_loop3A_797, %parallel_loop3A_798], %parallel_loop3A_793 {strides = array<i32>} : memref<2x8x8x128xf32, #tpu.memory_space<vmem>>, vector<16xf32>,
      } {sc.loop_unroll_factor = 16 : i64, sc.parallel_access}
      %mul3A_392 = arith.constant 4 : i32
      %mul3A_393 = arith.muli %mul3A_392, %mul3A_352 : i32
      %add3A_394 = arith.addi %select_n3A, %mul3A_393 : i32
      %jit3A_395 = arith.constant 16 : i32
      %div3A_396 = arith.divsi %add3A_394, %jit3A_395 : i32
      %sign3A_397 = arith.constant 0 : i32
      %sign3A_398 = arith.cmpi sgt, %add3A_394, %sign3A_397 : i32
      %sign3A_399 = arith.extui %sign3A_398 : i1 to i32
      %sign3A_400 = arith.constant 0 : i32
      %sign3A_401 = arith.cmpi slt, %add3A_394, %sign3A_400 : i32
      %sign3A_402 = arith.extui %sign3A_401 : i1 to i32
      %sign3A_403 = arith.subi %sign3A_399, %sign3A_402 : i32
      %sign3A_404 = arith.constant 0 : i32
      %sign3A_405 = arith.cmpi sgt, %jit3A_395, %sign3A_404 : i32
      %sign3A_406 = arith.extui %sign3A_405 : i1 to i32
      %sign3A_407 = arith.constant 0 : i32
      %sign3A_408 = arith.cmpi slt, %jit3A_395, %sign3A_407 : i32
      %sign3A_409 = arith.extui %sign3A_408 : i1 to i32
      %sign3A_410 = arith.subi %sign3A_406, %sign3A_409 : i32
      %ne3A_411 = arith.cmpi ne, %sign3A_403, %sign3A_410 : i32
      %rem3A_412 = arith.remsi %add3A_394, %jit3A_395 : i32
      %ne3A_413 = arith.constant 0 : i32
      %ne3A_414 = arith.cmpi ne, %rem3A_412, %ne3A_413 : i32
      %and3A_415 = arith.andi %ne3A_411, %ne3A_414 : i1
      %sub3A_416 = arith.constant 1 : i32
      %sub3A_417 = arith.subi %div3A_396, %sub3A_416 : i32
      %select_n3A_418 = arith.select %and3A_415, %sub3A_417, %div3A_396 : i32
      %rem3A_419 = arith.constant 16 : i32
      %rem3A_420 = arith.remsi %add3A_394, %rem3A_419 : i32
      %mul3A_421 = arith.constant 8 : i32
      %mul3A_422 = arith.muli %select_n3A_418, %mul3A_421 : i32
      %mul3A_423 = arith.constant 2 : i32
      %mul3A_424 = arith.muli %rem3A_420, %mul3A_423 : i32
      %add3A_425 = arith.constant 0 : i32
      %add3A_426 = arith.addi %mul3A_424, %add3A_425 : i32
      %dma_start3A_427 = arith.constant 0 : i32
      %dma_start3A_428 = arith.constant 0 : i32
      %dma_start3A_429 = arith.constant 0 : i32
      %dma_start3A_430 = arith.constant 0 : i32
      %dma_start3A_431 = tpu.memref_slice %arg8[%dma_start3A_427, %dma_start3A_428, %dma_start3A_429, %dma_start3A_430] : memref<2x8x8x128xf32, #tpu.memory_space<vmem>> -> memref<1x8x8x128xf32, #tpu.memory_space<vmem>>
      %dma_start3A_432 = tpu.memref_squeeze %dma_start3A_431 : memref<1x8x8x128xf32, #tpu.memory_space<vmem>> -> memref<8x8x128xf32, #tpu.memory_space<vmem>>
      %dma_start3A_433 = arith.constant 0 : i32
      %dma_start3A_434 = arith.constant 0 : i32
      %dma_start3A_435 = tpu.memref_slice %arg4[%mul3A_422, %rem3A_1, %add3A_426, %dma_start3A_433, %dma_start3A_434] : memref<200x8x32x8x128xf32, #tpu.memory_space<hbm>> -> memref<8x1x1x8x128xf32, #tpu.memory_space<hbm>>
      %dma_start3A_436 = tpu.memref_squeeze %dma_start3A_435 : memref<8x1x1x8x128xf32, #tpu.memory_space<hbm>> -> memref<8x8x128xf32, #tpu.memory_space<hbm>>
      %dma_start3A_437 = arith.constant 0 : i32
      %dma_start3A_438 = arith.constant 0 : i32
      %dma_start3A_439 = tpu.memref_slice %arg4[%mul3A_422, %rem3A_1, %add3A_426, %dma_start3A_437, %dma_start3A_438] : memref<200x8x32x8x128xf32, #tpu.memory_space<hbm>> -> memref<8x1x1x8x128xf32, #tpu.memory_space<hbm>>
      %dma_start3A_440 = tpu.memref_squeeze %dma_start3A_439 : memref<8x1x1x8x128xf32, #tpu.memory_space<hbm>> -> memref<8x8x128xf32, #tpu.memory_space<hbm>>
      %dma_start3A_441 = arith.constant 0 : i32
      %dma_start3A_442 = arith.constant 0 : i32
      %dma_start3A_443 = arith.constant 0 : i32
      %dma_start3A_444 = tpu.memref_slice %arg8[%dma_start3A_427, %dma_start3A_441, %dma_start3A_442, %dma_start3A_443] : memref<2x8x8x128xf32, #tpu.memory_space<vmem>> -> memref<1x8x8x128xf32, #tpu.memory_space<vmem>>
      %dma_start3A_445 = tpu.memref_squeeze %dma_start3A_444 : memref<1x8x8x128xf32, #tpu.memory_space<vmem>> -> memref<8x8x128xf32, #tpu.memory_space<vmem>>
      tpu.enqueue_dma source(%dma_start3A_445 : memref<8x8x128xf32, #tpu.memory_space<vmem>>) target(%dma_start3A_440 : memref<8x8x128xf32, #tpu.memory_space<hbm>>) target_semaphore(%arg12 : memref<!tpu.dma_semaphore, #tpu.memory_space<semaphore_mem>>)
      %mul3A_446 = arith.constant 4 : i32
      %mul3A_447 = arith.muli %mul3A_446, %mul3A_352 : i32
      %add3A_448 = arith.addi %select_n3A, %mul3A_447 : i32
      %jit3A_449 = arith.constant 16 : i32
      %div3A_450 = arith.divsi %add3A_448, %jit3A_449 : i32
      %sign3A_451 = arith.constant 0 : i32
      %sign3A_452 = arith.cmpi sgt, %add3A_448, %sign3A_451 : i32
      %sign3A_453 = arith.extui %sign3A_452 : i1 to i32
      %sign3A_454 = arith.constant 0 : i32
      %sign3A_455 = arith.cmpi slt, %add3A_448, %sign3A_454 : i32
      %sign3A_456 = arith.extui %sign3A_455 : i1 to i32
      %sign3A_457 = arith.subi %sign3A_453, %sign3A_456 : i32
      %sign3A_458 = arith.constant 0 : i32
      %sign3A_459 = arith.cmpi sgt, %jit3A_449, %sign3A_458 : i32
      %sign3A_460 = arith.extui %sign3A_459 : i1 to i32
      %sign3A_461 = arith.constant 0 : i32
      %sign3A_462 = arith.cmpi slt, %jit3A_449, %sign3A_461 : i32
      %sign3A_463 = arith.extui %sign3A_462 : i1 to i32
      %sign3A_464 = arith.subi %sign3A_460, %sign3A_463 : i32
      %ne3A_465 = arith.cmpi ne, %sign3A_457, %sign3A_464 : i32
      %rem3A_466 = arith.remsi %add3A_448, %jit3A_449 : i32
      %ne3A_467 = arith.constant 0 : i32
      %ne3A_468 = arith.cmpi ne, %rem3A_466, %ne3A_467 : i32
      %and3A_469 = arith.andi %ne3A_465, %ne3A_468 : i1
      %sub3A_470 = arith.constant 1 : i32
      %sub3A_471 = arith.subi %div3A_450, %sub3A_470 : i32
      %select_n3A_472 = arith.select %and3A_469, %sub3A_471, %div3A_450 : i32
      %rem3A_473 = arith.constant 16 : i32
      %rem3A_474 = arith.remsi %add3A_448, %rem3A_473 : i32
      %mul3A_475 = arith.constant 8 : i32
      %mul3A_476 = arith.muli %select_n3A_472, %mul3A_475 : i32
      %mul3A_477 = arith.constant 2 : i32
      %mul3A_478 = arith.muli %rem3A_474, %mul3A_477 : i32
      %add3A_479 = arith.constant 1 : i32
      %add3A_480 = arith.addi %mul3A_478, %add3A_479 : i32
      %dma_start3A_481 = arith.constant 1 : i32
      %dma_start3A_482 = arith.constant 0 : i32
      %dma_start3A_483 = arith.constant 0 : i32
      %dma_start3A_484 = arith.constant 0 : i32
      %dma_start3A_485 = tpu.memref_slice %arg8[%dma_start3A_481, %dma_start3A_482, %dma_start3A_483, %dma_start3A_484] : memref<2x8x8x128xf32, #tpu.memory_space<vmem>> -> memref<1x8x8x128xf32, #tpu.memory_space<vmem>>
      %dma_start3A_486 = tpu.memref_squeeze %dma_start3A_485 : memref<1x8x8x128xf32, #tpu.memory_space<vmem>> -> memref<8x8x128xf32, #tpu.memory_space<vmem>>
      %dma_start3A_487 = arith.constant 0 : i32
      %dma_start3A_488 = arith.constant 0 : i32
      %dma_start3A_489 = tpu.memref_slice %arg4[%mul3A_476, %rem3A_1, %add3A_480, %dma_start3A_487, %dma_start3A_488] : memref<200x8x32x8x128xf32, #tpu.memory_space<hbm>> -> memref<8x1x1x8x128xf32, #tpu.memory_space<hbm>>
      %dma_start3A_490 = tpu.memref_squeeze %dma_start3A_489 : memref<8x1x1x8x128xf32, #tpu.memory_space<hbm>> -> memref<8x8x128xf32, #tpu.memory_space<hbm>>
      %dma_start3A_491 = arith.constant 0 : i32
      %dma_start3A_492 = arith.constant 0 : i32
      %dma_start3A_493 = tpu.memref_slice %arg4[%mul3A_476, %rem3A_1, %add3A_480, %dma_start3A_491, %dma_start3A_492] : memref<200x8x32x8x128xf32, #tpu.memory_space<hbm>> -> memref<8x1x1x8x128xf32, #tpu.memory_space<hbm>>
      %dma_start3A_494 = tpu.memref_squeeze %dma_start3A_493 : memref<8x1x1x8x128xf32, #tpu.memory_space<hbm>> -> memref<8x8x128xf32, #tpu.memory_space<hbm>>
      %dma_start3A_495 = arith.constant 0 : i32
      %dma_start3A_496 = arith.constant 0 : i32
      %dma_start3A_497 = arith.constant 0 : i32
      %dma_start3A_498 = tpu.memref_slice %arg8[%dma_start3A_481, %dma_start3A_495, %dma_start3A_496, %dma_start3A_497] : memref<2x8x8x128xf32, #tpu.memory_space<vmem>> -> memref<1x8x8x128xf32, #tpu.memory_space<vmem>>
      %dma_start3A_499 = tpu.memref_squeeze %dma_start3A_498 : memref<1x8x8x128xf32, #tpu.memory_space<vmem>> -> memref<8x8x128xf32, #tpu.memory_space<vmem>>
      tpu.enqueue_dma source(%dma_start3A_499 : memref<8x8x128xf32, #tpu.memory_space<vmem>>) target(%dma_start3A_494 : memref<8x8x128xf32, #tpu.memory_space<hbm>>) target_semaphore(%arg12 : memref<!tpu.dma_semaphore, #tpu.memory_space<semaphore_mem>>)
      %add3A_500 = arith.constant 2 : i32
      %add3A_501 = arith.addi %mul3A_352, %add3A_500 : i32
      %lt3A = arith.constant 100 : i32
      %lt3A_502 = arith.cmpi slt, %add3A_501, %lt3A : i32
      %convert_element_type3A_503 = arith.extui %lt3A_502 : i1 to i32
      %cond3A_504 = arith.constant 0 : i32
      %cond3A_505 = arith.cmpi ne, %convert_element_type3A_503, %cond3A_504 : i32
      scf.if %cond3A_505 {
        %add3A_668 = arith.constant 2 : i32
        %add3A_669 = arith.addi %mul3A_352, %add3A_668 : i32
        %mul3A_670 = arith.constant 4 : i32
        %mul3A_671 = arith.muli %mul3A_670, %add3A_669 : i32
        %add3A_672 = arith.addi %select_n3A, %mul3A_671 : i32
        %jit3A_673 = arith.constant 16 : i32
        %div3A_674 = arith.divsi %add3A_672, %jit3A_673 : i32
        %sign3A_675 = arith.constant 0 : i32
        %sign3A_676 = arith.cmpi sgt, %add3A_672, %sign3A_675 : i32
        %sign3A_677 = arith.extui %sign3A_676 : i1 to i32
        %sign3A_678 = arith.constant 0 : i32
        %sign3A_679 = arith.cmpi slt, %add3A_672, %sign3A_678 : i32
        %sign3A_680 = arith.extui %sign3A_679 : i1 to i32
        %sign3A_681 = arith.subi %sign3A_677, %sign3A_680 : i32
        %sign3A_682 = arith.constant 0 : i32
        %sign3A_683 = arith.cmpi sgt, %jit3A_673, %sign3A_682 : i32
        %sign3A_684 = arith.extui %sign3A_683 : i1 to i32
        %sign3A_685 = arith.constant 0 : i32
        %sign3A_686 = arith.cmpi slt, %jit3A_673, %sign3A_685 : i32
        %sign3A_687 = arith.extui %sign3A_686 : i1 to i32
        %sign3A_688 = arith.subi %sign3A_684, %sign3A_687 : i32
        %ne3A_689 = arith.cmpi ne, %sign3A_681, %sign3A_688 : i32
        %rem3A_690 = arith.remsi %add3A_672, %jit3A_673 : i32
        %ne3A_691 = arith.constant 0 : i32
        %ne3A_692 = arith.cmpi ne, %rem3A_690, %ne3A_691 : i32
        %and3A_693 = arith.andi %ne3A_689, %ne3A_692 : i1
        %sub3A_694 = arith.constant 1 : i32
        %sub3A_695 = arith.subi %div3A_674, %sub3A_694 : i32
        %select_n3A_696 = arith.select %and3A_693, %sub3A_695, %div3A_674 : i32
        %rem3A_697 = arith.constant 16 : i32
        %rem3A_698 = arith.remsi %add3A_672, %rem3A_697 : i32
        %mul3A_699 = arith.constant 8 : i32
        %mul3A_700 = arith.muli %select_n3A_696, %mul3A_699 : i32
        %mul3A_701 = arith.constant 256 : i32
        %mul3A_702 = arith.muli %rem3A_698, %mul3A_701 : i32
        %dma_start3A_703 = tpu.memref_slice %arg2[%mul3A_700, %mul3A_702] : memref<200x4096xi32, #tpu.memory_space<hbm>> -> memref<8x256xi32, #tpu.memory_space<hbm>>
        %dma_start3A_704 = tpu.memref_slice %arg2[%mul3A_700, %mul3A_702] : memref<200x4096xi32, #tpu.memory_space<hbm>> -> memref<8x256xi32, #tpu.memory_space<hbm>>
        tpu.enqueue_dma source(%dma_start3A_704 : memref<8x256xi32, #tpu.memory_space<hbm>>) target(%arg6 : memref<8x256xi32, #tpu.memory_space<vmem>>) target_semaphore(%arg10 : memref<!tpu.dma_semaphore, #tpu.memory_space<semaphore_mem>>)
      } else {
      }
      %mul3A_506 = arith.constant 2 : i32
      %mul3A_507 = arith.muli %mul3A_506, %scan3A_350 : i32
      %add3A_508 = arith.constant 1 : i32
      %add3A_509 = arith.addi %mul3A_507, %add3A_508 : i32
      %mul3A_510 = arith.constant 4 : i32
      %mul3A_511 = arith.muli %mul3A_510, %add3A_509 : i32
      %add3A_512 = arith.addi %select_n3A, %mul3A_511 : i32
      %jit3A_513 = arith.constant 16 : i32
      %div3A_514 = arith.divsi %add3A_512, %jit3A_513 : i32
      %sign3A_515 = arith.constant 0 : i32
      %sign3A_516 = arith.cmpi sgt, %add3A_512, %sign3A_515 : i32
      %sign3A_517 = arith.extui %sign3A_516 : i1 to i32
      %sign3A_518 = arith.constant 0 : i32
      %sign3A_519 = arith.cmpi slt, %add3A_512, %sign3A_518 : i32
      %sign3A_520 = arith.extui %sign3A_519 : i1 to i32
      %sign3A_521 = arith.subi %sign3A_517, %sign3A_520 : i32
      %sign3A_522 = arith.constant 0 : i32
      %sign3A_523 = arith.cmpi sgt, %jit3A_513, %sign3A_522 : i32
      %sign3A_524 = arith.extui %sign3A_523 : i1 to i32
      %sign3A_525 = arith.constant 0 : i32
      %sign3A_526 = arith.cmpi slt, %jit3A_513, %sign3A_525 : i32
      %sign3A_527 = arith.extui %sign3A_526 : i1 to i32
      %sign3A_528 = arith.subi %sign3A_524, %sign3A_527 : i32
      %ne3A_529 = arith.cmpi ne, %sign3A_521, %sign3A_528 : i32
      %rem3A_530 = arith.remsi %add3A_512, %jit3A_513 : i32
      %ne3A_531 = arith.constant 0 : i32
      %ne3A_532 = arith.cmpi ne, %rem3A_530, %ne3A_531 : i32
      %and3A_533 = arith.andi %ne3A_529, %ne3A_532 : i1
      %sub3A_534 = arith.constant 1 : i32
      %sub3A_535 = arith.subi %div3A_514, %sub3A_534 : i32
      %select_n3A_536 = arith.select %and3A_533, %sub3A_535, %div3A_514 : i32
      %rem3A_537 = arith.constant 16 : i32
      %rem3A_538 = arith.remsi %add3A_512, %rem3A_537 : i32
      %mul3A_539 = arith.constant 8 : i32
      %mul3A_540 = arith.muli %select_n3A_536, %mul3A_539 : i32
      %mul3A_541 = arith.constant 256 : i32
      %mul3A_542 = arith.muli %rem3A_538, %mul3A_541 : i32
      %dma_wait3A_543 = tpu.memref_slice %arg2[%mul3A_540, %mul3A_542] : memref<200x4096xi32, #tpu.memory_space<hbm>> -> memref<8x256xi32, #tpu.memory_space<hbm>>
      %dma_wait3A_544 = tpu.memref_slice %arg2[%mul3A_540, %mul3A_542] : memref<200x4096xi32, #tpu.memory_space<hbm>> -> memref<8x256xi32, #tpu.memory_space<hbm>>
      tpu.wait_dma2 semaphore(%arg11 : memref<!tpu.dma_semaphore, #tpu.memory_space<semaphore_mem>>) src(%dma_wait3A_544 : memref<8x256xi32, #tpu.memory_space<hbm>>) dst(%arg7 : memref<8x256xi32, #tpu.memory_space<vmem>>)
      %ge3A_545 = arith.constant 2 : i32
      %ge3A_546 = arith.cmpi sge, %add3A_509, %ge3A_545 : i32
      %convert_element_type3A_547 = arith.extui %ge3A_546 : i1 to i32
      %cond3A_548 = arith.constant 0 : i32
      %cond3A_549 = arith.cmpi ne, %convert_element_type3A_547, %cond3A_548 : i32
      scf.if %cond3A_549 {
        %add3A_668 = arith.constant 0 : i32
        %add3A_669 = arith.addi %select_n3A, %add3A_668 : i32
        %jit3A_670 = arith.constant 16 : i32
        %div3A_671 = arith.divsi %add3A_669, %jit3A_670 : i32
        %sign3A_672 = arith.constant 0 : i32
        %sign3A_673 = arith.cmpi sgt, %add3A_669, %sign3A_672 : i32
        %sign3A_674 = arith.extui %sign3A_673 : i1 to i32
        %sign3A_675 = arith.constant 0 : i32
        %sign3A_676 = arith.cmpi slt, %add3A_669, %sign3A_675 : i32
        %sign3A_677 = arith.extui %sign3A_676 : i1 to i32
        %sign3A_678 = arith.subi %sign3A_674, %sign3A_677 : i32
        %sign3A_679 = arith.constant 0 : i32
        %sign3A_680 = arith.cmpi sgt, %jit3A_670, %sign3A_679 : i32
        %sign3A_681 = arith.extui %sign3A_680 : i1 to i32
        %sign3A_682 = arith.constant 0 : i32
        %sign3A_683 = arith.cmpi slt, %jit3A_670, %sign3A_682 : i32
        %sign3A_684 = arith.extui %sign3A_683 : i1 to i32
        %sign3A_685 = arith.subi %sign3A_681, %sign3A_684 : i32
        %ne3A_686 = arith.cmpi ne, %sign3A_678, %sign3A_685 : i32
        %rem3A_687 = arith.remsi %add3A_669, %jit3A_670 : i32
        %ne3A_688 = arith.constant 0 : i32
        %ne3A_689 = arith.cmpi ne, %rem3A_687, %ne3A_688 : i32
        %and3A_690 = arith.andi %ne3A_686, %ne3A_689 : i1
        %sub3A_691 = arith.constant 1 : i32
        %sub3A_692 = arith.subi %div3A_671, %sub3A_691 : i32
        %select_n3A_693 = arith.select %and3A_690, %sub3A_692, %div3A_671 : i32
        %rem3A_694 = arith.constant 16 : i32
        %rem3A_695 = arith.remsi %add3A_669, %rem3A_694 : i32
        %mul3A_696 = arith.constant 8 : i32
        %mul3A_697 = arith.muli %select_n3A_693, %mul3A_696 : i32
        %mul3A_698 = arith.constant 2 : i32
        %mul3A_699 = arith.muli %rem3A_695, %mul3A_698 : i32
        %add3A_700 = arith.constant 0 : i32
        %add3A_701 = arith.addi %mul3A_699, %add3A_700 : i32
        %dma_wait3A_702 = arith.constant 0 : i32
        %dma_wait3A_703 = arith.constant 0 : i32
        %dma_wait3A_704 = arith.constant 0 : i32
        %dma_wait3A_705 = arith.constant 0 : i32
        %dma_wait3A_706 = tpu.memref_slice %arg9[%dma_wait3A_702, %dma_wait3A_703, %dma_wait3A_704, %dma_wait3A_705] : memref<2x8x8x128xf32, #tpu.memory_space<vmem>> -> memref<1x8x8x128xf32, #tpu.memory_space<vmem>>
        %dma_wait3A_707 = tpu.memref_squeeze %dma_wait3A_706 : memref<1x8x8x128xf32, #tpu.memory_space<vmem>> -> memref<8x8x128xf32, #tpu.memory_space<vmem>>
        %dma_wait3A_708 = arith.constant 0 : i32
        %dma_wait3A_709 = arith.constant 0 : i32
        %dma_wait3A_710 = tpu.memref_slice %arg4[%mul3A_697, %rem3A_1, %add3A_701, %dma_wait3A_708, %dma_wait3A_709] : memref<200x8x32x8x128xf32, #tpu.memory_space<hbm>> -> memref<8x1x1x8x128xf32, #tpu.memory_space<hbm>>
        %dma_wait3A_711 = tpu.memref_squeeze %dma_wait3A_710 : memref<8x1x1x8x128xf32, #tpu.memory_space<hbm>> -> memref<8x8x128xf32, #tpu.memory_space<hbm>>
        %dma_wait3A_712 = arith.constant 0 : i32
        %dma_wait3A_713 = arith.constant 0 : i32
        %dma_wait3A_714 = tpu.memref_slice %arg4[%mul3A_697, %rem3A_1, %add3A_701, %dma_wait3A_712, %dma_wait3A_713] : memref<200x8x32x8x128xf32, #tpu.memory_space<hbm>> -> memref<8x1x1x8x128xf32, #tpu.memory_space<hbm>>
        %dma_wait3A_715 = tpu.memref_squeeze %dma_wait3A_714 : memref<8x1x1x8x128xf32, #tpu.memory_space<hbm>> -> memref<8x8x128xf32, #tpu.memory_space<hbm>>
        %dma_wait3A_716 = arith.constant 0 : i32
        %dma_wait3A_717 = arith.constant 0 : i32
        %dma_wait3A_718 = arith.constant 0 : i32
        %dma_wait3A_719 = tpu.memref_slice %arg9[%dma_wait3A_702, %dma_wait3A_716, %dma_wait3A_717, %dma_wait3A_718] : memref<2x8x8x128xf32, #tpu.memory_space<vmem>> -> memref<1x8x8x128xf32, #tpu.memory_space<vmem>>
        %dma_wait3A_720 = tpu.memref_squeeze %dma_wait3A_719 : memref<1x8x8x128xf32, #tpu.memory_space<vmem>> -> memref<8x8x128xf32, #tpu.memory_space<vmem>>
        tpu.wait_dma2 semaphore(%arg13 : memref<!tpu.dma_semaphore, #tpu.memory_space<semaphore_mem>>) src(%dma_wait3A_720 : memref<8x8x128xf32, #tpu.memory_space<vmem>>) dst(%dma_wait3A_715 : memref<8x8x128xf32, #tpu.memory_space<hbm>>)
        %add3A_721 = arith.constant 0 : i32
        %add3A_722 = arith.addi %select_n3A, %add3A_721 : i32
        %jit3A_723 = arith.constant 16 : i32
        %div3A_724 = arith.divsi %add3A_722, %jit3A_723 : i32
        %sign3A_725 = arith.constant 0 : i32
        %sign3A_726 = arith.cmpi sgt, %add3A_722, %sign3A_725 : i32
        %sign3A_727 = arith.extui %sign3A_726 : i1 to i32
        %sign3A_728 = arith.constant 0 : i32
        %sign3A_729 = arith.cmpi slt, %add3A_722, %sign3A_728 : i32
        %sign3A_730 = arith.extui %sign3A_729 : i1 to i32
        %sign3A_731 = arith.subi %sign3A_727, %sign3A_730 : i32
        %sign3A_732 = arith.constant 0 : i32
        %sign3A_733 = arith.cmpi sgt, %jit3A_723, %sign3A_732 : i32
        %sign3A_734 = arith.extui %sign3A_733 : i1 to i32
        %sign3A_735 = arith.constant 0 : i32
        %sign3A_736 = arith.cmpi slt, %jit3A_723, %sign3A_735 : i32
        %sign3A_737 = arith.extui %sign3A_736 : i1 to i32
        %sign3A_738 = arith.subi %sign3A_734, %sign3A_737 : i32
        %ne3A_739 = arith.cmpi ne, %sign3A_731, %sign3A_738 : i32
        %rem3A_740 = arith.remsi %add3A_722, %jit3A_723 : i32
        %ne3A_741 = arith.constant 0 : i32
        %ne3A_742 = arith.cmpi ne, %rem3A_740, %ne3A_741 : i32
        %and3A_743 = arith.andi %ne3A_739, %ne3A_742 : i1
        %sub3A_744 = arith.constant 1 : i32
        %sub3A_745 = arith.subi %div3A_724, %sub3A_744 : i32
        %select_n3A_746 = arith.select %and3A_743, %sub3A_745, %div3A_724 : i32
        %rem3A_747 = arith.constant 16 : i32
        %rem3A_748 = arith.remsi %add3A_722, %rem3A_747 : i32
        %mul3A_749 = arith.constant 8 : i32
        %mul3A_750 = arith.muli %select_n3A_746, %mul3A_749 : i32
        %mul3A_751 = arith.constant 2 : i32
        %mul3A_752 = arith.muli %rem3A_748, %mul3A_751 : i32
        %add3A_753 = arith.constant 0 : i32
        %add3A_754 = arith.addi %mul3A_752, %add3A_753 : i32
        %dma_wait3A_755 = arith.constant 0 : i32
        %dma_wait3A_756 = arith.constant 0 : i32
        %dma_wait3A_757 = arith.constant 0 : i32
        %dma_wait3A_758 = arith.constant 0 : i32
        %dma_wait3A_759 = tpu.memref_slice %arg9[%dma_wait3A_755, %dma_wait3A_756, %dma_wait3A_757, %dma_wait3A_758] : memref<2x8x8x128xf32, #tpu.memory_space<vmem>> -> memref<1x8x8x128xf32, #tpu.memory_space<vmem>>
        %dma_wait3A_760 = tpu.memref_squeeze %dma_wait3A_759 : memref<1x8x8x128xf32, #tpu.memory_space<vmem>> -> memref<8x8x128xf32, #tpu.memory_space<vmem>>
        %dma_wait3A_761 = arith.constant 0 : i32
        %dma_wait3A_762 = arith.constant 0 : i32
        %dma_wait3A_763 = tpu.memref_slice %arg4[%mul3A_750, %rem3A_1, %add3A_754, %dma_wait3A_761, %dma_wait3A_762] : memref<200x8x32x8x128xf32, #tpu.memory_space<hbm>> -> memref<8x1x1x8x128xf32, #tpu.memory_space<hbm>>
        %dma_wait3A_764 = tpu.memref_squeeze %dma_wait3A_763 : memref<8x1x1x8x128xf32, #tpu.memory_space<hbm>> -> memref<8x8x128xf32, #tpu.memory_space<hbm>>
        %dma_wait3A_765 = arith.constant 0 : i32
        %dma_wait3A_766 = arith.constant 0 : i32
        %dma_wait3A_767 = tpu.memref_slice %arg4[%mul3A_750, %rem3A_1, %add3A_754, %dma_wait3A_765, %dma_wait3A_766] : memref<200x8x32x8x128xf32, #tpu.memory_space<hbm>> -> memref<8x1x1x8x128xf32, #tpu.memory_space<hbm>>
        %dma_wait3A_768 = tpu.memref_squeeze %dma_wait3A_767 : memref<8x1x1x8x128xf32, #tpu.memory_space<hbm>> -> memref<8x8x128xf32, #tpu.memory_space<hbm>>
        %dma_wait3A_769 = arith.constant 0 : i32
        %dma_wait3A_770 = arith.constant 0 : i32
        %dma_wait3A_771 = arith.constant 0 : i32
        %dma_wait3A_772 = tpu.memref_slice %arg9[%dma_wait3A_755, %dma_wait3A_769, %dma_wait3A_770, %dma_wait3A_771] : memref<2x8x8x128xf32, #tpu.memory_space<vmem>> -> memref<1x8x8x128xf32, #tpu.memory_space<vmem>>
        %dma_wait3A_773 = tpu.memref_squeeze %dma_wait3A_772 : memref<1x8x8x128xf32, #tpu.memory_space<vmem>> -> memref<8x8x128xf32, #tpu.memory_space<vmem>>
        tpu.wait_dma2 semaphore(%arg13 : memref<!tpu.dma_semaphore, #tpu.memory_space<semaphore_mem>>) src(%dma_wait3A_773 : memref<8x8x128xf32, #tpu.memory_space<vmem>>) dst(%dma_wait3A_768 : memref<8x8x128xf32, #tpu.memory_space<hbm>>)
      } else {
      }
      %parallel_loop3A_550 = arith.constant 0 : i32
      %parallel_loop3A_551 = arith.constant 128 : i32
      %parallel_loop3A_552 = arith.constant 1 : i32
      scf.for %parallel_loop3A_668 = %parallel_loop3A_550 to %parallel_loop3A_551 step %parallel_loop3A_552  : i32 {
        %parallel_loop3A_669 = arith.constant 16 : i32
        %parallel_loop3A_670 = arith.divsi %parallel_loop3A_668, %parallel_loop3A_669 : i32
        %parallel_loop3A_671 = arith.constant 0 : i32
        %parallel_loop3A_672 = arith.cmpi sgt, %parallel_loop3A_668, %parallel_loop3A_671 : i32
        %parallel_loop3A_673 = arith.extui %parallel_loop3A_672 : i1 to i32
        %parallel_loop3A_674 = arith.constant 0 : i32
        %parallel_loop3A_675 = arith.cmpi slt, %parallel_loop3A_668, %parallel_loop3A_674 : i32
        %parallel_loop3A_676 = arith.extui %parallel_loop3A_675 : i1 to i32
        %parallel_loop3A_677 = arith.subi %parallel_loop3A_673, %parallel_loop3A_676 : i32
        %parallel_loop3A_678 = arith.constant 0 : i32
        %parallel_loop3A_679 = arith.cmpi sgt, %parallel_loop3A_669, %parallel_loop3A_678 : i32
        %parallel_loop3A_680 = arith.extui %parallel_loop3A_679 : i1 to i32
        %parallel_loop3A_681 = arith.constant 0 : i32
        %parallel_loop3A_682 = arith.cmpi slt, %parallel_loop3A_669, %parallel_loop3A_681 : i32
        %parallel_loop3A_683 = arith.extui %parallel_loop3A_682 : i1 to i32
        %parallel_loop3A_684 = arith.subi %parallel_loop3A_680, %parallel_loop3A_683 : i32
        %parallel_loop3A_685 = arith.cmpi ne, %parallel_loop3A_677, %parallel_loop3A_684 : i32
        %parallel_loop3A_686 = arith.remsi %parallel_loop3A_668, %parallel_loop3A_669 : i32
        %parallel_loop3A_687 = arith.constant 0 : i32
        %parallel_loop3A_688 = arith.cmpi ne, %parallel_loop3A_686, %parallel_loop3A_687 : i32
        %parallel_loop3A_689 = arith.andi %parallel_loop3A_685, %parallel_loop3A_688 : i1
        %parallel_loop3A_690 = arith.constant 1 : i32
        %parallel_loop3A_691 = arith.subi %parallel_loop3A_670, %parallel_loop3A_690 : i32
        %parallel_loop3A_692 = arith.select %parallel_loop3A_689, %parallel_loop3A_691, %parallel_loop3A_670 : i32
        %parallel_loop3A_693 = arith.constant 16 : i32
        %parallel_loop3A_694 = arith.remsi %parallel_loop3A_668, %parallel_loop3A_693 : i32
        %parallel_loop3A_695 = arith.constant 8 : i32
        %parallel_loop3A_696 = arith.divsi %parallel_loop3A_694, %parallel_loop3A_695 : i32
        %parallel_loop3A_697 = arith.constant 0 : i32
        %parallel_loop3A_698 = arith.cmpi sgt, %parallel_loop3A_694, %parallel_loop3A_697 : i32
        %parallel_loop3A_699 = arith.extui %parallel_loop3A_698 : i1 to i32
        %parallel_loop3A_700 = arith.constant 0 : i32
        %parallel_loop3A_701 = arith.cmpi slt, %parallel_loop3A_694, %parallel_loop3A_700 : i32
        %parallel_loop3A_702 = arith.extui %parallel_loop3A_701 : i1 to i32
        %parallel_loop3A_703 = arith.subi %parallel_loop3A_699, %parallel_loop3A_702 : i32
        %parallel_loop3A_704 = arith.constant 0 : i32
        %parallel_loop3A_705 = arith.cmpi sgt, %parallel_loop3A_695, %parallel_loop3A_704 : i32
        %parallel_loop3A_706 = arith.extui %parallel_loop3A_705 : i1 to i32
        %parallel_loop3A_707 = arith.constant 0 : i32
        %parallel_loop3A_708 = arith.cmpi slt, %parallel_loop3A_695, %parallel_loop3A_707 : i32
        %parallel_loop3A_709 = arith.extui %parallel_loop3A_708 : i1 to i32
        %parallel_loop3A_710 = arith.subi %parallel_loop3A_706, %parallel_loop3A_709 : i32
        %parallel_loop3A_711 = arith.cmpi ne, %parallel_loop3A_703, %parallel_loop3A_710 : i32
        %parallel_loop3A_712 = arith.remsi %parallel_loop3A_694, %parallel_loop3A_695 : i32
        %parallel_loop3A_713 = arith.constant 0 : i32
        %parallel_loop3A_714 = arith.cmpi ne, %parallel_loop3A_712, %parallel_loop3A_713 : i32
        %parallel_loop3A_715 = arith.andi %parallel_loop3A_711, %parallel_loop3A_714 : i1
        %parallel_loop3A_716 = arith.constant 1 : i32
        %parallel_loop3A_717 = arith.subi %parallel_loop3A_696, %parallel_loop3A_716 : i32
        %parallel_loop3A_718 = arith.select %parallel_loop3A_715, %parallel_loop3A_717, %parallel_loop3A_696 : i32
        %parallel_loop3A_719 = arith.constant 8 : i32
        %parallel_loop3A_720 = arith.remsi %parallel_loop3A_694, %parallel_loop3A_719 : i32
        %parallel_loop3A_721 = arith.constant 16 : i32
        %parallel_loop3A_722 = arith.muli %parallel_loop3A_720, %parallel_loop3A_721 : i32
        %parallel_loop3A_723 = arith.constant 16 : i32
        %parallel_loop3A_724 = arith.muli %parallel_loop3A_694, %parallel_loop3A_723 : i32
        %parallel_loop3A_725 = arith.index_cast %parallel_loop3A_692 : i32 to index
        %parallel_loop3A_726 = arith.index_cast %parallel_loop3A_724 : i32 to index
        %parallel_loop3A_727 = tpu.vector_load %arg7[%parallel_loop3A_725, %parallel_loop3A_726] {strides = array<i32>} : memref<8x256xi32, #tpu.memory_space<vmem>>, vector<16xi32>,
        %parallel_loop3A_728 = arith.constant 0 : i32
        %parallel_loop3A_729 = tpu.memref_slice %arg5[%parallel_loop3A_728] : memref<65536xf32, #tpu.memory_space<vmem>> -> memref<8192xf32, #tpu.memory_space<vmem>>
        %parallel_loop3A_730 = tpu.vector_load_idx %parallel_loop3A_729[%parallel_loop3A_727] : memref<8192xf32, #tpu.memory_space<vmem>>[vector<16xi32>], vector<16xf32>,
        %parallel_loop3A_731 = arith.constant 0 : i32
        %parallel_loop3A_732 = arith.index_cast %parallel_loop3A_718 : i32 to index
        %parallel_loop3A_733 = arith.index_cast %parallel_loop3A_692 : i32 to index
        %parallel_loop3A_734 = arith.index_cast %parallel_loop3A_731 : i32 to index
        %parallel_loop3A_735 = arith.index_cast %parallel_loop3A_722 : i32 to index
        %parallel_loop3A_736 = tpu.vector_load %arg9[%parallel_loop3A_732, %parallel_loop3A_733, %parallel_loop3A_734, %parallel_loop3A_735] {strides = array<i32>} : memref<2x8x8x128xf32, #tpu.memory_space<vmem>>, vector<16xf32>,
        tpu.vector_store %arg9[%parallel_loop3A_732, %parallel_loop3A_733, %parallel_loop3A_734, %parallel_loop3A_735], %parallel_loop3A_730 {strides = array<i32>} : memref<2x8x8x128xf32, #tpu.memory_space<vmem>>, vector<16xf32>,
        %parallel_loop3A_737 = arith.constant 8192 : i32
        %parallel_loop3A_738 = tpu.memref_slice %arg5[%parallel_loop3A_737] : memref<65536xf32, #tpu.memory_space<vmem>> -> memref<8192xf32, #tpu.memory_space<vmem>>
        %parallel_loop3A_739 = tpu.vector_load_idx %parallel_loop3A_738[%parallel_loop3A_727] : memref<8192xf32, #tpu.memory_space<vmem>>[vector<16xi32>], vector<16xf32>,
        %parallel_loop3A_740 = arith.constant 1 : i32
        %parallel_loop3A_741 = arith.index_cast %parallel_loop3A_718 : i32 to index
        %parallel_loop3A_742 = arith.index_cast %parallel_loop3A_692 : i32 to index
        %parallel_loop3A_743 = arith.index_cast %parallel_loop3A_740 : i32 to index
        %parallel_loop3A_744 = arith.index_cast %parallel_loop3A_722 : i32 to index
        %parallel_loop3A_745 = tpu.vector_load %arg9[%parallel_loop3A_741, %parallel_loop3A_742, %parallel_loop3A_743, %parallel_loop3A_744] {strides = array<i32>} : memref<2x8x8x128xf32, #tpu.memory_space<vmem>>, vector<16xf32>,
        tpu.vector_store %arg9[%parallel_loop3A_741, %parallel_loop3A_742, %parallel_loop3A_743, %parallel_loop3A_744], %parallel_loop3A_739 {strides = array<i32>} : memref<2x8x8x128xf32, #tpu.memory_space<vmem>>, vector<16xf32>,
        %parallel_loop3A_746 = arith.constant 16384 : i32
        %parallel_loop3A_747 = tpu.memref_slice %arg5[%parallel_loop3A_746] : memref<65536xf32, #tpu.memory_space<vmem>> -> memref<8192xf32, #tpu.memory_space<vmem>>
        %parallel_loop3A_748 = tpu.vector_load_idx %parallel_loop3A_747[%parallel_loop3A_727] : memref<8192xf32, #tpu.memory_space<vmem>>[vector<16xi32>], vector<16xf32>,
        %parallel_loop3A_749 = arith.constant 2 : i32
        %parallel_loop3A_750 = arith.index_cast %parallel_loop3A_718 : i32 to index
        %parallel_loop3A_751 = arith.index_cast %parallel_loop3A_692 : i32 to index
        %parallel_loop3A_752 = arith.index_cast %parallel_loop3A_749 : i32 to index
        %parallel_loop3A_753 = arith.index_cast %parallel_loop3A_722 : i32 to index
        %parallel_loop3A_754 = tpu.vector_load %arg9[%parallel_loop3A_750, %parallel_loop3A_751, %parallel_loop3A_752, %parallel_loop3A_753] {strides = array<i32>} : memref<2x8x8x128xf32, #tpu.memory_space<vmem>>, vector<16xf32>,
        tpu.vector_store %arg9[%parallel_loop3A_750, %parallel_loop3A_751, %parallel_loop3A_752, %parallel_loop3A_753], %parallel_loop3A_748 {strides = array<i32>} : memref<2x8x8x128xf32, #tpu.memory_space<vmem>>, vector<16xf32>,
        %parallel_loop3A_755 = arith.constant 24576 : i32
        %parallel_loop3A_756 = tpu.memref_slice %arg5[%parallel_loop3A_755] : memref<65536xf32, #tpu.memory_space<vmem>> -> memref<8192xf32, #tpu.memory_space<vmem>>
        %parallel_loop3A_757 = tpu.vector_load_idx %parallel_loop3A_756[%parallel_loop3A_727] : memref<8192xf32, #tpu.memory_space<vmem>>[vector<16xi32>], vector<16xf32>,
        %parallel_loop3A_758 = arith.constant 3 : i32
        %parallel_loop3A_759 = arith.index_cast %parallel_loop3A_718 : i32 to index
        %parallel_loop3A_760 = arith.index_cast %parallel_loop3A_692 : i32 to index
        %parallel_loop3A_761 = arith.index_cast %parallel_loop3A_758 : i32 to index
        %parallel_loop3A_762 = arith.index_cast %parallel_loop3A_722 : i32 to index
        %parallel_loop3A_763 = tpu.vector_load %arg9[%parallel_loop3A_759, %parallel_loop3A_760, %parallel_loop3A_761, %parallel_loop3A_762] {strides = array<i32>} : memref<2x8x8x128xf32, #tpu.memory_space<vmem>>, vector<16xf32>,
        tpu.vector_store %arg9[%parallel_loop3A_759, %parallel_loop3A_760, %parallel_loop3A_761, %parallel_loop3A_762], %parallel_loop3A_757 {strides = array<i32>} : memref<2x8x8x128xf32, #tpu.memory_space<vmem>>, vector<16xf32>,
        %parallel_loop3A_764 = arith.constant 32768 : i32
        %parallel_loop3A_765 = tpu.memref_slice %arg5[%parallel_loop3A_764] : memref<65536xf32, #tpu.memory_space<vmem>> -> memref<8192xf32, #tpu.memory_space<vmem>>
        %parallel_loop3A_766 = tpu.vector_load_idx %parallel_loop3A_765[%parallel_loop3A_727] : memref<8192xf32, #tpu.memory_space<vmem>>[vector<16xi32>], vector<16xf32>,
        %parallel_loop3A_767 = arith.constant 4 : i32
        %parallel_loop3A_768 = arith.index_cast %parallel_loop3A_718 : i32 to index
        %parallel_loop3A_769 = arith.index_cast %parallel_loop3A_692 : i32 to index
        %parallel_loop3A_770 = arith.index_cast %parallel_loop3A_767 : i32 to index
        %parallel_loop3A_771 = arith.index_cast %parallel_loop3A_722 : i32 to index
        %parallel_loop3A_772 = tpu.vector_load %arg9[%parallel_loop3A_768, %parallel_loop3A_769, %parallel_loop3A_770, %parallel_loop3A_771] {strides = array<i32>} : memref<2x8x8x128xf32, #tpu.memory_space<vmem>>, vector<16xf32>,
        tpu.vector_store %arg9[%parallel_loop3A_768, %parallel_loop3A_769, %parallel_loop3A_770, %parallel_loop3A_771], %parallel_loop3A_766 {strides = array<i32>} : memref<2x8x8x128xf32, #tpu.memory_space<vmem>>, vector<16xf32>,
        %parallel_loop3A_773 = arith.constant 40960 : i32
        %parallel_loop3A_774 = tpu.memref_slice %arg5[%parallel_loop3A_773] : memref<65536xf32, #tpu.memory_space<vmem>> -> memref<8192xf32, #tpu.memory_space<vmem>>
        %parallel_loop3A_775 = tpu.vector_load_idx %parallel_loop3A_774[%parallel_loop3A_727] : memref<8192xf32, #tpu.memory_space<vmem>>[vector<16xi32>], vector<16xf32>,
        %parallel_loop3A_776 = arith.constant 5 : i32
        %parallel_loop3A_777 = arith.index_cast %parallel_loop3A_718 : i32 to index
        %parallel_loop3A_778 = arith.index_cast %parallel_loop3A_692 : i32 to index
        %parallel_loop3A_779 = arith.index_cast %parallel_loop3A_776 : i32 to index
        %parallel_loop3A_780 = arith.index_cast %parallel_loop3A_722 : i32 to index
        %parallel_loop3A_781 = tpu.vector_load %arg9[%parallel_loop3A_777, %parallel_loop3A_778, %parallel_loop3A_779, %parallel_loop3A_780] {strides = array<i32>} : memref<2x8x8x128xf32, #tpu.memory_space<vmem>>, vector<16xf32>,
        tpu.vector_store %arg9[%parallel_loop3A_777, %parallel_loop3A_778, %parallel_loop3A_779, %parallel_loop3A_780], %parallel_loop3A_775 {strides = array<i32>} : memref<2x8x8x128xf32, #tpu.memory_space<vmem>>, vector<16xf32>,
        %parallel_loop3A_782 = arith.constant 49152 : i32
        %parallel_loop3A_783 = tpu.memref_slice %arg5[%parallel_loop3A_782] : memref<65536xf32, #tpu.memory_space<vmem>> -> memref<8192xf32, #tpu.memory_space<vmem>>
        %parallel_loop3A_784 = tpu.vector_load_idx %parallel_loop3A_783[%parallel_loop3A_727] : memref<8192xf32, #tpu.memory_space<vmem>>[vector<16xi32>], vector<16xf32>,
        %parallel_loop3A_785 = arith.constant 6 : i32
        %parallel_loop3A_786 = arith.index_cast %parallel_loop3A_718 : i32 to index
        %parallel_loop3A_787 = arith.index_cast %parallel_loop3A_692 : i32 to index
        %parallel_loop3A_788 = arith.index_cast %parallel_loop3A_785 : i32 to index
        %parallel_loop3A_789 = arith.index_cast %parallel_loop3A_722 : i32 to index
        %parallel_loop3A_790 = tpu.vector_load %arg9[%parallel_loop3A_786, %parallel_loop3A_787, %parallel_loop3A_788, %parallel_loop3A_789] {strides = array<i32>} : memref<2x8x8x128xf32, #tpu.memory_space<vmem>>, vector<16xf32>,
        tpu.vector_store %arg9[%parallel_loop3A_786, %parallel_loop3A_787, %parallel_loop3A_788, %parallel_loop3A_789], %parallel_loop3A_784 {strides = array<i32>} : memref<2x8x8x128xf32, #tpu.memory_space<vmem>>, vector<16xf32>,
        %parallel_loop3A_791 = arith.constant 57344 : i32
        %parallel_loop3A_792 = tpu.memref_slice %arg5[%parallel_loop3A_791] : memref<65536xf32, #tpu.memory_space<vmem>> -> memref<8192xf32, #tpu.memory_space<vmem>>
        %parallel_loop3A_793 = tpu.vector_load_idx %parallel_loop3A_792[%parallel_loop3A_727] : memref<8192xf32, #tpu.memory_space<vmem>>[vector<16xi32>], vector<16xf32>,
        %parallel_loop3A_794 = arith.constant 7 : i32
        %parallel_loop3A_795 = arith.index_cast %parallel_loop3A_718 : i32 to index
        %parallel_loop3A_796 = arith.index_cast %parallel_loop3A_692 : i32 to index
        %parallel_loop3A_797 = arith.index_cast %parallel_loop3A_794 : i32 to index
        %parallel_loop3A_798 = arith.index_cast %parallel_loop3A_722 : i32 to index
        %parallel_loop3A_799 = tpu.vector_load %arg9[%parallel_loop3A_795, %parallel_loop3A_796, %parallel_loop3A_797, %parallel_loop3A_798] {strides = array<i32>} : memref<2x8x8x128xf32, #tpu.memory_space<vmem>>, vector<16xf32>,
        tpu.vector_store %arg9[%parallel_loop3A_795, %parallel_loop3A_796, %parallel_loop3A_797, %parallel_loop3A_798], %parallel_loop3A_793 {strides = array<i32>} : memref<2x8x8x128xf32, #tpu.memory_space<vmem>>, vector<16xf32>,
      } {sc.loop_unroll_factor = 16 : i64, sc.parallel_access}
      %mul3A_553 = arith.constant 4 : i32
      %mul3A_554 = arith.muli %mul3A_553, %add3A_509 : i32
      %add3A_555 = arith.addi %select_n3A, %mul3A_554 : i32
      %jit3A_556 = arith.constant 16 : i32
      %div3A_557 = arith.divsi %add3A_555, %jit3A_556 : i32
      %sign3A_558 = arith.constant 0 : i32
      %sign3A_559 = arith.cmpi sgt, %add3A_555, %sign3A_558 : i32
      %sign3A_560 = arith.extui %sign3A_559 : i1 to i32
      %sign3A_561 = arith.constant 0 : i32
      %sign3A_562 = arith.cmpi slt, %add3A_555, %sign3A_561 : i32
      %sign3A_563 = arith.extui %sign3A_562 : i1 to i32
      %sign3A_564 = arith.subi %sign3A_560, %sign3A_563 : i32
      %sign3A_565 = arith.constant 0 : i32
      %sign3A_566 = arith.cmpi sgt, %jit3A_556, %sign3A_565 : i32
      %sign3A_567 = arith.extui %sign3A_566 : i1 to i32
      %sign3A_568 = arith.constant 0 : i32
      %sign3A_569 = arith.cmpi slt, %jit3A_556, %sign3A_568 : i32
      %sign3A_570 = arith.extui %sign3A_569 : i1 to i32
      %sign3A_571 = arith.subi %sign3A_567, %sign3A_570 : i32
      %ne3A_572 = arith.cmpi ne, %sign3A_564, %sign3A_571 : i32
      %rem3A_573 = arith.remsi %add3A_555, %jit3A_556 : i32
      %ne3A_574 = arith.constant 0 : i32
      %ne3A_575 = arith.cmpi ne, %rem3A_573, %ne3A_574 : i32
      %and3A_576 = arith.andi %ne3A_572, %ne3A_575 : i1
      %sub3A_577 = arith.constant 1 : i32
      %sub3A_578 = arith.subi %div3A_557, %sub3A_577 : i32
      %select_n3A_579 = arith.select %and3A_576, %sub3A_578, %div3A_557 : i32
      %rem3A_580 = arith.constant 16 : i32
      %rem3A_581 = arith.remsi %add3A_555, %rem3A_580 : i32
      %mul3A_582 = arith.constant 8 : i32
      %mul3A_583 = arith.muli %select_n3A_579, %mul3A_582 : i32
      %mul3A_584 = arith.constant 2 : i32
      %mul3A_585 = arith.muli %rem3A_581, %mul3A_584 : i32
      %add3A_586 = arith.constant 0 : i32
      %add3A_587 = arith.addi %mul3A_585, %add3A_586 : i32
      %dma_start3A_588 = arith.constant 0 : i32
      %dma_start3A_589 = arith.constant 0 : i32
      %dma_start3A_590 = arith.constant 0 : i32
      %dma_start3A_591 = arith.constant 0 : i32
      %dma_start3A_592 = tpu.memref_slice %arg9[%dma_start3A_588, %dma_start3A_589, %dma_start3A_590, %dma_start3A_591] : memref<2x8x8x128xf32, #tpu.memory_space<vmem>> -> memref<1x8x8x128xf32, #tpu.memory_space<vmem>>
      %dma_start3A_593 = tpu.memref_squeeze %dma_start3A_592 : memref<1x8x8x128xf32, #tpu.memory_space<vmem>> -> memref<8x8x128xf32, #tpu.memory_space<vmem>>
      %dma_start3A_594 = arith.constant 0 : i32
      %dma_start3A_595 = arith.constant 0 : i32
      %dma_start3A_596 = tpu.memref_slice %arg4[%mul3A_583, %rem3A_1, %add3A_587, %dma_start3A_594, %dma_start3A_595] : memref<200x8x32x8x128xf32, #tpu.memory_space<hbm>> -> memref<8x1x1x8x128xf32, #tpu.memory_space<hbm>>
      %dma_start3A_597 = tpu.memref_squeeze %dma_start3A_596 : memref<8x1x1x8x128xf32, #tpu.memory_space<hbm>> -> memref<8x8x128xf32, #tpu.memory_space<hbm>>
      %dma_start3A_598 = arith.constant 0 : i32
      %dma_start3A_599 = arith.constant 0 : i32
      %dma_start3A_600 = tpu.memref_slice %arg4[%mul3A_583, %rem3A_1, %add3A_587, %dma_start3A_598, %dma_start3A_599] : memref<200x8x32x8x128xf32, #tpu.memory_space<hbm>> -> memref<8x1x1x8x128xf32, #tpu.memory_space<hbm>>
      %dma_start3A_601 = tpu.memref_squeeze %dma_start3A_600 : memref<8x1x1x8x128xf32, #tpu.memory_space<hbm>> -> memref<8x8x128xf32, #tpu.memory_space<hbm>>
      %dma_start3A_602 = arith.constant 0 : i32
      %dma_start3A_603 = arith.constant 0 : i32
      %dma_start3A_604 = arith.constant 0 : i32
      %dma_start3A_605 = tpu.memref_slice %arg9[%dma_start3A_588, %dma_start3A_602, %dma_start3A_603, %dma_start3A_604] : memref<2x8x8x128xf32, #tpu.memory_space<vmem>> -> memref<1x8x8x128xf32, #tpu.memory_space<vmem>>
      %dma_start3A_606 = tpu.memref_squeeze %dma_start3A_605 : memref<1x8x8x128xf32, #tpu.memory_space<vmem>> -> memref<8x8x128xf32, #tpu.memory_space<vmem>>
      tpu.enqueue_dma source(%dma_start3A_606 : memref<8x8x128xf32, #tpu.memory_space<vmem>>) target(%dma_start3A_601 : memref<8x8x128xf32, #tpu.memory_space<hbm>>) target_semaphore(%arg13 : memref<!tpu.dma_semaphore, #tpu.memory_space<semaphore_mem>>)
      %mul3A_607 = arith.constant 4 : i32
      %mul3A_608 = arith.muli %mul3A_607, %add3A_509 : i32
      %add3A_609 = arith.addi %select_n3A, %mul3A_608 : i32
      %jit3A_610 = arith.constant 16 : i32
      %div3A_611 = arith.divsi %add3A_609, %jit3A_610 : i32
      %sign3A_612 = arith.constant 0 : i32
      %sign3A_613 = arith.cmpi sgt, %add3A_609, %sign3A_612 : i32
      %sign3A_614 = arith.extui %sign3A_613 : i1 to i32
      %sign3A_615 = arith.constant 0 : i32
      %sign3A_616 = arith.cmpi slt, %add3A_609, %sign3A_615 : i32
      %sign3A_617 = arith.extui %sign3A_616 : i1 to i32
      %sign3A_618 = arith.subi %sign3A_614, %sign3A_617 : i32
      %sign3A_619 = arith.constant 0 : i32
      %sign3A_620 = arith.cmpi sgt, %jit3A_610, %sign3A_619 : i32
      %sign3A_621 = arith.extui %sign3A_620 : i1 to i32
      %sign3A_622 = arith.constant 0 : i32
      %sign3A_623 = arith.cmpi slt, %jit3A_610, %sign3A_622 : i32
      %sign3A_624 = arith.extui %sign3A_623 : i1 to i32
      %sign3A_625 = arith.subi %sign3A_621, %sign3A_624 : i32
      %ne3A_626 = arith.cmpi ne, %sign3A_618, %sign3A_625 : i32
      %rem3A_627 = arith.remsi %add3A_609, %jit3A_610 : i32
      %ne3A_628 = arith.constant 0 : i32
      %ne3A_629 = arith.cmpi ne, %rem3A_627, %ne3A_628 : i32
      %and3A_630 = arith.andi %ne3A_626, %ne3A_629 : i1
      %sub3A_631 = arith.constant 1 : i32
      %sub3A_632 = arith.subi %div3A_611, %sub3A_631 : i32
      %select_n3A_633 = arith.select %and3A_630, %sub3A_632, %div3A_611 : i32
      %rem3A_634 = arith.constant 16 : i32
      %rem3A_635 = arith.remsi %add3A_609, %rem3A_634 : i32
      %mul3A_636 = arith.constant 8 : i32
      %mul3A_637 = arith.muli %select_n3A_633, %mul3A_636 : i32
      %mul3A_638 = arith.constant 2 : i32
      %mul3A_639 = arith.muli %rem3A_635, %mul3A_638 : i32
      %add3A_640 = arith.constant 1 : i32
      %add3A_641 = arith.addi %mul3A_639, %add3A_640 : i32
      %dma_start3A_642 = arith.constant 1 : i32
      %dma_start3A_643 = arith.constant 0 : i32
      %dma_start3A_644 = arith.constant 0 : i32
      %dma_start3A_645 = arith.constant 0 : i32
      %dma_start3A_646 = tpu.memref_slice %arg9[%dma_start3A_642, %dma_start3A_643, %dma_start3A_644, %dma_start3A_645] : memref<2x8x8x128xf32, #tpu.memory_space<vmem>> -> memref<1x8x8x128xf32, #tpu.memory_space<vmem>>
      %dma_start3A_647 = tpu.memref_squeeze %dma_start3A_646 : memref<1x8x8x128xf32, #tpu.memory_space<vmem>> -> memref<8x8x128xf32, #tpu.memory_space<vmem>>
      %dma_start3A_648 = arith.constant 0 : i32
      %dma_start3A_649 = arith.constant 0 : i32
      %dma_start3A_650 = tpu.memref_slice %arg4[%mul3A_637, %rem3A_1, %add3A_641, %dma_start3A_648, %dma_start3A_649] : memref<200x8x32x8x128xf32, #tpu.memory_space<hbm>> -> memref<8x1x1x8x128xf32, #tpu.memory_space<hbm>>
      %dma_start3A_651 = tpu.memref_squeeze %dma_start3A_650 : memref<8x1x1x8x128xf32, #tpu.memory_space<hbm>> -> memref<8x8x128xf32, #tpu.memory_space<hbm>>
      %dma_start3A_652 = arith.constant 0 : i32
      %dma_start3A_653 = arith.constant 0 : i32
      %dma_start3A_654 = tpu.memref_slice %arg4[%mul3A_637, %rem3A_1, %add3A_641, %dma_start3A_652, %dma_start3A_653] : memref<200x8x32x8x128xf32, #tpu.memory_space<hbm>> -> memref<8x1x1x8x128xf32, #tpu.memory_space<hbm>>
      %dma_start3A_655 = tpu.memref_squeeze %dma_start3A_654 : memref<8x1x1x8x128xf32, #tpu.memory_space<hbm>> -> memref<8x8x128xf32, #tpu.memory_space<hbm>>
      %dma_start3A_656 = arith.constant 0 : i32
      %dma_start3A_657 = arith.constant 0 : i32
      %dma_start3A_658 = arith.constant 0 : i32
      %dma_start3A_659 = tpu.memref_slice %arg9[%dma_start3A_642, %dma_start3A_656, %dma_start3A_657, %dma_start3A_658] : memref<2x8x8x128xf32, #tpu.memory_space<vmem>> -> memref<1x8x8x128xf32, #tpu.memory_space<vmem>>
      %dma_start3A_660 = tpu.memref_squeeze %dma_start3A_659 : memref<1x8x8x128xf32, #tpu.memory_space<vmem>> -> memref<8x8x128xf32, #tpu.memory_space<vmem>>
      tpu.enqueue_dma source(%dma_start3A_660 : memref<8x8x128xf32, #tpu.memory_space<vmem>>) target(%dma_start3A_655 : memref<8x8x128xf32, #tpu.memory_space<hbm>>) target_semaphore(%arg13 : memref<!tpu.dma_semaphore, #tpu.memory_space<semaphore_mem>>)
      %add3A_661 = arith.constant 2 : i32
      %add3A_662 = arith.addi %add3A_509, %add3A_661 : i32
      %lt3A_663 = arith.constant 100 : i32
      %lt3A_664 = arith.cmpi slt, %add3A_662, %lt3A_663 : i32
      %convert_element_type3A_665 = arith.extui %lt3A_664 : i1 to i32
      %cond3A_666 = arith.constant 0 : i32
      %cond3A_667 = arith.cmpi ne, %convert_element_type3A_665, %cond3A_666 : i32
      scf.if %cond3A_667 {
        %add3A_668 = arith.constant 2 : i32
        %add3A_669 = arith.addi %add3A_509, %add3A_668 : i32
        %mul3A_670 = arith.constant 4 : i32
        %mul3A_671 = arith.muli %mul3A_670, %add3A_669 : i32
        %add3A_672 = arith.addi %select_n3A, %mul3A_671 : i32
        %jit3A_673 = arith.constant 16 : i32
        %div3A_674 = arith.divsi %add3A_672, %jit3A_673 : i32
        %sign3A_675 = arith.constant 0 : i32
        %sign3A_676 = arith.cmpi sgt, %add3A_672, %sign3A_675 : i32
        %sign3A_677 = arith.extui %sign3A_676 : i1 to i32
        %sign3A_678 = arith.constant 0 : i32
        %sign3A_679 = arith.cmpi slt, %add3A_672, %sign3A_678 : i32
        %sign3A_680 = arith.extui %sign3A_679 : i1 to i32
        %sign3A_681 = arith.subi %sign3A_677, %sign3A_680 : i32
        %sign3A_682 = arith.constant 0 : i32
        %sign3A_683 = arith.cmpi sgt, %jit3A_673, %sign3A_682 : i32
        %sign3A_684 = arith.extui %sign3A_683 : i1 to i32
        %sign3A_685 = arith.constant 0 : i32
        %sign3A_686 = arith.cmpi slt, %jit3A_673, %sign3A_685 : i32
        %sign3A_687 = arith.extui %sign3A_686 : i1 to i32
        %sign3A_688 = arith.subi %sign3A_684, %sign3A_687 : i32
        %ne3A_689 = arith.cmpi ne, %sign3A_681, %sign3A_688 : i32
        %rem3A_690 = arith.remsi %add3A_672, %jit3A_673 : i32
        %ne3A_691 = arith.constant 0 : i32
        %ne3A_692 = arith.cmpi ne, %rem3A_690, %ne3A_691 : i32
        %and3A_693 = arith.andi %ne3A_689, %ne3A_692 : i1
        %sub3A_694 = arith.constant 1 : i32
        %sub3A_695 = arith.subi %div3A_674, %sub3A_694 : i32
        %select_n3A_696 = arith.select %and3A_693, %sub3A_695, %div3A_674 : i32
        %rem3A_697 = arith.constant 16 : i32
        %rem3A_698 = arith.remsi %add3A_672, %rem3A_697 : i32
        %mul3A_699 = arith.constant 8 : i32
        %mul3A_700 = arith.muli %select_n3A_696, %mul3A_699 : i32
        %mul3A_701 = arith.constant 256 : i32
        %mul3A_702 = arith.muli %rem3A_698, %mul3A_701 : i32
        %dma_start3A_703 = tpu.memref_slice %arg2[%mul3A_700, %mul3A_702] : memref<200x4096xi32, #tpu.memory_space<hbm>> -> memref<8x256xi32, #tpu.memory_space<hbm>>
        %dma_start3A_704 = tpu.memref_slice %arg2[%mul3A_700, %mul3A_702] : memref<200x4096xi32, #tpu.memory_space<hbm>> -> memref<8x256xi32, #tpu.memory_space<hbm>>
        tpu.enqueue_dma source(%dma_start3A_704 : memref<8x256xi32, #tpu.memory_space<hbm>>) target(%arg7 : memref<8x256xi32, #tpu.memory_space<vmem>>) target_semaphore(%arg11 : memref<!tpu.dma_semaphore, #tpu.memory_space<semaphore_mem>>)
      } else {
      }
    }
    %scan3A_138 = arith.constant 50 : i32
    %add3A_139 = arith.constant 0 : i32
    %add3A_140 = arith.addi %select_n3A, %add3A_139 : i32
    %jit3A_141 = arith.constant 16 : i32
    %div3A_142 = arith.divsi %add3A_140, %jit3A_141 : i32
    %sign3A_143 = arith.constant 0 : i32
    %sign3A_144 = arith.cmpi sgt, %add3A_140, %sign3A_143 : i32
    %sign3A_145 = arith.extui %sign3A_144 : i1 to i32
    %sign3A_146 = arith.constant 0 : i32
    %sign3A_147 = arith.cmpi slt, %add3A_140, %sign3A_146 : i32
    %sign3A_148 = arith.extui %sign3A_147 : i1 to i32
    %sign3A_149 = arith.subi %sign3A_145, %sign3A_148 : i32
    %sign3A_150 = arith.constant 0 : i32
    %sign3A_151 = arith.cmpi sgt, %jit3A_141, %sign3A_150 : i32
    %sign3A_152 = arith.extui %sign3A_151 : i1 to i32
    %sign3A_153 = arith.constant 0 : i32
    %sign3A_154 = arith.cmpi slt, %jit3A_141, %sign3A_153 : i32
    %sign3A_155 = arith.extui %sign3A_154 : i1 to i32
    %sign3A_156 = arith.subi %sign3A_152, %sign3A_155 : i32
    %ne3A_157 = arith.cmpi ne, %sign3A_149, %sign3A_156 : i32
    %rem3A_158 = arith.remsi %add3A_140, %jit3A_141 : i32
    %ne3A_159 = arith.constant 0 : i32
    %ne3A_160 = arith.cmpi ne, %rem3A_158, %ne3A_159 : i32
    %and3A_161 = arith.andi %ne3A_157, %ne3A_160 : i1
    %sub3A_162 = arith.constant 1 : i32
    %sub3A_163 = arith.subi %div3A_142, %sub3A_162 : i32
    %select_n3A_164 = arith.select %and3A_161, %sub3A_163, %div3A_142 : i32
    %rem3A_165 = arith.constant 16 : i32
    %rem3A_166 = arith.remsi %add3A_140, %rem3A_165 : i32
    %mul3A_167 = arith.constant 8 : i32
    %mul3A_168 = arith.muli %select_n3A_164, %mul3A_167 : i32
    %mul3A_169 = arith.constant 2 : i32
    %mul3A_170 = arith.muli %rem3A_166, %mul3A_169 : i32
    %add3A_171 = arith.constant 0 : i32
    %add3A_172 = arith.addi %mul3A_170, %add3A_171 : i32
    %dma_wait3A = arith.constant 0 : i32
    %dma_wait3A_173 = arith.constant 0 : i32
    %dma_wait3A_174 = arith.constant 0 : i32
    %dma_wait3A_175 = arith.constant 0 : i32
    %dma_wait3A_176 = tpu.memref_slice %arg8[%dma_wait3A, %dma_wait3A_173, %dma_wait3A_174, %dma_wait3A_175] : memref<2x8x8x128xf32, #tpu.memory_space<vmem>> -> memref<1x8x8x128xf32, #tpu.memory_space<vmem>>
    %dma_wait3A_177 = tpu.memref_squeeze %dma_wait3A_176 : memref<1x8x8x128xf32, #tpu.memory_space<vmem>> -> memref<8x8x128xf32, #tpu.memory_space<vmem>>
    %dma_wait3A_178 = arith.constant 0 : i32
    %dma_wait3A_179 = arith.constant 0 : i32
    %dma_wait3A_180 = tpu.memref_slice %arg4[%mul3A_168, %rem3A_1, %add3A_172, %dma_wait3A_178, %dma_wait3A_179] : memref<200x8x32x8x128xf32, #tpu.memory_space<hbm>> -> memref<8x1x1x8x128xf32, #tpu.memory_space<hbm>>
    %dma_wait3A_181 = tpu.memref_squeeze %dma_wait3A_180 : memref<8x1x1x8x128xf32, #tpu.memory_space<hbm>> -> memref<8x8x128xf32, #tpu.memory_space<hbm>>
    %dma_wait3A_182 = arith.constant 0 : i32
    %dma_wait3A_183 = arith.constant 0 : i32
    %dma_wait3A_184 = tpu.memref_slice %arg4[%mul3A_168, %rem3A_1, %add3A_172, %dma_wait3A_182, %dma_wait3A_183] : memref<200x8x32x8x128xf32, #tpu.memory_space<hbm>> -> memref<8x1x1x8x128xf32, #tpu.memory_space<hbm>>
    %dma_wait3A_185 = tpu.memref_squeeze %dma_wait3A_184 : memref<8x1x1x8x128xf32, #tpu.memory_space<hbm>> -> memref<8x8x128xf32, #tpu.memory_space<hbm>>
    %dma_wait3A_186 = arith.constant 0 : i32
    %dma_wait3A_187 = arith.constant 0 : i32
    %dma_wait3A_188 = arith.constant 0 : i32
    %dma_wait3A_189 = tpu.memref_slice %arg8[%dma_wait3A, %dma_wait3A_186, %dma_wait3A_187, %dma_wait3A_188] : memref<2x8x8x128xf32, #tpu.memory_space<vmem>> -> memref<1x8x8x128xf32, #tpu.memory_space<vmem>>
    %dma_wait3A_190 = tpu.memref_squeeze %dma_wait3A_189 : memref<1x8x8x128xf32, #tpu.memory_space<vmem>> -> memref<8x8x128xf32, #tpu.memory_space<vmem>>
    tpu.wait_dma2 semaphore(%arg12 : memref<!tpu.dma_semaphore, #tpu.memory_space<semaphore_mem>>) src(%dma_wait3A_190 : memref<8x8x128xf32, #tpu.memory_space<vmem>>) dst(%dma_wait3A_185 : memref<8x8x128xf32, #tpu.memory_space<hbm>>)
    %add3A_191 = arith.constant 0 : i32
    %add3A_192 = arith.addi %select_n3A, %add3A_191 : i32
    %jit3A_193 = arith.constant 16 : i32
    %div3A_194 = arith.divsi %add3A_192, %jit3A_193 : i32
    %sign3A_195 = arith.constant 0 : i32
    %sign3A_196 = arith.cmpi sgt, %add3A_192, %sign3A_195 : i32
    %sign3A_197 = arith.extui %sign3A_196 : i1 to i32
    %sign3A_198 = arith.constant 0 : i32
    %sign3A_199 = arith.cmpi slt, %add3A_192, %sign3A_198 : i32
    %sign3A_200 = arith.extui %sign3A_199 : i1 to i32
    %sign3A_201 = arith.subi %sign3A_197, %sign3A_200 : i32
    %sign3A_202 = arith.constant 0 : i32
    %sign3A_203 = arith.cmpi sgt, %jit3A_193, %sign3A_202 : i32
    %sign3A_204 = arith.extui %sign3A_203 : i1 to i32
    %sign3A_205 = arith.constant 0 : i32
    %sign3A_206 = arith.cmpi slt, %jit3A_193, %sign3A_205 : i32
    %sign3A_207 = arith.extui %sign3A_206 : i1 to i32
    %sign3A_208 = arith.subi %sign3A_204, %sign3A_207 : i32
    %ne3A_209 = arith.cmpi ne, %sign3A_201, %sign3A_208 : i32
    %rem3A_210 = arith.remsi %add3A_192, %jit3A_193 : i32
    %ne3A_211 = arith.constant 0 : i32
    %ne3A_212 = arith.cmpi ne, %rem3A_210, %ne3A_211 : i32
    %and3A_213 = arith.andi %ne3A_209, %ne3A_212 : i1
    %sub3A_214 = arith.constant 1 : i32
    %sub3A_215 = arith.subi %div3A_194, %sub3A_214 : i32
    %select_n3A_216 = arith.select %and3A_213, %sub3A_215, %div3A_194 : i32
    %rem3A_217 = arith.constant 16 : i32
    %rem3A_218 = arith.remsi %add3A_192, %rem3A_217 : i32
    %mul3A_219 = arith.constant 8 : i32
    %mul3A_220 = arith.muli %select_n3A_216, %mul3A_219 : i32
    %mul3A_221 = arith.constant 2 : i32
    %mul3A_222 = arith.muli %rem3A_218, %mul3A_221 : i32
    %add3A_223 = arith.constant 0 : i32
    %add3A_224 = arith.addi %mul3A_222, %add3A_223 : i32
    %dma_wait3A_225 = arith.constant 0 : i32
    %dma_wait3A_226 = arith.constant 0 : i32
    %dma_wait3A_227 = arith.constant 0 : i32
    %dma_wait3A_228 = arith.constant 0 : i32
    %dma_wait3A_229 = tpu.memref_slice %arg8[%dma_wait3A_225, %dma_wait3A_226, %dma_wait3A_227, %dma_wait3A_228] : memref<2x8x8x128xf32, #tpu.memory_space<vmem>> -> memref<1x8x8x128xf32, #tpu.memory_space<vmem>>
    %dma_wait3A_230 = tpu.memref_squeeze %dma_wait3A_229 : memref<1x8x8x128xf32, #tpu.memory_space<vmem>> -> memref<8x8x128xf32, #tpu.memory_space<vmem>>
    %dma_wait3A_231 = arith.constant 0 : i32
    %dma_wait3A_232 = arith.constant 0 : i32
    %dma_wait3A_233 = tpu.memref_slice %arg4[%mul3A_220, %rem3A_1, %add3A_224, %dma_wait3A_231, %dma_wait3A_232] : memref<200x8x32x8x128xf32, #tpu.memory_space<hbm>> -> memref<8x1x1x8x128xf32, #tpu.memory_space<hbm>>
    %dma_wait3A_234 = tpu.memref_squeeze %dma_wait3A_233 : memref<8x1x1x8x128xf32, #tpu.memory_space<hbm>> -> memref<8x8x128xf32, #tpu.memory_space<hbm>>
    %dma_wait3A_235 = arith.constant 0 : i32
    %dma_wait3A_236 = arith.constant 0 : i32
    %dma_wait3A_237 = tpu.memref_slice %arg4[%mul3A_220, %rem3A_1, %add3A_224, %dma_wait3A_235, %dma_wait3A_236] : memref<200x8x32x8x128xf32, #tpu.memory_space<hbm>> -> memref<8x1x1x8x128xf32, #tpu.memory_space<hbm>>
    %dma_wait3A_238 = tpu.memref_squeeze %dma_wait3A_237 : memref<8x1x1x8x128xf32, #tpu.memory_space<hbm>> -> memref<8x8x128xf32, #tpu.memory_space<hbm>>
    %dma_wait3A_239 = arith.constant 0 : i32
    %dma_wait3A_240 = arith.constant 0 : i32
    %dma_wait3A_241 = arith.constant 0 : i32
    %dma_wait3A_242 = tpu.memref_slice %arg8[%dma_wait3A_225, %dma_wait3A_239, %dma_wait3A_240, %dma_wait3A_241] : memref<2x8x8x128xf32, #tpu.memory_space<vmem>> -> memref<1x8x8x128xf32, #tpu.memory_space<vmem>>
    %dma_wait3A_243 = tpu.memref_squeeze %dma_wait3A_242 : memref<1x8x8x128xf32, #tpu.memory_space<vmem>> -> memref<8x8x128xf32, #tpu.memory_space<vmem>>
    tpu.wait_dma2 semaphore(%arg12 : memref<!tpu.dma_semaphore, #tpu.memory_space<semaphore_mem>>) src(%dma_wait3A_243 : memref<8x8x128xf32, #tpu.memory_space<vmem>>) dst(%dma_wait3A_238 : memref<8x8x128xf32, #tpu.memory_space<hbm>>)
    %add3A_244 = arith.constant 0 : i32
    %add3A_245 = arith.addi %select_n3A, %add3A_244 : i32
    %jit3A_246 = arith.constant 16 : i32
    %div3A_247 = arith.divsi %add3A_245, %jit3A_246 : i32
    %sign3A_248 = arith.constant 0 : i32
    %sign3A_249 = arith.cmpi sgt, %add3A_245, %sign3A_248 : i32
    %sign3A_250 = arith.extui %sign3A_249 : i1 to i32
    %sign3A_251 = arith.constant 0 : i32
    %sign3A_252 = arith.cmpi slt, %add3A_245, %sign3A_251 : i32
    %sign3A_253 = arith.extui %sign3A_252 : i1 to i32
    %sign3A_254 = arith.subi %sign3A_250, %sign3A_253 : i32
    %sign3A_255 = arith.constant 0 : i32
    %sign3A_256 = arith.cmpi sgt, %jit3A_246, %sign3A_255 : i32
    %sign3A_257 = arith.extui %sign3A_256 : i1 to i32
    %sign3A_258 = arith.constant 0 : i32
    %sign3A_259 = arith.cmpi slt, %jit3A_246, %sign3A_258 : i32
    %sign3A_260 = arith.extui %sign3A_259 : i1 to i32
    %sign3A_261 = arith.subi %sign3A_257, %sign3A_260 : i32
    %ne3A_262 = arith.cmpi ne, %sign3A_254, %sign3A_261 : i32
    %rem3A_263 = arith.remsi %add3A_245, %jit3A_246 : i32
    %ne3A_264 = arith.constant 0 : i32
    %ne3A_265 = arith.cmpi ne, %rem3A_263, %ne3A_264 : i32
    %and3A_266 = arith.andi %ne3A_262, %ne3A_265 : i1
    %sub3A_267 = arith.constant 1 : i32
    %sub3A_268 = arith.subi %div3A_247, %sub3A_267 : i32
    %select_n3A_269 = arith.select %and3A_266, %sub3A_268, %div3A_247 : i32
    %rem3A_270 = arith.constant 16 : i32
    %rem3A_271 = arith.remsi %add3A_245, %rem3A_270 : i32
    %mul3A_272 = arith.constant 8 : i32
    %mul3A_273 = arith.muli %select_n3A_269, %mul3A_272 : i32
    %mul3A_274 = arith.constant 2 : i32
    %mul3A_275 = arith.muli %rem3A_271, %mul3A_274 : i32
    %add3A_276 = arith.constant 0 : i32
    %add3A_277 = arith.addi %mul3A_275, %add3A_276 : i32
    %dma_wait3A_278 = arith.constant 0 : i32
    %dma_wait3A_279 = arith.constant 0 : i32
    %dma_wait3A_280 = arith.constant 0 : i32
    %dma_wait3A_281 = arith.constant 0 : i32
    %dma_wait3A_282 = tpu.memref_slice %arg9[%dma_wait3A_278, %dma_wait3A_279, %dma_wait3A_280, %dma_wait3A_281] : memref<2x8x8x128xf32, #tpu.memory_space<vmem>> -> memref<1x8x8x128xf32, #tpu.memory_space<vmem>>
    %dma_wait3A_283 = tpu.memref_squeeze %dma_wait3A_282 : memref<1x8x8x128xf32, #tpu.memory_space<vmem>> -> memref<8x8x128xf32, #tpu.memory_space<vmem>>
    %dma_wait3A_284 = arith.constant 0 : i32
    %dma_wait3A_285 = arith.constant 0 : i32
    %dma_wait3A_286 = tpu.memref_slice %arg4[%mul3A_273, %rem3A_1, %add3A_277, %dma_wait3A_284, %dma_wait3A_285] : memref<200x8x32x8x128xf32, #tpu.memory_space<hbm>> -> memref<8x1x1x8x128xf32, #tpu.memory_space<hbm>>
    %dma_wait3A_287 = tpu.memref_squeeze %dma_wait3A_286 : memref<8x1x1x8x128xf32, #tpu.memory_space<hbm>> -> memref<8x8x128xf32, #tpu.memory_space<hbm>>
    %dma_wait3A_288 = arith.constant 0 : i32
    %dma_wait3A_289 = arith.constant 0 : i32
    %dma_wait3A_290 = tpu.memref_slice %arg4[%mul3A_273, %rem3A_1, %add3A_277, %dma_wait3A_288, %dma_wait3A_289] : memref<200x8x32x8x128xf32, #tpu.memory_space<hbm>> -> memref<8x1x1x8x128xf32, #tpu.memory_space<hbm>>
    %dma_wait3A_291 = tpu.memref_squeeze %dma_wait3A_290 : memref<8x1x1x8x128xf32, #tpu.memory_space<hbm>> -> memref<8x8x128xf32, #tpu.memory_space<hbm>>
    %dma_wait3A_292 = arith.constant 0 : i32
    %dma_wait3A_293 = arith.constant 0 : i32
    %dma_wait3A_294 = arith.constant 0 : i32
    %dma_wait3A_295 = tpu.memref_slice %arg9[%dma_wait3A_278, %dma_wait3A_292, %dma_wait3A_293, %dma_wait3A_294] : memref<2x8x8x128xf32, #tpu.memory_space<vmem>> -> memref<1x8x8x128xf32, #tpu.memory_space<vmem>>
    %dma_wait3A_296 = tpu.memref_squeeze %dma_wait3A_295 : memref<1x8x8x128xf32, #tpu.memory_space<vmem>> -> memref<8x8x128xf32, #tpu.memory_space<vmem>>
    tpu.wait_dma2 semaphore(%arg13 : memref<!tpu.dma_semaphore, #tpu.memory_space<semaphore_mem>>) src(%dma_wait3A_296 : memref<8x8x128xf32, #tpu.memory_space<vmem>>) dst(%dma_wait3A_291 : memref<8x8x128xf32, #tpu.memory_space<hbm>>)
    %add3A_297 = arith.constant 0 : i32
    %add3A_298 = arith.addi %select_n3A, %add3A_297 : i32
    %jit3A_299 = arith.constant 16 : i32
    %div3A_300 = arith.divsi %add3A_298, %jit3A_299 : i32
    %sign3A_301 = arith.constant 0 : i32
    %sign3A_302 = arith.cmpi sgt, %add3A_298, %sign3A_301 : i32
    %sign3A_303 = arith.extui %sign3A_302 : i1 to i32
    %sign3A_304 = arith.constant 0 : i32
    %sign3A_305 = arith.cmpi slt, %add3A_298, %sign3A_304 : i32
    %sign3A_306 = arith.extui %sign3A_305 : i1 to i32
    %sign3A_307 = arith.subi %sign3A_303, %sign3A_306 : i32
    %sign3A_308 = arith.constant 0 : i32
    %sign3A_309 = arith.cmpi sgt, %jit3A_299, %sign3A_308 : i32
    %sign3A_310 = arith.extui %sign3A_309 : i1 to i32
    %sign3A_311 = arith.constant 0 : i32
    %sign3A_312 = arith.cmpi slt, %jit3A_299, %sign3A_311 : i32
    %sign3A_313 = arith.extui %sign3A_312 : i1 to i32
    %sign3A_314 = arith.subi %sign3A_310, %sign3A_313 : i32
    %ne3A_315 = arith.cmpi ne, %sign3A_307, %sign3A_314 : i32
    %rem3A_316 = arith.remsi %add3A_298, %jit3A_299 : i32
    %ne3A_317 = arith.constant 0 : i32
    %ne3A_318 = arith.cmpi ne, %rem3A_316, %ne3A_317 : i32
    %and3A_319 = arith.andi %ne3A_315, %ne3A_318 : i1
    %sub3A_320 = arith.constant 1 : i32
    %sub3A_321 = arith.subi %div3A_300, %sub3A_320 : i32
    %select_n3A_322 = arith.select %and3A_319, %sub3A_321, %div3A_300 : i32
    %rem3A_323 = arith.constant 16 : i32
    %rem3A_324 = arith.remsi %add3A_298, %rem3A_323 : i32
    %mul3A_325 = arith.constant 8 : i32
    %mul3A_326 = arith.muli %select_n3A_322, %mul3A_325 : i32
    %mul3A_327 = arith.constant 2 : i32
    %mul3A_328 = arith.muli %rem3A_324, %mul3A_327 : i32
    %add3A_329 = arith.constant 0 : i32
    %add3A_330 = arith.addi %mul3A_328, %add3A_329 : i32
    %dma_wait3A_331 = arith.constant 0 : i32
    %dma_wait3A_332 = arith.constant 0 : i32
    %dma_wait3A_333 = arith.constant 0 : i32
    %dma_wait3A_334 = arith.constant 0 : i32
    %dma_wait3A_335 = tpu.memref_slice %arg9[%dma_wait3A_331, %dma_wait3A_332, %dma_wait3A_333, %dma_wait3A_334] : memref<2x8x8x128xf32, #tpu.memory_space<vmem>> -> memref<1x8x8x128xf32, #tpu.memory_space<vmem>>
    %dma_wait3A_336 = tpu.memref_squeeze %dma_wait3A_335 : memref<1x8x8x128xf32, #tpu.memory_space<vmem>> -> memref<8x8x128xf32, #tpu.memory_space<vmem>>
    %dma_wait3A_337 = arith.constant 0 : i32
    %dma_wait3A_338 = arith.constant 0 : i32
    %dma_wait3A_339 = tpu.memref_slice %arg4[%mul3A_326, %rem3A_1, %add3A_330, %dma_wait3A_337, %dma_wait3A_338] : memref<200x8x32x8x128xf32, #tpu.memory_space<hbm>> -> memref<8x1x1x8x128xf32, #tpu.memory_space<hbm>>
    %dma_wait3A_340 = tpu.memref_squeeze %dma_wait3A_339 : memref<8x1x1x8x128xf32, #tpu.memory_space<hbm>> -> memref<8x8x128xf32, #tpu.memory_space<hbm>>
    %dma_wait3A_341 = arith.constant 0 : i32
    %dma_wait3A_342 = arith.constant 0 : i32
    %dma_wait3A_343 = tpu.memref_slice %arg4[%mul3A_326, %rem3A_1, %add3A_330, %dma_wait3A_341, %dma_wait3A_342] : memref<200x8x32x8x128xf32, #tpu.memory_space<hbm>> -> memref<8x1x1x8x128xf32, #tpu.memory_space<hbm>>
    %dma_wait3A_344 = tpu.memref_squeeze %dma_wait3A_343 : memref<8x1x1x8x128xf32, #tpu.memory_space<hbm>> -> memref<8x8x128xf32, #tpu.memory_space<hbm>>
    %dma_wait3A_345 = arith.constant 0 : i32
    %dma_wait3A_346 = arith.constant 0 : i32
    %dma_wait3A_347 = arith.constant 0 : i32
    %dma_wait3A_348 = tpu.memref_slice %arg9[%dma_wait3A_331, %dma_wait3A_345, %dma_wait3A_346, %dma_wait3A_347] : memref<2x8x8x128xf32, #tpu.memory_space<vmem>> -> memref<1x8x8x128xf32, #tpu.memory_space<vmem>>
    %dma_wait3A_349 = tpu.memref_squeeze %dma_wait3A_348 : memref<1x8x8x128xf32, #tpu.memory_space<vmem>> -> memref<8x8x128xf32, #tpu.memory_space<vmem>>
    tpu.wait_dma2 semaphore(%arg13 : memref<!tpu.dma_semaphore, #tpu.memory_space<semaphore_mem>>) src(%dma_wait3A_349 : memref<8x8x128xf32, #tpu.memory_space<vmem>>) dst(%dma_wait3A_344 : memref<8x8x128xf32, #tpu.memory_space<hbm>>)
    return
  }
}

</mosaic_0001>

<sc_bundles>
// kernel: _lookup.3.cloned.1.call-start
scs
__scs_entry_jumppad:
0x0: {  	(pc) =	sbr.rel $0x88, $3  }
0x1: {  	(tag) =	ssettag $0x0;
	lr =	simm.s32 $0x1  }
0x2: {  	[smem:$0x3F9F] =	sst lr;
	_ =	strace $0xD0000000  }
0x3: {  	_ = 	snop  }
0x4: {  	_ = 	snop  }
0x5: {  	_ = 	snop  }
0x6: {  	_ = 	snop  }
0x7: {  	_ = 	snop  }
__scs_overlays_trampoline_lowered:
0x8: {  	[smem:$0x3FAE] =	sst s0  }
0x9: {  	[smem:$0x3FAF] =	sst s1  }
0xa: {  	[smem:$0x3FB0] =	sst s2  }
0xb: {  	[smem:$0x3FB1] =	sst s3  }
0xc: {  	[smem:$0x3FB2] =	sst s4  }
0xd: {  	[smem:$0x3FB3] =	sst s5  }
0xe: {  	[smem:$0x3FB4] =	sst s6  }
0xf: {  	[smem:$0x3FB5] =	sst s7  }
0x10: {  	[smem:$0x3FB6] =	sst s8  }
0x11: {  	[smem:$0x3FB7] =	sst s9;
	s0 =	simm.s32 @!p0 $0x0  }
0x12: {  	s1 =	sld [smem:$0x3F9D];
	s0 =	simm.s32 @p0 $0x1  }
0x13: {  	[smem:$0x3FB8] =	sst s0;
	s0 =	simm.s32 @!p1 $0x0  }
0x14: {  	s2 =	sld [smem:$0x3F9C];
	s0 =	simm.s32 @p1 $0x1  }
0x15: {  	[smem:$0x3FB9] =	sst s0;
	s0 =	simm.s32 @!p2 $0x0  }
0x16: {  	s3 =	sld [smem:$0x3FDB];
	s0 =	simm.s32 @p2 $0x1  }
0x17: {  	s4 =	simm.s32 $0x1BF5;
	[smem:$0x3FBB] =	sst s0  }
0x18: {  	s0 =	sld [smem:$0x3F9E];
	_ =	swait.ge [sflag:s4], $0x0  }
0x19: {  	s7 =	sld [smem:$0x3F9F]  }
0x1a: {  	s8 =	sadd.s32 $0xFFFFE003, lr  }
0x1b: {  	s9 =	sadd.s32 $0xFFFFFEF7, lr;
	s5 =	simm.s32 $0xFFFFFFFF;
	p2 =	slt.u32 s8, $0xFFFFF086  }
0x1c: {  	p1 =	slt.u32 s9, $0xF7A;
	s5 =	simm.s32 @!p2 $0x0  }
0x1d: {  	s5 =	simm.s32 @p1 $0x1;
	p0 =	seq.s32 s7, s2  }
0x1e: {  	s7 =	smul.u32 @!p0 $0xF7A, s2;
	p2 =	seq.s32 @!p0 s5, $0x0  }
0x1f: {  	s9 =	smul.u32 $0xF7A, s1;
	s8 =	simm.s32 @!p0 $0x1BF5;
	p2 =	por !p2, p0  }
0x20: {  	[sflag:s8] =	ssyncset.s32 @!p0 $0xFFFFF086;
	s6 =	sadd.s32 @!p0 s3, s7;
	s7 =	simm.s32 @!p0 $0x108  }
0x21: {  	s3 =	sadd.s32 s3, s9;
	s6 =	sadd.s32 @!p0 $0x88, s6;
	s7 =	simm.s32 @p2 $0x1082  }
0x22: {  	[simem:s7], [sflag:s8] =	dma.local @!p0 [hbm:s6], $0xF7A  }
0x23: {  	s9 =	sor.u32 $0xD0000000, s2;
	s6 =	simm.s32 $0x108;
	_ =	swait.ge @!p0 [sflag:s8], $0x0  }
0x24: {  	s3 =	sadd.s32 $0x88, s3;
	s6 =	simm.s32 @!p1 $0x1082;
	[sflag:s4] =	ssyncset.s32 $0xFFFFF086  }
0x25: {  	[simem:s6], [sflag:s4] =	dma.local [hbm:s3], $0xF7A  }
0x26: {  	[smem:$0x3F9F] =	sst s1;
	(tag) =	ssettag s2;
	_ =	strace s9  }
0x27: {  	s1 =	sld [smem:$0x3FAF]  }
0x28: {  	s2 =	sld [smem:$0x3FB0]  }
0x29: {  	s4 =	sld [smem:$0x3FB2]  }
0x2a: {  	p0 =	seq.s32 s5, $0x0;
	s5 =	sld [smem:$0x3FB3]  }
0x2b: {  	s6 =	sld [smem:$0x3FB4]  }
0x2c: {  	s7 =	sld [smem:$0x3FB5]  }
0x2d: {  	s3 =	simm.s32 $0x108;
	s8 =	sld [smem:$0x3FB6]  }
0x2e: {  	s3 =	simm.s32 @!p0 $0x1082;
	s9 =	sld [smem:$0x3FB7]  }
0x2f: {  	lr =	sadd.s32 s0, s3;
	s0 =	sld [smem:$0x3FAE]  }
0x30: {  	s3 =	sld [smem:$0x3FB1]  }
0x31: {  	[smem:$0x3FBA] =	sst s10  }
0x32: {  	s10 =	sld [smem:$0x3FB8];
	_ =	sdelay $0x3  }
0x33: {  	p0 =	seq.s32 s10, $0x1;
	s10 =	sld [smem:$0x3FBA];
	_ =	sdelay $0x3  }
0x34: {  	[smem:$0x3FBA] =	sst s10  }
0x35: {  	s10 =	sld [smem:$0x3FB9];
	_ =	sdelay $0x3  }
0x36: {  	p1 =	seq.s32 s10, $0x1;
	s10 =	sld [smem:$0x3FBA];
	_ =	sdelay $0x3  }
0x37: {  	[smem:$0x3FBA] =	sst s10  }
0x38: {  	s10 =	sld [smem:$0x3FBB]  }
0x39: {  	_ = 	snop;
	(pc) =	sbr.ind lr, $3  }
0x3a: {  	_ = 	snop  }
0x3b: {  	_ = 	snop  }
0x3c: {  	p2 =	seq.s32 s10, $0x1;
	s10 =	sld [smem:$0x3FBA]  }
0x3d: {  	_ =	shalt  }
0x3e: {  	_ =	shalt  }
0x3f: {  	_ =	shalt  }
0x40: {  	_ =	shalt  }
0x41: {  	_ =	shalt  }
0x42: {  	_ =	shalt  }
0x43: {  	_ =	shalt  }
0x44: {  	_ =	shalt  }
0x45: {  	_ =	shalt  }
0x46: {  	_ =	shalt  }
0x47: {  	_ =	shalt  }
0x48: {  	_ =	shalt  }
0x49: {  	_ =	shalt  }
0x4a: {  	_ =	shalt  }
0x4b: {  	_ =	shalt  }
0x4c: {  	_ =	shalt  }
0x4d: {  	_ =	shalt  }
0x4e: {  	_ =	shalt  }
0x4f: {  	_ =	shalt  }
0x50: {  	_ =	shalt  }
0x51: {  	_ =	shalt  }
0x52: {  	_ =	shalt  }
0x53: {  	_ =	shalt  }
0x54: {  	_ =	shalt  }
0x55: {  	_ =	shalt  }
0x56: {  	_ =	shalt  }
0x57: {  	_ =	shalt  }
0x58: {  	_ =	shalt  }
0x59: {  	_ =	shalt  }
0x5a: {  	_ =	shalt  }
0x5b: {  	_ =	shalt  }
0x5c: {  	_ =	shalt  }
0x5d: {  	_ =	shalt  }
0x5e: {  	_ =	shalt  }
0x5f: {  	_ =	shalt  }
0x60: {  	_ =	shalt  }
0x61: {  	_ =	shalt  }
0x62: {  	_ =	shalt  }
0x63: {  	_ =	shalt  }
0x64: {  	_ =	shalt  }
0x65: {  	_ =	shalt  }
0x66: {  	_ =	shalt  }
0x67: {  	_ =	shalt  }
0x68: {  	_ =	shalt  }
0x69: {  	_ =	shalt  }
0x6a: {  	_ =	shalt  }
0x6b: {  	_ =	shalt  }
0x6c: {  	_ =	shalt  }
0x6d: {  	_ =	shalt  }
0x6e: {  	_ =	shalt  }
0x6f: {  	_ =	shalt  }
0x70: {  	_ =	shalt  }
0x71: {  	_ =	shalt  }
0x72: {  	_ =	shalt  }
0x73: {  	_ =	shalt  }
0x74: {  	_ =	shalt  }
0x75: {  	_ =	shalt  }
0x76: {  	_ =	shalt  }
0x77: {  	_ =	shalt  }
0x78: {  	_ =	shalt  }
0x79: {  	_ =	shalt  }
0x7a: {  	_ =	shalt  }
0x7b: {  	_ =	shalt  }
0x7c: {  	_ =	shalt  }
0x7d: {  	_ =	shalt  }
0x7e: {  	_ =	shalt  }
0x7f: {  	_ =	shalt  }
0x80: {  	_ =	shalt  }
0x81: {  	_ =	shalt  }
0x82: {  	_ =	shalt  }
0x83: {  	_ =	shalt  }
0x84: {  	_ =	shalt  }
0x85: {  	_ =	shalt  }
0x86: {  	_ =	shalt  }
0x87: {  	_ =	shalt  }
.Lfunc_end0:
.L_simem_size_0:
called_computation_lowered:
.L_overlay_start_0:
0x88: {  	s2 =	sld [smem:$0x3FD9]  }
0x89: {  	s3 =	sld [smem:$0x3FFE];
	_ =	sdelay $0x1  }
0x8a: {  	s1 =	srdreg.scid  }
0x8b: {  	s0 =	sand.u32 $0x1, s1  }
0x8c: {  	s17 =	sshll.u32 s0, $0xA;
	s2 =	sadd.s32 s3, s2  }
0x8d: {  	s2 =	sadd.s32 s2, s17  }
0x8e: {  	[smem:$0x3FC6] =	sst s2  }
0x8f: {  	_ = 	snop  }
0x90: {  	s2 =	sld [smem:$0x3FC8]  }
0x91: {  	s18 =	sld [smem:$0x3FD0];
	(tm) =	ssettm $0x1  }
0x92: {  	s4 =	sld [smem:$0x3FFB];
	_ =	sdelay $0x3  }
0x93: {  	_ =	strace s4  }
0x94: {  	s4 =	sld [smem:$0x3FFC];
	_ =	sdelay $0x3  }
0x95: {  	_ =	strace s4  }
0x96: {  	s4 =	sld [smem:$0x3FFD];
	_ =	sdelay $0x3  }
0x97: {  	_ =	strace s4  }
0x98: {  	_ =	strace $0x8FFFFFFF  }
0x99: {  	s19 =	sld [smem:$0x3FDB];
	_ =	sdelay $0x1  }
0x9a: {  	s5 =	simm.s32 $_scs_section_size  }
0x9b: {  	s6 =	simm.s32 $_size__tile_overlayer_lowered;
	s7 =	simm.s32 $_tile_overlayer_lowered  }
0x9c: {  	s22 =	simm.s32 $0x1BFF;
	s21 =	sshll.u32 s7, $0x1;
	s4 =	sadd.s32 s5, s19  }
0x9d: {  	s8 =	simm.s32 $0x0;
	s20 =	sshll.u32 s6, $0x1;
	s6 =	sadd.s32 s21, s4  }
0x9e: {  	[timem:s8], [sflag:s22] =	dma.local [hbm:s6], s20  }
0x9f: {  	_ =	swait.ge [sflag:s22], s20  }
0xa0: {  	s5 =	ssub.s32 $0x0, s20;
	[sflag:s22] =	ssyncset.done $0x0  }
0xa1: {  	[sflag:s22] =	ssyncadd.s32 s5;
	_ =	sdelay $0x1  }
0xa2: {  	s23 =	simm.s32 $0x1B8B  }
0xa3: {  	_ =	swait.ge [sflag:s23], $0x1  }
0xa4: {  	[sflag:s23] =	ssyncset.done $0x0  }
0xa5: {  	s25 =	simm.s32 $0x1B8E;
	s24 =	sld [smem:$0x3FFE];
	[sflag:s23] =	ssyncadd.s32 $0xFFFFFFFF  }
0xa6: {  	s26 =	simm.s32 $execute0_lowered;
	[smem:$0x3FD2] =	sst s25  }
0xa7: {  	s6 =	sshll.u32 s26, $0x1;
	_ =	strace $0x80000046;
	[dreg:$0x1] =	wrdreg $0xFFFFFFFF  }
0xa8: {  	s28 =	simm.s32 $_size_execute0_lowered;
	s4 =	sadd.s32 s4, s6;
	[dreg:$0x0] =	wrdreg $0x0  }
0xa9: {  	s6 =	sshll.u32 s28, $0x1;
	[dreg:$0x2] =	wrdreg s4  }
0xaa: {  	[dreg:$0x3] =	wrdreg s6  }
0xab: {  	[dreg:$0x4] =	wrdreg $0xC0  }
0xac: {  	_ =	task [dreg:s8], $0x5FFFF  }
0xad: {  	[dreg:$0x1] =	wrdreg $0xFFFFFFFF  }
0xae: {  	[dreg:$0x0] =	wrdreg $0x60  }
0xaf: {  	[dreg:$0x2] =	wrdreg s24  }
0xb0: {  	[dreg:$0x3] =	wrdreg s2  }
0xb1: {  	[dreg:$0x4] =	wrdreg s18  }
0xb2: {  	[dreg:$0x5] =	wrdreg $0x9  }
0xb3: {  	_ =	task.clear_ibuf [dreg:s8], $0x6FFFF;
	_ =	strace $0x90000046  }
0xb4: {  	s29 =	simm.s32 $0x9;
	_ =	strace $0x80000048  }
0xb5: {  	_ =	swait.ge [sflag:s29], $0x1  }
0xb6: {  	[sflag:s29] =	ssyncadd.s32 $0xFFFFFFFF  }
0xb7: {  	_ =	strace $0x90000048  }
0xb8: {  	_ =	sfence  }
0xb9: {  	s30 =	sld [smem:$0x0];
	_ =	sdelay $0x2  }
0xba: {  	s31 =	sshll.u32 s1, $0xD;
	s1 =	sshrl.u32 s1, $0x2  }
0xbb: {  	s3 =	sand.u32 $0x4000, s31;
	s1 =	sadd.s32 s1, s30  }
0xbc: {  	s0 =	sor.u32 s3, s0;
	s1 =	sshll.u32 s1, $0x11  }
0xbd: {  	s0 =	sor.u32 s1, s0  }
0xbe: {  	s0 =	sadd.s32 $0x8F2B, s0  }
0xbf: {  	[sflag:s0] =	ssyncadd.remote.s32 $0x1  }
0xc0: {  	_ =	sfence.sel $0xFFFF  }
0xc1: {  	[dreg:$0x0] =	wrdreg $0xFFFFFFFF;
	(pc) =	sbr.abs _section_cstart, $3  }
0xc2: {  	[dreg:$0x1] =	wrdreg $0xFFFFFFFF  }
0xc3: {  	_ =	task.clear_ibuf [dreg:s8], $0x2FFFF;
	_ =	strace $0x9FFFFFFF  }
0xc4: {  	(tm) =	ssettm $0x7FFFFFFF  }
0xc5: {  	_ =	shalt  }
tec
execute0_lowered:
.L_overlay_start_1:
0x0: {  	(tag) =	ssettag $0x1  }
0x1: {  	s0 =	rddreg [dreg:$0x0]  }
0x2: {  	s1 =	rddreg [dreg:$0x1]  }
0x3: {  	s2 =	rddreg [dreg:$0x2];
	s9 =	stileid.u32  }
0x4: {  	s4 =	srdreg.scid;
	s3 =	simm.s32 $0x0;
	s18 =	simm.s32 $0x5  }
0x5: {  	s19 =	simm.s32 $0x2000;
	s20 =	simm.s32 $0x4000;
	s28 =	simm.s32 $0x1000  }
0x6: {  	s30 =	simm.s32 $0x10800;
	s31 =	simm.s32 $0x1;
	s10 =	simm.s32 $0x4  }
0x7: {  	s11 =	simm.s32 $0x15000;
	s12 =	simm.s32 $0x17000;
	s5 =	sshll.u32 s9, $0x1  }
0x8: {  	s13 =	simm.s32 $0x0;
	s4 =	sand.u32 $0x1, s4;
	s5 =	sand.u32 $0x6, s5  }
0x9: {  	[smem:$0x7FF] =	sst s3;
	s6 =	ssub.s32 $0x2, s4;
	s5 =	sor.u32 s4, s5  }
0xa: {  	_ =	strace $0x80000047;
	s7 =	sshrl.u32 s6, $0x1;
	s8 =	sshll.u32 s5, $0xD  }
0xb: {  	s4 =	sadd.s32 $0x400, s0;
	s21 =	ssub.s32 s6, s7;
	s22 =	sadd.s32 s1, s8  }
0xc: {  	s6 =	sshrl.u32 s9, $0x2;
	s0 =	smax.u32 s21, $0x1;
	[dreg:$0x4] =	wrdreg s22  }
0xd: {  	s16 =	sshll.u32 s5, $0xF;
	s1 =	sadd.s32 $0x400, s22;
	[dreg:$0xe] =	wrdreg s0  }
0xe: {  	s9 =	simm.s32 $0x2;
	s23 =	sadd.s32 $0x800, s22;
	[dreg:$0x5] =	wrdreg s1  }
0xf: {  	s26 =	sshll.u32 s6, $0x5;
	s24 =	sadd.s32 $0xC00, s22;
	[dreg:$0x6] =	wrdreg s23  }
0x10: {  	s21 =	simm.s32 $0x6000;
	s25 =	sadd.s32 $0x1000, s22;
	[dreg:$0x7] =	wrdreg s24  }
0x11: {  	s8 =	sadd.s32 $0x1400, s22;
	s29 =	sadd.s32 $0x1800, s22;
	[dreg:$0x8] =	wrdreg s25  }
0x12: {  	s7 =	sadd.s32 $0x1C00, s22;
	s22 =	simm.s32 $0x8000;
	[dreg:$0x9] =	wrdreg s8  }
.Ltmp0:
0x13: {  	s0 =	simm.s32 $0x400;
	[dreg:$0xa] =	wrdreg s29;
	(pc) =	sbr.rel .LBB2_1-.Ltmp0, $4  }
0x14: {  	s1 =	sadd.s32 s4, s26;
	[dreg:$0xc] =	wrdreg s7;
	s23 =	simm.s32 $0xA000  }
0x15: {  	s24 =	simm.s32 $0xC000;
	s25 =	simm.s32 $0xE000;
	s26 =	simm.s32 $0x100  }
0x16: {  	s7 =	simm.s32 $0x11000;
	[dreg:$0xb] =	wrdreg s1;
	s1 =	sadd.s32 $0x80, s1  }
0x17: {  	s8 =	simm.s32 $0x13000;
	[dreg:$0xd] =	wrdreg s1;
	s1 =	simm.s32 $0x40000  }
.LBB2_12:
0x18: {  	s5 =	simm.s32 $0x3  }
0x19: {  	_ =	swait.ge [sflag:s5], $0x2000  }
0x1a: {  	[sflag:s5] =	ssyncset.done $0x0  }
0x1b: {  	[sflag:s5] =	ssyncadd.s32 $0xFFFFE000  }
0x1c: {  	_ =	swait.ge [sflag:s5], $0x2000  }
0x1d: {  	[sflag:s5] =	ssyncset.done $0x0  }
0x1e: {  	[sflag:s5] =	ssyncadd.s32 $0xFFFFE000  }
0x1f: {  	_ =	swait.ge [sflag:s10], $0x2000  }
0x20: {  	[sflag:s10] =	ssyncset.done $0x0  }
0x21: {  	[sflag:s10] =	ssyncadd.s32 $0xFFFFE000  }
0x22: {  	_ =	swait.ge [sflag:s10], $0x2000  }
0x23: {  	s13 =	rddreg [dreg:$0xf]  }
0x24: {  	s29 =	rddreg [dreg:$0xe];
	s13 =	sadd.s32 $0x1, s13  }
0x25: {  	p0 =	sne.s32 s13, s29  }
.Ltmp1:
0x26: {  	_ = 	snop;
	(pc) =	sbr.rel @!p0 .LBB2_13-.Ltmp1, $3  }
0x27: {  	_ =	sdelay $0x1  }
0x28: {  	[sflag:s10] =	ssyncset.done $0x0  }
0x29: {  	[sflag:s10] =	ssyncadd.s32 $0xFFFFE000  }
.LBB2_1:
0x2a: {  	[dreg:$0xf] =	wrdreg s13  }
0x2b: {  	s5 =	rddreg [dreg:$0x4]  }
0x2c: {  	[tilespmem:s3], [sflag:$0x5] =	stream.linear.gather [hbm4b:s5+s3], $0x2000, $0x38;
	[tilespmem:$0x19000] =	vst v63  }
0x2d: {  	_ =	swait.ge [sflag:s18], $0x2000  }
0x2e: {  	[sflag:s18] =	ssyncset.done $0x0  }
0x2f: {  	s13 =	rddreg [dreg:$0x5];
	[sflag:s18] =	ssyncadd.s32 $0xFFFFE000  }
0x30: {  	[tilespmem:s19], [sflag:$0x5] =	stream.linear.gather [hbm4b:s13+s3], $0x2000, $0x38;
	[tilespmem:$0x19000] =	vst v63  }
0x31: {  	_ =	swait.ge [sflag:s18], $0x2000  }
0x32: {  	[sflag:s18] =	ssyncset.done $0x0  }
0x33: {  	s14 =	rddreg [dreg:$0x6];
	[sflag:s18] =	ssyncadd.s32 $0xFFFFE000  }
0x34: {  	[tilespmem:s20], [sflag:$0x5] =	stream.linear.gather [hbm4b:s14+s3], $0x2000, $0x38;
	[tilespmem:$0x19000] =	vst v63  }
0x35: {  	_ =	swait.ge [sflag:s18], $0x2000  }
0x36: {  	[sflag:s18] =	ssyncset.done $0x0  }
0x37: {  	s15 =	rddreg [dreg:$0x7];
	[sflag:s18] =	ssyncadd.s32 $0xFFFFE000  }
0x38: {  	[tilespmem:s21], [sflag:$0x5] =	stream.linear.gather [hbm4b:s15+s3], $0x2000, $0x38;
	[tilespmem:$0x19000] =	vst v63  }
0x39: {  	_ =	swait.ge [sflag:s18], $0x2000  }
0x3a: {  	[sflag:s18] =	ssyncset.done $0x0  }
0x3b: {  	s17 =	rddreg [dreg:$0x8];
	[sflag:s18] =	ssyncadd.s32 $0xFFFFE000  }
0x3c: {  	[tilespmem:s22], [sflag:$0x5] =	stream.linear.gather [hbm4b:s17+s3], $0x2000, $0x38;
	[tilespmem:$0x19000] =	vst v63  }
0x3d: {  	_ =	swait.ge [sflag:s18], $0x2000  }
0x3e: {  	[sflag:s18] =	ssyncset.done $0x0  }
0x3f: {  	s29 =	rddreg [dreg:$0x9];
	[sflag:s18] =	ssyncadd.s32 $0xFFFFE000  }
0x40: {  	[tilespmem:s23], [sflag:$0x5] =	stream.linear.gather [hbm4b:s29+s3], $0x2000, $0x38;
	[tilespmem:$0x19000] =	vst v63  }
0x41: {  	_ =	swait.ge [sflag:s18], $0x2000  }
0x42: {  	[sflag:s18] =	ssyncset.done $0x0  }
0x43: {  	s13 =	rddreg [dreg:$0xa];
	[sflag:s18] =	ssyncadd.s32 $0xFFFFE000  }
0x44: {  	[tilespmem:s24], [sflag:$0x5] =	stream.linear.gather [hbm4b:s13+s3], $0x2000, $0x38;
	[tilespmem:$0x19000] =	vst v63  }
0x45: {  	_ =	swait.ge [sflag:s18], $0x2000  }
0x46: {  	[sflag:s18] =	ssyncset.done $0x0  }
0x47: {  	s14 =	rddreg [dreg:$0xc];
	[sflag:s18] =	ssyncadd.s32 $0xFFFFE000  }
0x48: {  	[tilespmem:s25], [sflag:$0x5] =	stream.linear.gather [hbm4b:s14+s3], $0x2000, $0x38;
	[tilespmem:$0x19000] =	vst v63  }
0x49: {  	_ =	swait.ge [sflag:s18], $0x2000  }
0x4a: {  	[sflag:s18] =	ssyncset.done $0x0  }
0x4b: {  	s17 =	simm.s32 $0x10000;
	s15 =	rddreg [dreg:$0xb];
	[sflag:s18] =	ssyncadd.s32 $0xFFFFE000  }
0x4c: {  	[tilespmem:s17], [sflag:$0x1] =	stream.strided.gather [hbm4b:s15+s26], $0x800, s28, s26, $0x38;
	[tilespmem:$0x19000] =	vst v63  }
0x4d: {  	s29 =	rddreg [dreg:$0xd];
	s17 =	simm.s32 $0x0  }
0x4e: {  	[tilespmem:s30], [sflag:$0x2] =	stream.strided.gather [hbm4b:s29+s26], $0x800, s28, s26, $0x38;
	[tilespmem:$0x19000] =	vst v63  }
.LBB2_2:
0x4f: {  	_ =	swait.ge [sflag:s31], $0x800  }
0x50: {  	p0 =	seq.s32 s17, $0x0;
	[sflag:s31] =	ssyncset.done $0x0  }
0x51: {  	s5 =	simm.s32 @!p0 $0x3;
	[sflag:s31] =	ssyncadd.s32 $0xFFFFF800  }
0x52: {  	_ =	swait.ge @!p0 [sflag:s5], $0x2000  }
0x53: {  	[sflag:s5] =	ssyncset.done @!p0 $0x0  }
0x54: {  	[sflag:s5] =	ssyncadd.s32 @!p0 $0xFFFFE000  }
0x55: {  	_ =	swait.ge @!p0 [sflag:s5], $0x2000  }
0x56: {  	[sflag:s5] =	ssyncset.done @!p0 $0x0  }
0x57: {  	s13 =	simm.s32 $0x10080;
	[sflag:s5] =	ssyncadd.s32 @!p0 $0xFFFFE000  }
0x58: {  	v15 =	vld [tilespmem:s13+$0x70]  }
0x59: {  	v13 =	vld [tilespmem:s13+$0xFFFFFF90]  }
0x5a: {  	v12 =	vld [tilespmem:s13+$0xFFFFFFA0]  }
0x5b: {  	v11 =	vld [tilespmem:s13+$0xFFFFFFB0]  }
0x5c: {  	v10 =	vld [tilespmem:s13+$0xFFFFFFC0]  }
0x5d: {  	v9 =	vld [tilespmem:s13+$0xFFFFFFD0]  }
0x5e: {  	v8 =	vld [tilespmem:s13+$0xFFFFFFE0]  }
0x5f: {  	v6 =	vld [tilespmem:s13+$0xFFFFFFF0]  }
0x60: {  	v7 =	vld [tilespmem:s13+$0x0]  }
0x61: {  	v5 =	vld [tilespmem:s13+$0x10]  }
0x62: {  	v4 =	vld [tilespmem:s13+$0x20]  }
0x63: {  	v3 =	vld [tilespmem:s13+$0x30]  }
0x64: {  	v2 =	vld [tilespmem:s13+$0x40]  }
0x65: {  	v1 =	vld [tilespmem:s13+$0x50]  }
0x66: {  	v14 =	vld [tilespmem:s13+$0xFFFFFF80]  }
0x67: {  	v0 =	vld.idx.msk [tilespmem:v15+s3+$0x0], $0xffff  }
0x68: {  	v17 =	vld.idx.msk [tilespmem:v13+s3+$0x0], $0xffff  }
0x69: {  	v18 =	vld.idx.msk [tilespmem:v12+s3+$0x0], $0xffff  }
0x6a: {  	v19 =	vld.idx.msk [tilespmem:v11+s3+$0x0], $0xffff  }
0x6b: {  	v20 =	vld.idx.msk [tilespmem:v10+s3+$0x0], $0xffff  }
0x6c: {  	v21 =	vld.idx.msk [tilespmem:v9+s3+$0x0], $0xffff  }
0x6d: {  	s14 =	simm.s32 $0x13000;
	v47 =	vld.idx.msk [tilespmem:v8+s3+$0x0], $0xffff  }
0x6e: {  	v22 =	vld.idx.msk [tilespmem:v14+s3+$0x0], $0xffff;
	[tilespmem:s14+$0x70] =	vst v0  }
0x6f: {  	v48 =	vld.idx.msk [tilespmem:v6+s3+$0x0], $0xffff;
	[tilespmem:s14+$0xFFFFE010] =	vst v17  }
0x70: {  	v49 =	vld.idx.msk [tilespmem:v7+s3+$0x0], $0xffff;
	[tilespmem:s14+$0xFFFFE020] =	vst v18  }
0x71: {  	v50 =	vld.idx.msk [tilespmem:v5+s3+$0x0], $0xffff;
	[tilespmem:s14+$0xFFFFE030] =	vst v19  }
0x72: {  	v51 =	vld.idx.msk [tilespmem:v4+s3+$0x0], $0xffff;
	[tilespmem:s14+$0xFFFFE040] =	vst v20  }
0x73: {  	v52 =	vld.idx.msk [tilespmem:v3+s3+$0x0], $0xffff;
	[tilespmem:s14+$0xFFFFE050] =	vst v21  }
0x74: {  	v53 =	vld.idx.msk [tilespmem:v2+s3+$0x0], $0xffff;
	[tilespmem:s14+$0xFFFFE060] =	vst v47  }
0x75: {  	v54 =	vld.idx.msk [tilespmem:v1+s3+$0x0], $0xffff;
	[tilespmem:s14+$0xFFFFE000] =	vst v22  }
0x76: {  	v0 =	vld [tilespmem:s13+$0x60];
	[tilespmem:s14+$0xFFFFE070] =	vst v48  }
0x77: {  	[tilespmem:s14+$0x0] =	vst v49;
	v16 =	vld.idx.msk [tilespmem:v15+s19+$0x0], $0xffff  }
0x78: {  	[tilespmem:s14+$0x10] =	vst v50;
	v22 =	vld.idx.msk [tilespmem:v14+s19+$0x0], $0xffff  }
0x79: {  	[tilespmem:s14+$0x20] =	vst v51;
	v56 =	vld.idx.msk [tilespmem:v13+s19+$0x0], $0xffff  }
0x7a: {  	[tilespmem:s14+$0x30] =	vst v52;
	v57 =	vld.idx.msk [tilespmem:v12+s19+$0x0], $0xffff  }
0x7b: {  	[tilespmem:s14+$0x40] =	vst v53;
	v58 =	vld.idx.msk [tilespmem:v11+s19+$0x0], $0xffff  }
0x7c: {  	[tilespmem:s14+$0x50] =	vst v54;
	v59 =	vld.idx.msk [tilespmem:v10+s19+$0x0], $0xffff  }
0x7d: {  	v60 =	vld.idx.msk [tilespmem:v9+s19+$0x0], $0xffff;
	[tilespmem:s14+$0xF0] =	vst v16  }
0x7e: {  	v61 =	vld.idx.msk [tilespmem:v8+s19+$0x0], $0xffff;
	[tilespmem:s14+$0xFFFFE080] =	vst v22  }
0x7f: {  	v62 =	vld.idx.msk [tilespmem:v6+s19+$0x0], $0xffff;
	[tilespmem:s14+$0xFFFFE090] =	vst v56  }
0x80: {  	v63 =	vld.idx.msk [tilespmem:v7+s19+$0x0], $0xffff;
	[tilespmem:s14+$0xFFFFE0A0] =	vst v57  }
0x81: {  	v24 =	vld.idx.msk [tilespmem:v5+s19+$0x0], $0xffff;
	[tilespmem:s14+$0xFFFFE0B0] =	vst v58  }
0x82: {  	v25 =	vld.idx.msk [tilespmem:v4+s19+$0x0], $0xffff;
	[tilespmem:s14+$0xFFFFE0C0] =	vst v59  }
0x83: {  	v26 =	vld.idx.msk [tilespmem:v3+s19+$0x0], $0xffff;
	[tilespmem:s14+$0xFFFFE0D0] =	vst v60  }
0x84: {  	v27 =	vld.idx.msk [tilespmem:v2+s19+$0x0], $0xffff;
	[tilespmem:s14+$0xFFFFE0E0] =	vst v61  }
0x85: {  	v28 =	vld.idx.msk [tilespmem:v1+s19+$0x0], $0xffff;
	[tilespmem:s14+$0xFFFFE0F0] =	vst v62  }
0x86: {  	[tilespmem:s14+$0x80] =	vst v63;
	v16 =	vld.idx.msk [tilespmem:v15+s20+$0x0], $0xffff  }
0x87: {  	[tilespmem:s14+$0x90] =	vst v24;
	v30 =	vld.idx.msk [tilespmem:v14+s20+$0x0], $0xffff  }
0x88: {  	[tilespmem:s14+$0xA0] =	vst v25;
	v31 =	vld.idx.msk [tilespmem:v13+s20+$0x0], $0xffff  }
0x89: {  	[tilespmem:s14+$0xB0] =	vst v26;
	v32 =	vld.idx.msk [tilespmem:v12+s20+$0x0], $0xffff  }
0x8a: {  	[tilespmem:s14+$0xC0] =	vst v27;
	v33 =	vld.idx.msk [tilespmem:v11+s20+$0x0], $0xffff  }
0x8b: {  	[tilespmem:s14+$0xD0] =	vst v28;
	v34 =	vld.idx.msk [tilespmem:v10+s20+$0x0], $0xffff  }
0x8c: {  	v35 =	vld.idx.msk [tilespmem:v9+s20+$0x0], $0xffff;
	[tilespmem:s14+$0x170] =	vst v16  }
0x8d: {  	v36 =	vld.idx.msk [tilespmem:v8+s20+$0x0], $0xffff;
	[tilespmem:s14+$0xFFFFE100] =	vst v30  }
0x8e: {  	v37 =	vld.idx.msk [tilespmem:v6+s20+$0x0], $0xffff;
	[tilespmem:s14+$0xFFFFE110] =	vst v31  }
0x8f: {  	v38 =	vld.idx.msk [tilespmem:v7+s20+$0x0], $0xffff;
	[tilespmem:s14+$0xFFFFE120] =	vst v32  }
0x90: {  	v39 =	vld.idx.msk [tilespmem:v5+s20+$0x0], $0xffff;
	[tilespmem:s14+$0xFFFFE130] =	vst v33  }
0x91: {  	v40 =	vld.idx.msk [tilespmem:v4+s20+$0x0], $0xffff;
	[tilespmem:s14+$0xFFFFE140] =	vst v34  }
0x92: {  	v41 =	vld.idx.msk [tilespmem:v3+s20+$0x0], $0xffff;
	[tilespmem:s14+$0xFFFFE150] =	vst v35  }
0x93: {  	v42 =	vld.idx.msk [tilespmem:v2+s20+$0x0], $0xffff;
	[tilespmem:s14+$0xFFFFE160] =	vst v36  }
0x94: {  	v43 =	vld.idx.msk [tilespmem:v1+s20+$0x0], $0xffff;
	[tilespmem:s14+$0xFFFFE170] =	vst v37  }
0x95: {  	v55 =	vld.idx.msk [tilespmem:v0+s3+$0x0], $0xffff;
	[tilespmem:s14+$0x100] =	vst v38  }
0x96: {  	[tilespmem:s14+$0x110] =	vst v39;
	v16 =	vld.idx.msk [tilespmem:v15+s21+$0x0], $0xffff  }
0x97: {  	[tilespmem:s14+$0x120] =	vst v40;
	v45 =	vld.idx.msk [tilespmem:v14+s21+$0x0], $0xffff  }
0x98: {  	[tilespmem:s14+$0x130] =	vst v41;
	v46 =	vld.idx.msk [tilespmem:v13+s21+$0x0], $0xffff  }
0x99: {  	[tilespmem:s14+$0x140] =	vst v42;
	v47 =	vld.idx.msk [tilespmem:v12+s21+$0x0], $0xffff  }
0x9a: {  	[tilespmem:s14+$0x150] =	vst v43;
	v48 =	vld.idx.msk [tilespmem:v11+s21+$0x0], $0xffff  }
0x9b: {  	[tilespmem:s14+$0x60] =	vst v55;
	v49 =	vld.idx.msk [tilespmem:v10+s21+$0x0], $0xffff  }
0x9c: {  	v50 =	vld.idx.msk [tilespmem:v9+s21+$0x0], $0xffff;
	[tilespmem:s14+$0x1F0] =	vst v16  }
0x9d: {  	v51 =	vld.idx.msk [tilespmem:v8+s21+$0x0], $0xffff;
	[tilespmem:s14+$0xFFFFE180] =	vst v45  }
0x9e: {  	v52 =	vld.idx.msk [tilespmem:v6+s21+$0x0], $0xffff;
	[tilespmem:s14+$0xFFFFE190] =	vst v46  }
0x9f: {  	v53 =	vld.idx.msk [tilespmem:v7+s21+$0x0], $0xffff;
	[tilespmem:s14+$0xFFFFE1A0] =	vst v47  }
0xa0: {  	v54 =	vld.idx.msk [tilespmem:v5+s21+$0x0], $0xffff;
	[tilespmem:s14+$0xFFFFE1B0] =	vst v48  }
0xa1: {  	v55 =	vld.idx.msk [tilespmem:v4+s21+$0x0], $0xffff;
	[tilespmem:s14+$0xFFFFE1C0] =	vst v49  }
0xa2: {  	v56 =	vld.idx.msk [tilespmem:v3+s21+$0x0], $0xffff;
	[tilespmem:s14+$0xFFFFE1D0] =	vst v50  }
0xa3: {  	v57 =	vld.idx.msk [tilespmem:v2+s21+$0x0], $0xffff;
	[tilespmem:s14+$0xFFFFE1E0] =	vst v51  }
0xa4: {  	v58 =	vld.idx.msk [tilespmem:v1+s21+$0x0], $0xffff;
	[tilespmem:s14+$0xFFFFE1F0] =	vst v52  }
0xa5: {  	v29 =	vld.idx.msk [tilespmem:v0+s19+$0x0], $0xffff;
	[tilespmem:s14+$0x180] =	vst v53  }
0xa6: {  	[tilespmem:s14+$0x190] =	vst v54;
	v16 =	vld.idx.msk [tilespmem:v15+s22+$0x0], $0xffff  }
0xa7: {  	[tilespmem:s14+$0x1A0] =	vst v55;
	v60 =	vld.idx.msk [tilespmem:v14+s22+$0x0], $0xffff  }
0xa8: {  	[tilespmem:s14+$0x1B0] =	vst v56;
	v61 =	vld.idx.msk [tilespmem:v13+s22+$0x0], $0xffff  }
0xa9: {  	[tilespmem:s14+$0x1C0] =	vst v57;
	v62 =	vld.idx.msk [tilespmem:v12+s22+$0x0], $0xffff  }
0xaa: {  	[tilespmem:s14+$0x1D0] =	vst v58;
	v63 =	vld.idx.msk [tilespmem:v11+s22+$0x0], $0xffff  }
0xab: {  	[tilespmem:s14+$0xE0] =	vst v29;
	v24 =	vld.idx.msk [tilespmem:v10+s22+$0x0], $0xffff  }
0xac: {  	v25 =	vld.idx.msk [tilespmem:v9+s22+$0x0], $0xffff;
	[tilespmem:s14+$0x270] =	vst v16  }
0xad: {  	v26 =	vld.idx.msk [tilespmem:v8+s22+$0x0], $0xffff;
	[tilespmem:s14+$0xFFFFE200] =	vst v60  }
0xae: {  	v27 =	vld.idx.msk [tilespmem:v6+s22+$0x0], $0xffff;
	[tilespmem:s14+$0xFFFFE210] =	vst v61  }
0xaf: {  	v28 =	vld.idx.msk [tilespmem:v7+s22+$0x0], $0xffff;
	[tilespmem:s14+$0xFFFFE220] =	vst v62  }
0xb0: {  	v29 =	vld.idx.msk [tilespmem:v5+s22+$0x0], $0xffff;
	[tilespmem:s14+$0xFFFFE230] =	vst v63  }
0xb1: {  	v30 =	vld.idx.msk [tilespmem:v4+s22+$0x0], $0xffff;
	[tilespmem:s14+$0xFFFFE240] =	vst v24  }
0xb2: {  	v31 =	vld.idx.msk [tilespmem:v3+s22+$0x0], $0xffff;
	[tilespmem:s14+$0xFFFFE250] =	vst v25  }
0xb3: {  	v32 =	vld.idx.msk [tilespmem:v2+s22+$0x0], $0xffff;
	[tilespmem:s14+$0xFFFFE260] =	vst v26  }
0xb4: {  	v33 =	vld.idx.msk [tilespmem:v1+s22+$0x0], $0xffff;
	[tilespmem:s14+$0xFFFFE270] =	vst v27  }
0xb5: {  	v44 =	vld.idx.msk [tilespmem:v0+s20+$0x0], $0xffff;
	[tilespmem:s14+$0x200] =	vst v28  }
0xb6: {  	[tilespmem:s14+$0x210] =	vst v29;
	v16 =	vld.idx.msk [tilespmem:v15+s23+$0x0], $0xffff  }
0xb7: {  	[tilespmem:s14+$0x220] =	vst v30;
	v21 =	vld.idx.msk [tilespmem:v14+s23+$0x0], $0xffff  }
0xb8: {  	[tilespmem:s14+$0x230] =	vst v31;
	v35 =	vld.idx.msk [tilespmem:v13+s23+$0x0], $0xffff  }
0xb9: {  	[tilespmem:s14+$0x240] =	vst v32;
	v36 =	vld.idx.msk [tilespmem:v12+s23+$0x0], $0xffff  }
0xba: {  	[tilespmem:s14+$0x250] =	vst v33;
	v37 =	vld.idx.msk [tilespmem:v11+s23+$0x0], $0xffff  }
0xbb: {  	[tilespmem:s14+$0x160] =	vst v44;
	v38 =	vld.idx.msk [tilespmem:v10+s23+$0x0], $0xffff  }
0xbc: {  	v39 =	vld.idx.msk [tilespmem:v9+s23+$0x0], $0xffff;
	[tilespmem:s14+$0x2F0] =	vst v16  }
0xbd: {  	v40 =	vld.idx.msk [tilespmem:v8+s23+$0x0], $0xffff;
	[tilespmem:s14+$0xFFFFE280] =	vst v21  }
0xbe: {  	v41 =	vld.idx.msk [tilespmem:v6+s23+$0x0], $0xffff;
	[tilespmem:s14+$0xFFFFE290] =	vst v35  }
0xbf: {  	v42 =	vld.idx.msk [tilespmem:v7+s23+$0x0], $0xffff;
	[tilespmem:s14+$0xFFFFE2A0] =	vst v36  }
0xc0: {  	v43 =	vld.idx.msk [tilespmem:v5+s23+$0x0], $0xffff;
	[tilespmem:s14+$0xFFFFE2B0] =	vst v37  }
0xc1: {  	v44 =	vld.idx.msk [tilespmem:v4+s23+$0x0], $0xffff;
	[tilespmem:s14+$0xFFFFE2C0] =	vst v38  }
0xc2: {  	v45 =	vld.idx.msk [tilespmem:v3+s23+$0x0], $0xffff;
	[tilespmem:s14+$0xFFFFE2D0] =	vst v39  }
0xc3: {  	v46 =	vld.idx.msk [tilespmem:v2+s23+$0x0], $0xffff;
	[tilespmem:s14+$0xFFFFE2E0] =	vst v40  }
0xc4: {  	v47 =	vld.idx.msk [tilespmem:v1+s23+$0x0], $0xffff;
	[tilespmem:s14+$0xFFFFE2F0] =	vst v41  }
0xc5: {  	v59 =	vld.idx.msk [tilespmem:v0+s21+$0x0], $0xffff;
	[tilespmem:s14+$0x280] =	vst v42  }
0xc6: {  	[tilespmem:s14+$0x290] =	vst v43;
	v16 =	vld.idx.msk [tilespmem:v15+s24+$0x0], $0xffff  }
0xc7: {  	[tilespmem:s14+$0x2A0] =	vst v44;
	v21 =	vld.idx.msk [tilespmem:v14+s24+$0x0], $0xffff  }
0xc8: {  	[tilespmem:s14+$0x2B0] =	vst v45;
	v49 =	vld.idx.msk [tilespmem:v13+s24+$0x0], $0xffff  }
0xc9: {  	[tilespmem:s14+$0x2C0] =	vst v46;
	v50 =	vld.idx.msk [tilespmem:v12+s24+$0x0], $0xffff  }
0xca: {  	[tilespmem:s14+$0x2D0] =	vst v47;
	v51 =	vld.idx.msk [tilespmem:v11+s24+$0x0], $0xffff  }
0xcb: {  	[tilespmem:s14+$0x1E0] =	vst v59;
	v52 =	vld.idx.msk [tilespmem:v10+s24+$0x0], $0xffff  }
0xcc: {  	v53 =	vld.idx.msk [tilespmem:v9+s24+$0x0], $0xffff;
	[tilespmem:s14+$0x370] =	vst v16  }
0xcd: {  	v54 =	vld.idx.msk [tilespmem:v8+s24+$0x0], $0xffff;
	[tilespmem:s14+$0xFFFFE300] =	vst v21  }
0xce: {  	v55 =	vld.idx.msk [tilespmem:v6+s24+$0x0], $0xffff;
	[tilespmem:s14+$0xFFFFE310] =	vst v49  }
0xcf: {  	v56 =	vld.idx.msk [tilespmem:v7+s24+$0x0], $0xffff;
	[tilespmem:s14+$0xFFFFE320] =	vst v50  }
0xd0: {  	v57 =	vld.idx.msk [tilespmem:v5+s24+$0x0], $0xffff;
	[tilespmem:s14+$0xFFFFE330] =	vst v51  }
0xd1: {  	v58 =	vld.idx.msk [tilespmem:v4+s24+$0x0], $0xffff;
	[tilespmem:s14+$0xFFFFE340] =	vst v52  }
0xd2: {  	v59 =	vld.idx.msk [tilespmem:v3+s24+$0x0], $0xffff;
	[tilespmem:s14+$0xFFFFE350] =	vst v53  }
0xd3: {  	v60 =	vld.idx.msk [tilespmem:v2+s24+$0x0], $0xffff;
	[tilespmem:s14+$0xFFFFE360] =	vst v54  }
0xd4: {  	v61 =	vld.idx.msk [tilespmem:v1+s24+$0x0], $0xffff;
	[tilespmem:s14+$0xFFFFE370] =	vst v55  }
0xd5: {  	v34 =	vld.idx.msk [tilespmem:v0+s22+$0x0], $0xffff;
	[tilespmem:s14+$0x300] =	vst v56  }
0xd6: {  	[tilespmem:s14+$0x310] =	vst v57;
	v15 =	vld.idx.msk [tilespmem:v15+s25+$0x0], $0xffff  }
0xd7: {  	[tilespmem:s14+$0x320] =	vst v58;
	v14 =	vld.idx.msk [tilespmem:v14+s25+$0x0], $0xffff  }
0xd8: {  	[tilespmem:s14+$0x330] =	vst v59;
	v13 =	vld.idx.msk [tilespmem:v13+s25+$0x0], $0xffff  }
0xd9: {  	[tilespmem:s14+$0x340] =	vst v60;
	v12 =	vld.idx.msk [tilespmem:v12+s25+$0x0], $0xffff  }
0xda: {  	[tilespmem:s14+$0x260] =	vst v34;
	v11 =	vld.idx.msk [tilespmem:v11+s25+$0x0], $0xffff  }
0xdb: {  	[tilespmem:s14+$0x350] =	vst v61;
	v48 =	vld.idx.msk [tilespmem:v0+s23+$0x0], $0xffff  }
0xdc: {  	v10 =	vld.idx.msk [tilespmem:v10+s25+$0x0], $0xffff;
	[tilespmem:s14+$0x3F0] =	vst v15  }
0xdd: {  	v9 =	vld.idx.msk [tilespmem:v9+s25+$0x0], $0xffff;
	[tilespmem:s14+$0xFFFFE380] =	vst v14  }
0xde: {  	v8 =	vld.idx.msk [tilespmem:v8+s25+$0x0], $0xffff;
	[tilespmem:s14+$0xFFFFE390] =	vst v13  }
0xdf: {  	v63 =	vld.idx.msk [tilespmem:v6+s25+$0x0], $0xffff;
	[tilespmem:s14+$0xFFFFE3A0] =	vst v12  }
0xe0: {  	v7 =	vld.idx.msk [tilespmem:v7+s25+$0x0], $0xffff;
	[tilespmem:s14+$0x2E0] =	vst v48  }
0xe1: {  	[tilespmem:s14+$0xFFFFE3B0] =	vst v11;
	v62 =	vld.idx.msk [tilespmem:v0+s24+$0x0], $0xffff  }
0xe2: {  	v6 =	vld.idx.msk [tilespmem:v5+s25+$0x0], $0xffff;
	[tilespmem:s14+$0xFFFFE3C0] =	vst v10  }
0xe3: {  	v5 =	vld.idx.msk [tilespmem:v4+s25+$0x0], $0xffff;
	[tilespmem:s14+$0xFFFFE3D0] =	vst v9  }
0xe4: {  	v3 =	vld.idx.msk [tilespmem:v3+s25+$0x0], $0xffff;
	[tilespmem:s14+$0xFFFFE3E0] =	vst v8  }
0xe5: {  	s13 =	sshll.u32 s17, $0x3;
	v2 =	vld.idx.msk [tilespmem:v2+s25+$0x0], $0xffff;
	[tilespmem:s14+$0xFFFFE3F0] =	vst v63  }
0xe6: {  	s15 =	sand.u32 $0x8, s13;
	v1 =	vld.idx.msk [tilespmem:v1+s25+$0x0], $0xffff;
	[tilespmem:s14+$0x360] =	vst v62  }
0xe7: {  	s29 =	simm.s32 $0x10180;
	s5 =	sor.u32 s6, s15;
	s15 =	simm.s32 $0x0;
	[tilespmem:s14+$0x380] =	vst v7;
	v0 =	vld.idx.msk [tilespmem:v0+s25+$0x0], $0xffff  }
.LBB2_3:
0xe8: {  	v15 =	vld [tilespmem:s29+$0x70];
	s15 =	sadd.s32 $0x10, s15;
	[tilespmem:s14+$0x390] =	vst v6  }
0xe9: {  	v7 =	vld [tilespmem:s29+$0xFFFFFF90];
	p1 =	slt.u32 s15, $0x70;
	[tilespmem:s14+$0x3A0] =	vst v5  }
0xea: {  	v10 =	vld [tilespmem:s29+$0xFFFFFFA0];
	[tilespmem:s14+$0x3B0] =	vst v3  }
0xeb: {  	v11 =	vld [tilespmem:s29+$0xFFFFFFB0];
	[tilespmem:s14+$0x3C0] =	vst v2  }
0xec: {  	v12 =	vld [tilespmem:s29+$0xFFFFFFC0];
	[tilespmem:s14+$0x3D0] =	vst v1  }
0xed: {  	v13 =	vld [tilespmem:s29+$0xFFFFFFD0];
	[tilespmem:s14+$0x3E0] =	vst v0  }
0xee: {  	v8 =	vld [tilespmem:s29+$0xFFFFFFE0]  }
0xef: {  	v5 =	vld [tilespmem:s29+$0xFFFFFFF0]  }
0xf0: {  	v4 =	vld.idx.msk [tilespmem:v15+s3+$0x0], $0xffff  }
0xf1: {  	v9 =	vld [tilespmem:s29+$0x0]  }
0xf2: {  	v6 =	vld [tilespmem:s29+$0x10]  }
0xf3: {  	v3 =	vld [tilespmem:s29+$0x20]  }
0xf4: {  	v2 =	vld [tilespmem:s29+$0x30]  }
0xf5: {  	s14 =	sadd.s32 $0x400, s14;
	v0 =	vld [tilespmem:s29+$0x40]  }
0xf6: {  	v1 =	vld [tilespmem:s29+$0x50];
	[tilespmem:s14+$0x70] =	vst v4  }
0xf7: {  	v16 =	vld.idx.msk [tilespmem:v15+s19+$0x0], $0xffff  }
0xf8: {  	v4 =	vld [tilespmem:s29+$0x60]  }
0xf9: {  	v14 =	vld [tilespmem:s29+$0xFFFFFF80]  }
0xfa: {  	v17 =	vld.idx.msk [tilespmem:v7+s3+$0x0], $0xffff  }
0xfb: {  	v18 =	vld.idx.msk [tilespmem:v10+s3+$0x0], $0xffff  }
0xfc: {  	v19 =	vld.idx.msk [tilespmem:v11+s3+$0x0], $0xffff  }
0xfd: {  	v20 =	vld.idx.msk [tilespmem:v12+s3+$0x0], $0xffff;
	[tilespmem:s14+$0xF0] =	vst v16  }
0xfe: {  	v16 =	vld.idx.msk [tilespmem:v15+s20+$0x0], $0xffff  }
0xff: {  	v21 =	vld.idx.msk [tilespmem:v13+s3+$0x0], $0xffff  }
0x100: {  	[tilespmem:s14+$0xFFFFE010] =	vst v17;
	v17 =	vld.idx.msk [tilespmem:v8+s3+$0x0], $0xffff  }
0x101: {  	v22 =	vld.idx.msk [tilespmem:v14+s3+$0x0], $0xffff;
	[tilespmem:s14+$0xFFFFE020] =	vst v18  }
0x102: {  	[tilespmem:s14+$0xFFFFE030] =	vst v19;
	v18 =	vld.idx.msk [tilespmem:v5+s3+$0x0], $0xffff  }
0x103: {  	[tilespmem:s14+$0xFFFFE040] =	vst v20;
	v19 =	vld.idx.msk [tilespmem:v9+s3+$0x0], $0xffff  }
0x104: {  	v20 =	vld.idx.msk [tilespmem:v6+s3+$0x0], $0xffff;
	[tilespmem:s14+$0x170] =	vst v16  }
0x105: {  	[tilespmem:s14+$0xFFFFE050] =	vst v21;
	v16 =	vld.idx.msk [tilespmem:v15+s21+$0x0], $0xffff  }
0x106: {  	[tilespmem:s14+$0xFFFFE060] =	vst v17;
	v17 =	vld.idx.msk [tilespmem:v3+s3+$0x0], $0xffff  }
0x107: {  	[tilespmem:s14+$0xFFFFE000] =	vst v22;
	v21 =	vld.idx.msk [tilespmem:v2+s3+$0x0], $0xffff  }
0x108: {  	[tilespmem:s14+$0xFFFFE070] =	vst v18;
	v18 =	vld.idx.msk [tilespmem:v0+s3+$0x0], $0xffff  }
0x109: {  	[tilespmem:s14+$0x0] =	vst v19;
	v19 =	vld.idx.msk [tilespmem:v1+s3+$0x0], $0xffff  }
0x10a: {  	[tilespmem:s14+$0x10] =	vst v20;
	v20 =	vld.idx.msk [tilespmem:v4+s3+$0x0], $0xffff  }
0x10b: {  	v22 =	vld.idx.msk [tilespmem:v14+s19+$0x0], $0xffff;
	[tilespmem:s14+$0x1F0] =	vst v16  }
0x10c: {  	[tilespmem:s14+$0x20] =	vst v17;
	v16 =	vld.idx.msk [tilespmem:v15+s22+$0x0], $0xffff  }
0x10d: {  	v17 =	vld.idx.msk [tilespmem:v7+s19+$0x0], $0xffff;
	[tilespmem:s14+$0x30] =	vst v21  }
0x10e: {  	v21 =	vld.idx.msk [tilespmem:v10+s19+$0x0], $0xffff;
	[tilespmem:s14+$0x40] =	vst v18  }
0x10f: {  	v18 =	vld.idx.msk [tilespmem:v11+s19+$0x0], $0xffff;
	[tilespmem:s14+$0x50] =	vst v19  }
0x110: {  	v19 =	vld.idx.msk [tilespmem:v12+s19+$0x0], $0xffff;
	[tilespmem:s14+$0x60] =	vst v20  }
0x111: {  	[tilespmem:s14+$0xFFFFE080] =	vst v22;
	v20 =	vld.idx.msk [tilespmem:v13+s19+$0x0], $0xffff  }
0x112: {  	v22 =	vld.idx.msk [tilespmem:v8+s19+$0x0], $0xffff;
	[tilespmem:s14+$0x270] =	vst v16  }
0x113: {  	[tilespmem:s14+$0xFFFFE090] =	vst v17;
	v16 =	vld.idx.msk [tilespmem:v15+s23+$0x0], $0xffff  }
0x114: {  	[tilespmem:s14+$0xFFFFE0A0] =	vst v21;
	v17 =	vld.idx.msk [tilespmem:v5+s19+$0x0], $0xffff  }
0x115: {  	[tilespmem:s14+$0xFFFFE0B0] =	vst v18;
	v18 =	vld.idx.msk [tilespmem:v9+s19+$0x0], $0xffff  }
0x116: {  	[tilespmem:s14+$0xFFFFE0C0] =	vst v19;
	v19 =	vld.idx.msk [tilespmem:v6+s19+$0x0], $0xffff  }
0x117: {  	[tilespmem:s14+$0xFFFFE0D0] =	vst v20;
	v20 =	vld.idx.msk [tilespmem:v3+s19+$0x0], $0xffff  }
0x118: {  	[tilespmem:s14+$0xFFFFE0E0] =	vst v22;
	v21 =	vld.idx.msk [tilespmem:v2+s19+$0x0], $0xffff  }
0x119: {  	v22 =	vld.idx.msk [tilespmem:v0+s19+$0x0], $0xffff;
	[tilespmem:s14+$0x2F0] =	vst v16  }
0x11a: {  	[tilespmem:s14+$0xFFFFE0F0] =	vst v17;
	v16 =	vld.idx.msk [tilespmem:v15+s24+$0x0], $0xffff  }
0x11b: {  	[tilespmem:s14+$0x80] =	vst v18;
	v17 =	vld.idx.msk [tilespmem:v1+s19+$0x0], $0xffff  }
0x11c: {  	[tilespmem:s14+$0x90] =	vst v19;
	v18 =	vld.idx.msk [tilespmem:v4+s19+$0x0], $0xffff  }
0x11d: {  	v19 =	vld.idx.msk [tilespmem:v14+s20+$0x0], $0xffff;
	[tilespmem:s14+$0xA0] =	vst v20  }
0x11e: {  	v20 =	vld.idx.msk [tilespmem:v7+s20+$0x0], $0xffff;
	[tilespmem:s14+$0xB0] =	vst v21  }
0x11f: {  	v21 =	vld.idx.msk [tilespmem:v10+s20+$0x0], $0xffff;
	[tilespmem:s14+$0xC0] =	vst v22  }
0x120: {  	v22 =	vld.idx.msk [tilespmem:v11+s20+$0x0], $0xffff;
	[tilespmem:s14+$0x370] =	vst v16  }
0x121: {  	[tilespmem:s14+$0xD0] =	vst v17;
	v15 =	vld.idx.msk [tilespmem:v15+s25+$0x0], $0xffff  }
0x122: {  	v16 =	vld.idx.msk [tilespmem:v12+s20+$0x0], $0xffff;
	[tilespmem:s14+$0xE0] =	vst v18  }
0x123: {  	[tilespmem:s14+$0xFFFFE100] =	vst v19;
	v17 =	vld.idx.msk [tilespmem:v13+s20+$0x0], $0xffff  }
0x124: {  	[tilespmem:s14+$0xFFFFE110] =	vst v20;
	v18 =	vld.idx.msk [tilespmem:v8+s20+$0x0], $0xffff  }
0x125: {  	[tilespmem:s14+$0xFFFFE120] =	vst v21;
	v19 =	vld.idx.msk [tilespmem:v5+s20+$0x0], $0xffff  }
0x126: {  	[tilespmem:s14+$0xFFFFE130] =	vst v22;
	v20 =	vld.idx.msk [tilespmem:v9+s20+$0x0], $0xffff  }
0x127: {  	v21 =	vld.idx.msk [tilespmem:v6+s20+$0x0], $0xffff;
	[tilespmem:s14+$0x3F0] =	vst v15  }
0x128: {  	[tilespmem:s14+$0xFFFFE140] =	vst v16;
	v15 =	vld.idx.msk [tilespmem:v3+s20+$0x0], $0xffff  }
0x129: {  	[tilespmem:s14+$0xFFFFE150] =	vst v17;
	v16 =	vld.idx.msk [tilespmem:v2+s20+$0x0], $0xffff  }
0x12a: {  	[tilespmem:s14+$0xFFFFE160] =	vst v18;
	v17 =	vld.idx.msk [tilespmem:v0+s20+$0x0], $0xffff  }
0x12b: {  	[tilespmem:s14+$0xFFFFE170] =	vst v19;
	v18 =	vld.idx.msk [tilespmem:v1+s20+$0x0], $0xffff  }
0x12c: {  	[tilespmem:s14+$0x100] =	vst v20;
	v19 =	vld.idx.msk [tilespmem:v4+s20+$0x0], $0xffff  }
0x12d: {  	v20 =	vld.idx.msk [tilespmem:v14+s21+$0x0], $0xffff;
	[tilespmem:s14+$0x110] =	vst v21  }
0x12e: {  	v21 =	vld.idx.msk [tilespmem:v7+s21+$0x0], $0xffff;
	[tilespmem:s14+$0x120] =	vst v15  }
0x12f: {  	v15 =	vld.idx.msk [tilespmem:v10+s21+$0x0], $0xffff;
	[tilespmem:s14+$0x130] =	vst v16  }
0x130: {  	v16 =	vld.idx.msk [tilespmem:v11+s21+$0x0], $0xffff;
	[tilespmem:s14+$0x140] =	vst v17  }
0x131: {  	v17 =	vld.idx.msk [tilespmem:v12+s21+$0x0], $0xffff;
	[tilespmem:s14+$0x150] =	vst v18  }
0x132: {  	v18 =	vld.idx.msk [tilespmem:v13+s21+$0x0], $0xffff;
	[tilespmem:s14+$0x160] =	vst v19  }
0x133: {  	[tilespmem:s14+$0xFFFFE180] =	vst v20;
	v19 =	vld.idx.msk [tilespmem:v8+s21+$0x0], $0xffff  }
0x134: {  	[tilespmem:s14+$0xFFFFE190] =	vst v21;
	v20 =	vld.idx.msk [tilespmem:v5+s21+$0x0], $0xffff  }
0x135: {  	[tilespmem:s14+$0xFFFFE1A0] =	vst v15;
	v15 =	vld.idx.msk [tilespmem:v9+s21+$0x0], $0xffff  }
0x136: {  	[tilespmem:s14+$0xFFFFE1B0] =	vst v16;
	v16 =	vld.idx.msk [tilespmem:v6+s21+$0x0], $0xffff  }
0x137: {  	[tilespmem:s14+$0xFFFFE1C0] =	vst v17;
	v17 =	vld.idx.msk [tilespmem:v3+s21+$0x0], $0xffff  }
0x138: {  	[tilespmem:s14+$0xFFFFE1D0] =	vst v18;
	v18 =	vld.idx.msk [tilespmem:v2+s21+$0x0], $0xffff  }
0x139: {  	[tilespmem:s14+$0xFFFFE1E0] =	vst v19;
	v19 =	vld.idx.msk [tilespmem:v0+s21+$0x0], $0xffff  }
0x13a: {  	[tilespmem:s14+$0xFFFFE1F0] =	vst v20;
	v20 =	vld.idx.msk [tilespmem:v1+s21+$0x0], $0xffff  }
0x13b: {  	[tilespmem:s14+$0x180] =	vst v15;
	v15 =	vld.idx.msk [tilespmem:v4+s21+$0x0], $0xffff  }
0x13c: {  	v21 =	vld.idx.msk [tilespmem:v14+s22+$0x0], $0xffff;
	[tilespmem:s14+$0x190] =	vst v16  }
0x13d: {  	v16 =	vld.idx.msk [tilespmem:v7+s22+$0x0], $0xffff;
	[tilespmem:s14+$0x1A0] =	vst v17  }
0x13e: {  	v17 =	vld.idx.msk [tilespmem:v10+s22+$0x0], $0xffff;
	[tilespmem:s14+$0x1B0] =	vst v18  }
0x13f: {  	v18 =	vld.idx.msk [tilespmem:v11+s22+$0x0], $0xffff;
	[tilespmem:s14+$0x1C0] =	vst v19  }
0x140: {  	v19 =	vld.idx.msk [tilespmem:v12+s22+$0x0], $0xffff;
	[tilespmem:s14+$0x1D0] =	vst v20  }
0x141: {  	v20 =	vld.idx.msk [tilespmem:v13+s22+$0x0], $0xffff;
	[tilespmem:s14+$0x1E0] =	vst v15  }
0x142: {  	[tilespmem:s14+$0xFFFFE200] =	vst v21;
	v15 =	vld.idx.msk [tilespmem:v8+s22+$0x0], $0xffff  }
0x143: {  	[tilespmem:s14+$0xFFFFE210] =	vst v16;
	v16 =	vld.idx.msk [tilespmem:v5+s22+$0x0], $0xffff  }
0x144: {  	[tilespmem:s14+$0xFFFFE220] =	vst v17;
	v17 =	vld.idx.msk [tilespmem:v9+s22+$0x0], $0xffff  }
0x145: {  	[tilespmem:s14+$0xFFFFE230] =	vst v18;
	v18 =	vld.idx.msk [tilespmem:v6+s22+$0x0], $0xffff  }
0x146: {  	[tilespmem:s14+$0xFFFFE240] =	vst v19;
	v19 =	vld.idx.msk [tilespmem:v3+s22+$0x0], $0xffff  }
0x147: {  	[tilespmem:s14+$0xFFFFE250] =	vst v20;
	v20 =	vld.idx.msk [tilespmem:v2+s22+$0x0], $0xffff  }
0x148: {  	[tilespmem:s14+$0xFFFFE260] =	vst v15;
	v15 =	vld.idx.msk [tilespmem:v0+s22+$0x0], $0xffff  }
0x149: {  	[tilespmem:s14+$0xFFFFE270] =	vst v16;
	v16 =	vld.idx.msk [tilespmem:v1+s22+$0x0], $0xffff  }
0x14a: {  	[tilespmem:s14+$0x200] =	vst v17;
	v17 =	vld.idx.msk [tilespmem:v4+s22+$0x0], $0xffff  }
0x14b: {  	v21 =	vld.idx.msk [tilespmem:v14+s23+$0x0], $0xffff;
	[tilespmem:s14+$0x210] =	vst v18  }
0x14c: {  	v18 =	vld.idx.msk [tilespmem:v7+s23+$0x0], $0xffff;
	[tilespmem:s14+$0x220] =	vst v19  }
0x14d: {  	v19 =	vld.idx.msk [tilespmem:v10+s23+$0x0], $0xffff;
	[tilespmem:s14+$0x230] =	vst v20  }
0x14e: {  	v20 =	vld.idx.msk [tilespmem:v11+s23+$0x0], $0xffff;
	[tilespmem:s14+$0x240] =	vst v15  }
0x14f: {  	v15 =	vld.idx.msk [tilespmem:v12+s23+$0x0], $0xffff;
	[tilespmem:s14+$0x250] =	vst v16  }
0x150: {  	v16 =	vld.idx.msk [tilespmem:v13+s23+$0x0], $0xffff;
	[tilespmem:s14+$0x260] =	vst v17  }
0x151: {  	[tilespmem:s14+$0xFFFFE280] =	vst v21;
	v17 =	vld.idx.msk [tilespmem:v8+s23+$0x0], $0xffff  }
0x152: {  	[tilespmem:s14+$0xFFFFE290] =	vst v18;
	v18 =	vld.idx.msk [tilespmem:v5+s23+$0x0], $0xffff  }
0x153: {  	[tilespmem:s14+$0xFFFFE2A0] =	vst v19;
	v19 =	vld.idx.msk [tilespmem:v9+s23+$0x0], $0xffff  }
0x154: {  	[tilespmem:s14+$0xFFFFE2B0] =	vst v20;
	v20 =	vld.idx.msk [tilespmem:v6+s23+$0x0], $0xffff  }
0x155: {  	[tilespmem:s14+$0xFFFFE2C0] =	vst v15;
	v15 =	vld.idx.msk [tilespmem:v3+s23+$0x0], $0xffff  }
0x156: {  	[tilespmem:s14+$0xFFFFE2D0] =	vst v16;
	v16 =	vld.idx.msk [tilespmem:v2+s23+$0x0], $0xffff  }
0x157: {  	[tilespmem:s14+$0xFFFFE2E0] =	vst v17;
	v17 =	vld.idx.msk [tilespmem:v0+s23+$0x0], $0xffff  }
0x158: {  	[tilespmem:s14+$0xFFFFE2F0] =	vst v18;
	v18 =	vld.idx.msk [tilespmem:v1+s23+$0x0], $0xffff  }
0x159: {  	[tilespmem:s14+$0x280] =	vst v19;
	v19 =	vld.idx.msk [tilespmem:v4+s23+$0x0], $0xffff  }
0x15a: {  	v21 =	vld.idx.msk [tilespmem:v14+s24+$0x0], $0xffff;
	[tilespmem:s14+$0x290] =	vst v20  }
0x15b: {  	v20 =	vld.idx.msk [tilespmem:v7+s24+$0x0], $0xffff;
	[tilespmem:s14+$0x2A0] =	vst v15  }
0x15c: {  	v15 =	vld.idx.msk [tilespmem:v10+s24+$0x0], $0xffff;
	[tilespmem:s14+$0x2B0] =	vst v16  }
0x15d: {  	v16 =	vld.idx.msk [tilespmem:v11+s24+$0x0], $0xffff;
	[tilespmem:s14+$0x2C0] =	vst v17  }
0x15e: {  	v17 =	vld.idx.msk [tilespmem:v12+s24+$0x0], $0xffff;
	[tilespmem:s14+$0x2D0] =	vst v18  }
0x15f: {  	v18 =	vld.idx.msk [tilespmem:v13+s24+$0x0], $0xffff;
	[tilespmem:s14+$0x2E0] =	vst v19  }
0x160: {  	[tilespmem:s14+$0xFFFFE300] =	vst v21;
	v19 =	vld.idx.msk [tilespmem:v8+s24+$0x0], $0xffff  }
0x161: {  	[tilespmem:s14+$0xFFFFE310] =	vst v20;
	v20 =	vld.idx.msk [tilespmem:v5+s24+$0x0], $0xffff  }
0x162: {  	[tilespmem:s14+$0xFFFFE320] =	vst v15;
	v15 =	vld.idx.msk [tilespmem:v9+s24+$0x0], $0xffff  }
0x163: {  	[tilespmem:s14+$0xFFFFE330] =	vst v16;
	v16 =	vld.idx.msk [tilespmem:v6+s24+$0x0], $0xffff  }
0x164: {  	[tilespmem:s14+$0xFFFFE340] =	vst v17;
	v17 =	vld.idx.msk [tilespmem:v3+s24+$0x0], $0xffff  }
0x165: {  	[tilespmem:s14+$0xFFFFE350] =	vst v18;
	v18 =	vld.idx.msk [tilespmem:v2+s24+$0x0], $0xffff  }
0x166: {  	[tilespmem:s14+$0xFFFFE360] =	vst v19;
	v19 =	vld.idx.msk [tilespmem:v0+s24+$0x0], $0xffff  }
0x167: {  	[tilespmem:s14+$0xFFFFE370] =	vst v20;
	v20 =	vld.idx.msk [tilespmem:v1+s24+$0x0], $0xffff  }
0x168: {  	[tilespmem:s14+$0x300] =	vst v15;
	v15 =	vld.idx.msk [tilespmem:v4+s24+$0x0], $0xffff  }
0x169: {  	v14 =	vld.idx.msk [tilespmem:v14+s25+$0x0], $0xffff;
	[tilespmem:s14+$0x310] =	vst v16  }
0x16a: {  	v7 =	vld.idx.msk [tilespmem:v7+s25+$0x0], $0xffff;
	[tilespmem:s14+$0x320] =	vst v17  }
0x16b: {  	v10 =	vld.idx.msk [tilespmem:v10+s25+$0x0], $0xffff;
	[tilespmem:s14+$0x330] =	vst v18  }
0x16c: {  	v11 =	vld.idx.msk [tilespmem:v11+s25+$0x0], $0xffff;
	[tilespmem:s14+$0x340] =	vst v19  }
0x16d: {  	v12 =	vld.idx.msk [tilespmem:v12+s25+$0x0], $0xffff;
	[tilespmem:s14+$0x350] =	vst v20  }
0x16e: {  	v13 =	vld.idx.msk [tilespmem:v13+s25+$0x0], $0xffff;
	[tilespmem:s14+$0x360] =	vst v15  }
0x16f: {  	[tilespmem:s14+$0xFFFFE380] =	vst v14;
	v8 =	vld.idx.msk [tilespmem:v8+s25+$0x0], $0xffff  }
0x170: {  	[tilespmem:s14+$0xFFFFE390] =	vst v7;
	v7 =	vld.idx.msk [tilespmem:v5+s25+$0x0], $0xffff  }
0x171: {  	[tilespmem:s14+$0xFFFFE3A0] =	vst v10;
	v9 =	vld.idx.msk [tilespmem:v9+s25+$0x0], $0xffff  }
0x172: {  	[tilespmem:s14+$0xFFFFE3B0] =	vst v11;
	v6 =	vld.idx.msk [tilespmem:v6+s25+$0x0], $0xffff  }
.Ltmp2:
0x173: {  	[tilespmem:s14+$0xFFFFE3C0] =	vst v12;
	v5 =	vld.idx.msk [tilespmem:v3+s25+$0x0], $0xffff;
	(pc) =	sbr.rel @p1 .LBB2_3-.Ltmp2, $4  }
0x174: {  	[tilespmem:s14+$0xFFFFE3D0] =	vst v13;
	v3 =	vld.idx.msk [tilespmem:v2+s25+$0x0], $0xffff  }
0x175: {  	[tilespmem:s14+$0xFFFFE3E0] =	vst v8;
	v2 =	vld.idx.msk [tilespmem:v0+s25+$0x0], $0xffff  }
0x176: {  	[tilespmem:s14+$0xFFFFE3F0] =	vst v7;
	v1 =	vld.idx.msk [tilespmem:v1+s25+$0x0], $0xffff  }
0x177: {  	s29 =	sadd.s32 $0x100, s29;
	[tilespmem:s14+$0x380] =	vst v9;
	v0 =	vld.idx.msk [tilespmem:v4+s25+$0x0], $0xffff  }
0x178: {  	[tilespmem:s14+$0x390] =	vst v6;
	s15 =	sshll.u32 s17, $0x14  }
0x179: {  	[tilespmem:s14+$0x3A0] =	vst v5;
	s15 =	sand.u32 $0x3E00000, s15  }
0x17a: {  	s5 =	sshll.u32 s5, $0xB;
	[tilespmem:s14+$0x3B0] =	vst v3;
	s15 =	sor.u32 s16, s15  }
0x17b: {  	p1 =	sne.s32 s17, $0x31;
	[tilespmem:s14+$0x3C0] =	vst v2;
	s5 =	sor.u32 s15, s5  }
.Ltmp3:
0x17c: {  	[tilespmem:s14+$0x3D0] =	vst v1;
	s5 =	sshrl.u32 s5, $0x3;
	(pc) =	sbr.rel @p1 .LBB2_6-.Ltmp3, $4  }
0x17d: {  	[tilespmem:s14+$0x3E0] =	vst v0;
	s29 =	sadd.s32 s2, s5  }
0x17e: {  	[hbm4b:s29+s0] =	stream.strided.scatter [tilespmem:s7], [sflag:$0x3], $0x2000, s1, s0, $0x38;
	[tilespmem:$0x19000] =	vst v63  }
0x17f: {  	s14 =	sadd.s32 $0x80, s29  }
0x180: {  	[hbm4b:s14+s0] =	stream.strided.scatter [tilespmem:s8], [sflag:$0x3], $0x2000, s1, s0, $0x38;
	[tilespmem:$0x19000] =	vst v63  }
.Ltmp4:
0x181: {  	(pc) =	sbr.rel .LBB2_7-.Ltmp4, $4  }
0x182: {  	_ = 	snop  }
0x183: {  	_ =	swait.ge [sflag:s9], $0x800  }
0x184: {  	[sflag:s9] =	ssyncset.done $0x0  }
0x185: {  	[sflag:s9] =	ssyncadd.s32 $0xFFFFF800  }
.LBB2_6:
0x186: {  	s14 =	sadd.s32 $0x8, s13  }
0x187: {  	s15 =	sshll.u32 s14, $0x8;
	s14 =	sand.u32 $0x8, s14  }
0x188: {  	s15 =	sand.u32 $0x3F000, s15;
	s14 =	sor.u32 s6, s14  }
0x189: {  	s14 =	sshll.u32 s14, $0x5;
	s15 =	sadd.s32 s4, s15  }
.Ltmp5:
0x18a: {  	s29 =	simm.s32 $0x10000;
	s14 =	sadd.s32 s14, s15;
	(pc) =	sbr.rel @p0 .LBB2_8-.Ltmp5, $4  }
0x18b: {  	[tilespmem:s29], [sflag:$0x1] =	stream.strided.gather [hbm4b:s14+s26], $0x800, s28, s26, $0x38;
	[tilespmem:$0x19000] =	vst v63  }
0x18c: {  	_ =	swait.ge [sflag:s9], $0x800  }
0x18d: {  	[sflag:s9] =	ssyncset.done $0x0  }
0x18e: {  	[sflag:s9] =	ssyncadd.s32 $0xFFFFF800  }
.LBB2_7:
0x18f: {  	_ =	swait.ge [sflag:s10], $0x2000  }
0x190: {  	[sflag:s10] =	ssyncset.done $0x0  }
0x191: {  	[sflag:s10] =	ssyncadd.s32 $0xFFFFE000  }
0x192: {  	_ =	swait.ge [sflag:s10], $0x2000  }
0x193: {  	[sflag:s10] =	ssyncset.done $0x0  }
0x194: {  	[sflag:s10] =	ssyncadd.s32 $0xFFFFE000  }
.LBB2_8:
0x195: {  	s15 =	simm.s32 $0x10880  }
0x196: {  	v15 =	vld [tilespmem:s15+$0x70]  }
0x197: {  	v13 =	vld [tilespmem:s15+$0xFFFFFF90]  }
0x198: {  	v12 =	vld [tilespmem:s15+$0xFFFFFFA0]  }
0x199: {  	v11 =	vld [tilespmem:s15+$0xFFFFFFB0]  }
0x19a: {  	v10 =	vld [tilespmem:s15+$0xFFFFFFC0]  }
0x19b: {  	v9 =	vld [tilespmem:s15+$0xFFFFFFD0]  }
0x19c: {  	v8 =	vld [tilespmem:s15+$0xFFFFFFE0]  }
0x19d: {  	v6 =	vld [tilespmem:s15+$0xFFFFFFF0]  }
0x19e: {  	v7 =	vld [tilespmem:s15+$0x0]  }
0x19f: {  	v5 =	vld [tilespmem:s15+$0x10]  }
0x1a0: {  	v4 =	vld [tilespmem:s15+$0x20]  }
0x1a1: {  	v2 =	vld [tilespmem:s15+$0x30]  }
0x1a2: {  	v3 =	vld [tilespmem:s15+$0x40]  }
0x1a3: {  	v0 =	vld [tilespmem:s15+$0x50]  }
0x1a4: {  	v14 =	vld [tilespmem:s15+$0xFFFFFF80]  }
0x1a5: {  	v1 =	vld.idx.msk [tilespmem:v15+s3+$0x0], $0xffff  }
0x1a6: {  	v17 =	vld.idx.msk [tilespmem:v13+s3+$0x0], $0xffff  }
0x1a7: {  	v18 =	vld.idx.msk [tilespmem:v12+s3+$0x0], $0xffff  }
0x1a8: {  	v19 =	vld.idx.msk [tilespmem:v11+s3+$0x0], $0xffff  }
0x1a9: {  	v20 =	vld.idx.msk [tilespmem:v10+s3+$0x0], $0xffff  }
0x1aa: {  	v21 =	vld.idx.msk [tilespmem:v9+s3+$0x0], $0xffff  }
0x1ab: {  	s14 =	simm.s32 $0x17000;
	v47 =	vld.idx.msk [tilespmem:v8+s3+$0x0], $0xffff  }
0x1ac: {  	v22 =	vld.idx.msk [tilespmem:v14+s3+$0x0], $0xffff;
	[tilespmem:s14+$0x70] =	vst v1  }
0x1ad: {  	v48 =	vld.idx.msk [tilespmem:v6+s3+$0x0], $0xffff;
	[tilespmem:s14+$0xFFFFE010] =	vst v17  }
0x1ae: {  	v49 =	vld.idx.msk [tilespmem:v7+s3+$0x0], $0xffff;
	[tilespmem:s14+$0xFFFFE020] =	vst v18  }
0x1af: {  	v50 =	vld.idx.msk [tilespmem:v5+s3+$0x0], $0xffff;
	[tilespmem:s14+$0xFFFFE030] =	vst v19  }
0x1b0: {  	v51 =	vld.idx.msk [tilespmem:v4+s3+$0x0], $0xffff;
	[tilespmem:s14+$0xFFFFE040] =	vst v20  }
0x1b1: {  	v52 =	vld.idx.msk [tilespmem:v2+s3+$0x0], $0xffff;
	[tilespmem:s14+$0xFFFFE050] =	vst v21  }
0x1b2: {  	v53 =	vld.idx.msk [tilespmem:v3+s3+$0x0], $0xffff;
	[tilespmem:s14+$0xFFFFE060] =	vst v47  }
0x1b3: {  	v54 =	vld.idx.msk [tilespmem:v0+s3+$0x0], $0xffff;
	[tilespmem:s14+$0xFFFFE000] =	vst v22  }
0x1b4: {  	v1 =	vld [tilespmem:s15+$0x60];
	[tilespmem:s14+$0xFFFFE070] =	vst v48  }
0x1b5: {  	[tilespmem:s14+$0x0] =	vst v49;
	v16 =	vld.idx.msk [tilespmem:v15+s19+$0x0], $0xffff  }
0x1b6: {  	[tilespmem:s14+$0x10] =	vst v50;
	v22 =	vld.idx.msk [tilespmem:v14+s19+$0x0], $0xffff  }
0x1b7: {  	[tilespmem:s14+$0x20] =	vst v51;
	v56 =	vld.idx.msk [tilespmem:v13+s19+$0x0], $0xffff  }
0x1b8: {  	[tilespmem:s14+$0x30] =	vst v52;
	v57 =	vld.idx.msk [tilespmem:v12+s19+$0x0], $0xffff  }
0x1b9: {  	[tilespmem:s14+$0x40] =	vst v53;
	v58 =	vld.idx.msk [tilespmem:v11+s19+$0x0], $0xffff  }
0x1ba: {  	[tilespmem:s14+$0x50] =	vst v54;
	v59 =	vld.idx.msk [tilespmem:v10+s19+$0x0], $0xffff  }
0x1bb: {  	v60 =	vld.idx.msk [tilespmem:v9+s19+$0x0], $0xffff;
	[tilespmem:s14+$0xF0] =	vst v16  }
0x1bc: {  	v61 =	vld.idx.msk [tilespmem:v8+s19+$0x0], $0xffff;
	[tilespmem:s14+$0xFFFFE080] =	vst v22  }
0x1bd: {  	v62 =	vld.idx.msk [tilespmem:v6+s19+$0x0], $0xffff;
	[tilespmem:s14+$0xFFFFE090] =	vst v56  }
0x1be: {  	v63 =	vld.idx.msk [tilespmem:v7+s19+$0x0], $0xffff;
	[tilespmem:s14+$0xFFFFE0A0] =	vst v57  }
0x1bf: {  	v24 =	vld.idx.msk [tilespmem:v5+s19+$0x0], $0xffff;
	[tilespmem:s14+$0xFFFFE0B0] =	vst v58  }
0x1c0: {  	v25 =	vld.idx.msk [tilespmem:v4+s19+$0x0], $0xffff;
	[tilespmem:s14+$0xFFFFE0C0] =	vst v59  }
0x1c1: {  	v26 =	vld.idx.msk [tilespmem:v2+s19+$0x0], $0xffff;
	[tilespmem:s14+$0xFFFFE0D0] =	vst v60  }
0x1c2: {  	v27 =	vld.idx.msk [tilespmem:v3+s19+$0x0], $0xffff;
	[tilespmem:s14+$0xFFFFE0E0] =	vst v61  }
0x1c3: {  	v28 =	vld.idx.msk [tilespmem:v0+s19+$0x0], $0xffff;
	[tilespmem:s14+$0xFFFFE0F0] =	vst v62  }
0x1c4: {  	[tilespmem:s14+$0x80] =	vst v63;
	v16 =	vld.idx.msk [tilespmem:v15+s20+$0x0], $0xffff  }
0x1c5: {  	[tilespmem:s14+$0x90] =	vst v24;
	v30 =	vld.idx.msk [tilespmem:v14+s20+$0x0], $0xffff  }
0x1c6: {  	[tilespmem:s14+$0xA0] =	vst v25;
	v31 =	vld.idx.msk [tilespmem:v13+s20+$0x0], $0xffff  }
0x1c7: {  	[tilespmem:s14+$0xB0] =	vst v26;
	v32 =	vld.idx.msk [tilespmem:v12+s20+$0x0], $0xffff  }
0x1c8: {  	[tilespmem:s14+$0xC0] =	vst v27;
	v33 =	vld.idx.msk [tilespmem:v11+s20+$0x0], $0xffff  }
0x1c9: {  	[tilespmem:s14+$0xD0] =	vst v28;
	v34 =	vld.idx.msk [tilespmem:v10+s20+$0x0], $0xffff  }
0x1ca: {  	v35 =	vld.idx.msk [tilespmem:v9+s20+$0x0], $0xffff;
	[tilespmem:s14+$0x170] =	vst v16  }
0x1cb: {  	v36 =	vld.idx.msk [tilespmem:v8+s20+$0x0], $0xffff;
	[tilespmem:s14+$0xFFFFE100] =	vst v30  }
0x1cc: {  	v37 =	vld.idx.msk [tilespmem:v6+s20+$0x0], $0xffff;
	[tilespmem:s14+$0xFFFFE110] =	vst v31  }
0x1cd: {  	v38 =	vld.idx.msk [tilespmem:v7+s20+$0x0], $0xffff;
	[tilespmem:s14+$0xFFFFE120] =	vst v32  }
0x1ce: {  	v39 =	vld.idx.msk [tilespmem:v5+s20+$0x0], $0xffff;
	[tilespmem:s14+$0xFFFFE130] =	vst v33  }
0x1cf: {  	v40 =	vld.idx.msk [tilespmem:v4+s20+$0x0], $0xffff;
	[tilespmem:s14+$0xFFFFE140] =	vst v34  }
0x1d0: {  	v41 =	vld.idx.msk [tilespmem:v2+s20+$0x0], $0xffff;
	[tilespmem:s14+$0xFFFFE150] =	vst v35  }
0x1d1: {  	v42 =	vld.idx.msk [tilespmem:v3+s20+$0x0], $0xffff;
	[tilespmem:s14+$0xFFFFE160] =	vst v36  }
0x1d2: {  	v43 =	vld.idx.msk [tilespmem:v0+s20+$0x0], $0xffff;
	[tilespmem:s14+$0xFFFFE170] =	vst v37  }
0x1d3: {  	v55 =	vld.idx.msk [tilespmem:v1+s3+$0x0], $0xffff;
	[tilespmem:s14+$0x100] =	vst v38  }
0x1d4: {  	[tilespmem:s14+$0x110] =	vst v39;
	v16 =	vld.idx.msk [tilespmem:v15+s21+$0x0], $0xffff  }
0x1d5: {  	[tilespmem:s14+$0x120] =	vst v40;
	v45 =	vld.idx.msk [tilespmem:v14+s21+$0x0], $0xffff  }
0x1d6: {  	[tilespmem:s14+$0x130] =	vst v41;
	v46 =	vld.idx.msk [tilespmem:v13+s21+$0x0], $0xffff  }
0x1d7: {  	[tilespmem:s14+$0x140] =	vst v42;
	v47 =	vld.idx.msk [tilespmem:v12+s21+$0x0], $0xffff  }
0x1d8: {  	[tilespmem:s14+$0x150] =	vst v43;
	v48 =	vld.idx.msk [tilespmem:v11+s21+$0x0], $0xffff  }
0x1d9: {  	[tilespmem:s14+$0x60] =	vst v55;
	v49 =	vld.idx.msk [tilespmem:v10+s21+$0x0], $0xffff  }
0x1da: {  	v50 =	vld.idx.msk [tilespmem:v9+s21+$0x0], $0xffff;
	[tilespmem:s14+$0x1F0] =	vst v16  }
0x1db: {  	v51 =	vld.idx.msk [tilespmem:v8+s21+$0x0], $0xffff;
	[tilespmem:s14+$0xFFFFE180] =	vst v45  }
0x1dc: {  	v52 =	vld.idx.msk [tilespmem:v6+s21+$0x0], $0xffff;
	[tilespmem:s14+$0xFFFFE190] =	vst v46  }
0x1dd: {  	v53 =	vld.idx.msk [tilespmem:v7+s21+$0x0], $0xffff;
	[tilespmem:s14+$0xFFFFE1A0] =	vst v47  }
0x1de: {  	v54 =	vld.idx.msk [tilespmem:v5+s21+$0x0], $0xffff;
	[tilespmem:s14+$0xFFFFE1B0] =	vst v48  }
0x1df: {  	v55 =	vld.idx.msk [tilespmem:v4+s21+$0x0], $0xffff;
	[tilespmem:s14+$0xFFFFE1C0] =	vst v49  }
0x1e0: {  	v56 =	vld.idx.msk [tilespmem:v2+s21+$0x0], $0xffff;
	[tilespmem:s14+$0xFFFFE1D0] =	vst v50  }
0x1e1: {  	v57 =	vld.idx.msk [tilespmem:v3+s21+$0x0], $0xffff;
	[tilespmem:s14+$0xFFFFE1E0] =	vst v51  }
0x1e2: {  	v58 =	vld.idx.msk [tilespmem:v0+s21+$0x0], $0xffff;
	[tilespmem:s14+$0xFFFFE1F0] =	vst v52  }
0x1e3: {  	v29 =	vld.idx.msk [tilespmem:v1+s19+$0x0], $0xffff;
	[tilespmem:s14+$0x180] =	vst v53  }
0x1e4: {  	[tilespmem:s14+$0x190] =	vst v54;
	v16 =	vld.idx.msk [tilespmem:v15+s22+$0x0], $0xffff  }
0x1e5: {  	[tilespmem:s14+$0x1A0] =	vst v55;
	v60 =	vld.idx.msk [tilespmem:v14+s22+$0x0], $0xffff  }
0x1e6: {  	[tilespmem:s14+$0x1B0] =	vst v56;
	v61 =	vld.idx.msk [tilespmem:v13+s22+$0x0], $0xffff  }
0x1e7: {  	[tilespmem:s14+$0x1C0] =	vst v57;
	v62 =	vld.idx.msk [tilespmem:v12+s22+$0x0], $0xffff  }
0x1e8: {  	[tilespmem:s14+$0x1D0] =	vst v58;
	v63 =	vld.idx.msk [tilespmem:v11+s22+$0x0], $0xffff  }
0x1e9: {  	[tilespmem:s14+$0xE0] =	vst v29;
	v24 =	vld.idx.msk [tilespmem:v10+s22+$0x0], $0xffff  }
0x1ea: {  	v25 =	vld.idx.msk [tilespmem:v9+s22+$0x0], $0xffff;
	[tilespmem:s14+$0x270] =	vst v16  }
0x1eb: {  	v26 =	vld.idx.msk [tilespmem:v8+s22+$0x0], $0xffff;
	[tilespmem:s14+$0xFFFFE200] =	vst v60  }
0x1ec: {  	v27 =	vld.idx.msk [tilespmem:v6+s22+$0x0], $0xffff;
	[tilespmem:s14+$0xFFFFE210] =	vst v61  }
0x1ed: {  	v28 =	vld.idx.msk [tilespmem:v7+s22+$0x0], $0xffff;
	[tilespmem:s14+$0xFFFFE220] =	vst v62  }
0x1ee: {  	v29 =	vld.idx.msk [tilespmem:v5+s22+$0x0], $0xffff;
	[tilespmem:s14+$0xFFFFE230] =	vst v63  }
0x1ef: {  	v30 =	vld.idx.msk [tilespmem:v4+s22+$0x0], $0xffff;
	[tilespmem:s14+$0xFFFFE240] =	vst v24  }
0x1f0: {  	v31 =	vld.idx.msk [tilespmem:v2+s22+$0x0], $0xffff;
	[tilespmem:s14+$0xFFFFE250] =	vst v25  }
0x1f1: {  	v32 =	vld.idx.msk [tilespmem:v3+s22+$0x0], $0xffff;
	[tilespmem:s14+$0xFFFFE260] =	vst v26  }
0x1f2: {  	v33 =	vld.idx.msk [tilespmem:v0+s22+$0x0], $0xffff;
	[tilespmem:s14+$0xFFFFE270] =	vst v27  }
0x1f3: {  	v44 =	vld.idx.msk [tilespmem:v1+s20+$0x0], $0xffff;
	[tilespmem:s14+$0x200] =	vst v28  }
0x1f4: {  	[tilespmem:s14+$0x210] =	vst v29;
	v16 =	vld.idx.msk [tilespmem:v15+s23+$0x0], $0xffff  }
0x1f5: {  	[tilespmem:s14+$0x220] =	vst v30;
	v21 =	vld.idx.msk [tilespmem:v14+s23+$0x0], $0xffff  }
0x1f6: {  	[tilespmem:s14+$0x230] =	vst v31;
	v35 =	vld.idx.msk [tilespmem:v13+s23+$0x0], $0xffff  }
0x1f7: {  	[tilespmem:s14+$0x240] =	vst v32;
	v36 =	vld.idx.msk [tilespmem:v12+s23+$0x0], $0xffff  }
0x1f8: {  	[tilespmem:s14+$0x250] =	vst v33;
	v37 =	vld.idx.msk [tilespmem:v11+s23+$0x0], $0xffff  }
0x1f9: {  	[tilespmem:s14+$0x160] =	vst v44;
	v38 =	vld.idx.msk [tilespmem:v10+s23+$0x0], $0xffff  }
0x1fa: {  	v39 =	vld.idx.msk [tilespmem:v9+s23+$0x0], $0xffff;
	[tilespmem:s14+$0x2F0] =	vst v16  }
0x1fb: {  	v40 =	vld.idx.msk [tilespmem:v8+s23+$0x0], $0xffff;
	[tilespmem:s14+$0xFFFFE280] =	vst v21  }
0x1fc: {  	v41 =	vld.idx.msk [tilespmem:v6+s23+$0x0], $0xffff;
	[tilespmem:s14+$0xFFFFE290] =	vst v35  }
0x1fd: {  	v42 =	vld.idx.msk [tilespmem:v7+s23+$0x0], $0xffff;
	[tilespmem:s14+$0xFFFFE2A0] =	vst v36  }
0x1fe: {  	v43 =	vld.idx.msk [tilespmem:v5+s23+$0x0], $0xffff;
	[tilespmem:s14+$0xFFFFE2B0] =	vst v37  }
0x1ff: {  	v44 =	vld.idx.msk [tilespmem:v4+s23+$0x0], $0xffff;
	[tilespmem:s14+$0xFFFFE2C0] =	vst v38  }
0x200: {  	v45 =	vld.idx.msk [tilespmem:v2+s23+$0x0], $0xffff;
	[tilespmem:s14+$0xFFFFE2D0] =	vst v39  }
0x201: {  	v46 =	vld.idx.msk [tilespmem:v3+s23+$0x0], $0xffff;
	[tilespmem:s14+$0xFFFFE2E0] =	vst v40  }
0x202: {  	v47 =	vld.idx.msk [tilespmem:v0+s23+$0x0], $0xffff;
	[tilespmem:s14+$0xFFFFE2F0] =	vst v41  }
0x203: {  	v59 =	vld.idx.msk [tilespmem:v1+s21+$0x0], $0xffff;
	[tilespmem:s14+$0x280] =	vst v42  }
0x204: {  	[tilespmem:s14+$0x290] =	vst v43;
	v16 =	vld.idx.msk [tilespmem:v15+s24+$0x0], $0xffff  }
0x205: {  	[tilespmem:s14+$0x2A0] =	vst v44;
	v21 =	vld.idx.msk [tilespmem:v14+s24+$0x0], $0xffff  }
0x206: {  	[tilespmem:s14+$0x2B0] =	vst v45;
	v49 =	vld.idx.msk [tilespmem:v13+s24+$0x0], $0xffff  }
0x207: {  	[tilespmem:s14+$0x2C0] =	vst v46;
	v50 =	vld.idx.msk [tilespmem:v12+s24+$0x0], $0xffff  }
0x208: {  	[tilespmem:s14+$0x2D0] =	vst v47;
	v51 =	vld.idx.msk [tilespmem:v11+s24+$0x0], $0xffff  }
0x209: {  	[tilespmem:s14+$0x1E0] =	vst v59;
	v52 =	vld.idx.msk [tilespmem:v10+s24+$0x0], $0xffff  }
0x20a: {  	v53 =	vld.idx.msk [tilespmem:v9+s24+$0x0], $0xffff;
	[tilespmem:s14+$0x370] =	vst v16  }
0x20b: {  	v54 =	vld.idx.msk [tilespmem:v8+s24+$0x0], $0xffff;
	[tilespmem:s14+$0xFFFFE300] =	vst v21  }
0x20c: {  	v55 =	vld.idx.msk [tilespmem:v6+s24+$0x0], $0xffff;
	[tilespmem:s14+$0xFFFFE310] =	vst v49  }
0x20d: {  	v56 =	vld.idx.msk [tilespmem:v7+s24+$0x0], $0xffff;
	[tilespmem:s14+$0xFFFFE320] =	vst v50  }
0x20e: {  	v57 =	vld.idx.msk [tilespmem:v5+s24+$0x0], $0xffff;
	[tilespmem:s14+$0xFFFFE330] =	vst v51  }
0x20f: {  	v58 =	vld.idx.msk [tilespmem:v4+s24+$0x0], $0xffff;
	[tilespmem:s14+$0xFFFFE340] =	vst v52  }
0x210: {  	v59 =	vld.idx.msk [tilespmem:v2+s24+$0x0], $0xffff;
	[tilespmem:s14+$0xFFFFE350] =	vst v53  }
0x211: {  	v60 =	vld.idx.msk [tilespmem:v3+s24+$0x0], $0xffff;
	[tilespmem:s14+$0xFFFFE360] =	vst v54  }
0x212: {  	v61 =	vld.idx.msk [tilespmem:v0+s24+$0x0], $0xffff;
	[tilespmem:s14+$0xFFFFE370] =	vst v55  }
0x213: {  	v34 =	vld.idx.msk [tilespmem:v1+s22+$0x0], $0xffff;
	[tilespmem:s14+$0x300] =	vst v56  }
0x214: {  	[tilespmem:s14+$0x310] =	vst v57;
	v15 =	vld.idx.msk [tilespmem:v15+s25+$0x0], $0xffff  }
0x215: {  	[tilespmem:s14+$0x320] =	vst v58;
	v14 =	vld.idx.msk [tilespmem:v14+s25+$0x0], $0xffff  }
0x216: {  	[tilespmem:s14+$0x330] =	vst v59;
	v13 =	vld.idx.msk [tilespmem:v13+s25+$0x0], $0xffff  }
0x217: {  	[tilespmem:s14+$0x340] =	vst v60;
	v12 =	vld.idx.msk [tilespmem:v12+s25+$0x0], $0xffff  }
0x218: {  	[tilespmem:s14+$0x260] =	vst v34;
	v11 =	vld.idx.msk [tilespmem:v11+s25+$0x0], $0xffff  }
0x219: {  	[tilespmem:s14+$0x350] =	vst v61;
	v48 =	vld.idx.msk [tilespmem:v1+s23+$0x0], $0xffff  }
0x21a: {  	v10 =	vld.idx.msk [tilespmem:v10+s25+$0x0], $0xffff;
	[tilespmem:s14+$0x3F0] =	vst v15  }
0x21b: {  	v9 =	vld.idx.msk [tilespmem:v9+s25+$0x0], $0xffff;
	[tilespmem:s14+$0xFFFFE380] =	vst v14  }
0x21c: {  	v8 =	vld.idx.msk [tilespmem:v8+s25+$0x0], $0xffff;
	[tilespmem:s14+$0xFFFFE390] =	vst v13  }
0x21d: {  	v63 =	vld.idx.msk [tilespmem:v6+s25+$0x0], $0xffff;
	[tilespmem:s14+$0xFFFFE3A0] =	vst v12  }
0x21e: {  	v7 =	vld.idx.msk [tilespmem:v7+s25+$0x0], $0xffff;
	[tilespmem:s14+$0x2E0] =	vst v48  }
0x21f: {  	[tilespmem:s14+$0xFFFFE3B0] =	vst v11;
	v62 =	vld.idx.msk [tilespmem:v1+s24+$0x0], $0xffff  }
0x220: {  	v5 =	vld.idx.msk [tilespmem:v5+s25+$0x0], $0xffff;
	[tilespmem:s14+$0xFFFFE3C0] =	vst v10  }
0x221: {  	v6 =	vld.idx.msk [tilespmem:v4+s25+$0x0], $0xffff;
	[tilespmem:s14+$0xFFFFE3D0] =	vst v9  }
0x222: {  	v2 =	vld.idx.msk [tilespmem:v2+s25+$0x0], $0xffff;
	[tilespmem:s14+$0xFFFFE3E0] =	vst v8  }
0x223: {  	v3 =	vld.idx.msk [tilespmem:v3+s25+$0x0], $0xffff;
	[tilespmem:s14+$0xFFFFE3F0] =	vst v63  }
0x224: {  	v0 =	vld.idx.msk [tilespmem:v0+s25+$0x0], $0xffff;
	[tilespmem:s14+$0x360] =	vst v62  }
0x225: {  	s29 =	simm.s32 $0x10980;
	s15 =	simm.s32 $0x0;
	[tilespmem:s14+$0x380] =	vst v7;
	v1 =	vld.idx.msk [tilespmem:v1+s25+$0x0], $0xffff  }
.LBB2_9:
0x226: {  	v15 =	vld [tilespmem:s29+$0x70];
	s15 =	sadd.s32 $0x10, s15;
	[tilespmem:s14+$0x390] =	vst v5  }
0x227: {  	v7 =	vld [tilespmem:s29+$0xFFFFFF90];
	p0 =	slt.u32 s15, $0x70;
	[tilespmem:s14+$0x3A0] =	vst v6  }
0x228: {  	v10 =	vld [tilespmem:s29+$0xFFFFFFA0];
	[tilespmem:s14+$0x3B0] =	vst v2  }
0x229: {  	v11 =	vld [tilespmem:s29+$0xFFFFFFB0];
	[tilespmem:s14+$0x3C0] =	vst v3  }
0x22a: {  	v12 =	vld [tilespmem:s29+$0xFFFFFFC0];
	[tilespmem:s14+$0x3D0] =	vst v0  }
0x22b: {  	v13 =	vld [tilespmem:s29+$0xFFFFFFD0];
	[tilespmem:s14+$0x3E0] =	vst v1  }
0x22c: {  	v8 =	vld [tilespmem:s29+$0xFFFFFFE0]  }
0x22d: {  	v5 =	vld [tilespmem:s29+$0xFFFFFFF0]  }
0x22e: {  	v4 =	vld.idx.msk [tilespmem:v15+s3+$0x0], $0xffff  }
0x22f: {  	v9 =	vld [tilespmem:s29+$0x0]  }
0x230: {  	v6 =	vld [tilespmem:s29+$0x10]  }
0x231: {  	v3 =	vld [tilespmem:s29+$0x20]  }
0x232: {  	v2 =	vld [tilespmem:s29+$0x30]  }
0x233: {  	s14 =	sadd.s32 $0x400, s14;
	v0 =	vld [tilespmem:s29+$0x40]  }
0x234: {  	v1 =	vld [tilespmem:s29+$0x50];
	[tilespmem:s14+$0x70] =	vst v4  }
0x235: {  	v16 =	vld.idx.msk [tilespmem:v15+s19+$0x0], $0xffff  }
0x236: {  	v4 =	vld [tilespmem:s29+$0x60]  }
0x237: {  	v14 =	vld [tilespmem:s29+$0xFFFFFF80]  }
0x238: {  	v17 =	vld.idx.msk [tilespmem:v7+s3+$0x0], $0xffff  }
0x239: {  	v18 =	vld.idx.msk [tilespmem:v10+s3+$0x0], $0xffff  }
0x23a: {  	v19 =	vld.idx.msk [tilespmem:v11+s3+$0x0], $0xffff  }
0x23b: {  	v20 =	vld.idx.msk [tilespmem:v12+s3+$0x0], $0xffff;
	[tilespmem:s14+$0xF0] =	vst v16  }
0x23c: {  	v16 =	vld.idx.msk [tilespmem:v15+s20+$0x0], $0xffff  }
0x23d: {  	v21 =	vld.idx.msk [tilespmem:v13+s3+$0x0], $0xffff  }
0x23e: {  	[tilespmem:s14+$0xFFFFE010] =	vst v17;
	v17 =	vld.idx.msk [tilespmem:v8+s3+$0x0], $0xffff  }
0x23f: {  	v22 =	vld.idx.msk [tilespmem:v14+s3+$0x0], $0xffff;
	[tilespmem:s14+$0xFFFFE020] =	vst v18  }
0x240: {  	[tilespmem:s14+$0xFFFFE030] =	vst v19;
	v18 =	vld.idx.msk [tilespmem:v5+s3+$0x0], $0xffff  }
0x241: {  	[tilespmem:s14+$0xFFFFE040] =	vst v20;
	v19 =	vld.idx.msk [tilespmem:v9+s3+$0x0], $0xffff  }
0x242: {  	v20 =	vld.idx.msk [tilespmem:v6+s3+$0x0], $0xffff;
	[tilespmem:s14+$0x170] =	vst v16  }
0x243: {  	[tilespmem:s14+$0xFFFFE050] =	vst v21;
	v16 =	vld.idx.msk [tilespmem:v15+s21+$0x0], $0xffff  }
0x244: {  	[tilespmem:s14+$0xFFFFE060] =	vst v17;
	v17 =	vld.idx.msk [tilespmem:v3+s3+$0x0], $0xffff  }
0x245: {  	[tilespmem:s14+$0xFFFFE000] =	vst v22;
	v21 =	vld.idx.msk [tilespmem:v2+s3+$0x0], $0xffff  }
0x246: {  	[tilespmem:s14+$0xFFFFE070] =	vst v18;
	v18 =	vld.idx.msk [tilespmem:v0+s3+$0x0], $0xffff  }
0x247: {  	[tilespmem:s14+$0x0] =	vst v19;
	v19 =	vld.idx.msk [tilespmem:v1+s3+$0x0], $0xffff  }
0x248: {  	[tilespmem:s14+$0x10] =	vst v20;
	v20 =	vld.idx.msk [tilespmem:v4+s3+$0x0], $0xffff  }
0x249: {  	v22 =	vld.idx.msk [tilespmem:v14+s19+$0x0], $0xffff;
	[tilespmem:s14+$0x1F0] =	vst v16  }
0x24a: {  	[tilespmem:s14+$0x20] =	vst v17;
	v16 =	vld.idx.msk [tilespmem:v15+s22+$0x0], $0xffff  }
0x24b: {  	v17 =	vld.idx.msk [tilespmem:v7+s19+$0x0], $0xffff;
	[tilespmem:s14+$0x30] =	vst v21  }
0x24c: {  	v21 =	vld.idx.msk [tilespmem:v10+s19+$0x0], $0xffff;
	[tilespmem:s14+$0x40] =	vst v18  }
0x24d: {  	v18 =	vld.idx.msk [tilespmem:v11+s19+$0x0], $0xffff;
	[tilespmem:s14+$0x50] =	vst v19  }
0x24e: {  	v19 =	vld.idx.msk [tilespmem:v12+s19+$0x0], $0xffff;
	[tilespmem:s14+$0x60] =	vst v20  }
0x24f: {  	[tilespmem:s14+$0xFFFFE080] =	vst v22;
	v20 =	vld.idx.msk [tilespmem:v13+s19+$0x0], $0xffff  }
0x250: {  	v22 =	vld.idx.msk [tilespmem:v8+s19+$0x0], $0xffff;
	[tilespmem:s14+$0x270] =	vst v16  }
0x251: {  	[tilespmem:s14+$0xFFFFE090] =	vst v17;
	v16 =	vld.idx.msk [tilespmem:v15+s23+$0x0], $0xffff  }
0x252: {  	[tilespmem:s14+$0xFFFFE0A0] =	vst v21;
	v17 =	vld.idx.msk [tilespmem:v5+s19+$0x0], $0xffff  }
0x253: {  	[tilespmem:s14+$0xFFFFE0B0] =	vst v18;
	v18 =	vld.idx.msk [tilespmem:v9+s19+$0x0], $0xffff  }
0x254: {  	[tilespmem:s14+$0xFFFFE0C0] =	vst v19;
	v19 =	vld.idx.msk [tilespmem:v6+s19+$0x0], $0xffff  }
0x255: {  	[tilespmem:s14+$0xFFFFE0D0] =	vst v20;
	v20 =	vld.idx.msk [tilespmem:v3+s19+$0x0], $0xffff  }
0x256: {  	[tilespmem:s14+$0xFFFFE0E0] =	vst v22;
	v21 =	vld.idx.msk [tilespmem:v2+s19+$0x0], $0xffff  }
0x257: {  	v22 =	vld.idx.msk [tilespmem:v0+s19+$0x0], $0xffff;
	[tilespmem:s14+$0x2F0] =	vst v16  }
0x258: {  	[tilespmem:s14+$0xFFFFE0F0] =	vst v17;
	v16 =	vld.idx.msk [tilespmem:v15+s24+$0x0], $0xffff  }
0x259: {  	[tilespmem:s14+$0x80] =	vst v18;
	v17 =	vld.idx.msk [tilespmem:v1+s19+$0x0], $0xffff  }
0x25a: {  	[tilespmem:s14+$0x90] =	vst v19;
	v18 =	vld.idx.msk [tilespmem:v4+s19+$0x0], $0xffff  }
0x25b: {  	v19 =	vld.idx.msk [tilespmem:v14+s20+$0x0], $0xffff;
	[tilespmem:s14+$0xA0] =	vst v20  }
0x25c: {  	v20 =	vld.idx.msk [tilespmem:v7+s20+$0x0], $0xffff;
	[tilespmem:s14+$0xB0] =	vst v21  }
0x25d: {  	v21 =	vld.idx.msk [tilespmem:v10+s20+$0x0], $0xffff;
	[tilespmem:s14+$0xC0] =	vst v22  }
0x25e: {  	v22 =	vld.idx.msk [tilespmem:v11+s20+$0x0], $0xffff;
	[tilespmem:s14+$0x370] =	vst v16  }
0x25f: {  	[tilespmem:s14+$0xD0] =	vst v17;
	v15 =	vld.idx.msk [tilespmem:v15+s25+$0x0], $0xffff  }
0x260: {  	v16 =	vld.idx.msk [tilespmem:v12+s20+$0x0], $0xffff;
	[tilespmem:s14+$0xE0] =	vst v18  }
0x261: {  	[tilespmem:s14+$0xFFFFE100] =	vst v19;
	v17 =	vld.idx.msk [tilespmem:v13+s20+$0x0], $0xffff  }
0x262: {  	[tilespmem:s14+$0xFFFFE110] =	vst v20;
	v18 =	vld.idx.msk [tilespmem:v8+s20+$0x0], $0xffff  }
0x263: {  	[tilespmem:s14+$0xFFFFE120] =	vst v21;
	v19 =	vld.idx.msk [tilespmem:v5+s20+$0x0], $0xffff  }
0x264: {  	[tilespmem:s14+$0xFFFFE130] =	vst v22;
	v20 =	vld.idx.msk [tilespmem:v9+s20+$0x0], $0xffff  }
0x265: {  	v21 =	vld.idx.msk [tilespmem:v6+s20+$0x0], $0xffff;
	[tilespmem:s14+$0x3F0] =	vst v15  }
0x266: {  	[tilespmem:s14+$0xFFFFE140] =	vst v16;
	v15 =	vld.idx.msk [tilespmem:v3+s20+$0x0], $0xffff  }
0x267: {  	[tilespmem:s14+$0xFFFFE150] =	vst v17;
	v16 =	vld.idx.msk [tilespmem:v2+s20+$0x0], $0xffff  }
0x268: {  	[tilespmem:s14+$0xFFFFE160] =	vst v18;
	v17 =	vld.idx.msk [tilespmem:v0+s20+$0x0], $0xffff  }
0x269: {  	[tilespmem:s14+$0xFFFFE170] =	vst v19;
	v18 =	vld.idx.msk [tilespmem:v1+s20+$0x0], $0xffff  }
0x26a: {  	[tilespmem:s14+$0x100] =	vst v20;
	v19 =	vld.idx.msk [tilespmem:v4+s20+$0x0], $0xffff  }
0x26b: {  	v20 =	vld.idx.msk [tilespmem:v14+s21+$0x0], $0xffff;
	[tilespmem:s14+$0x110] =	vst v21  }
0x26c: {  	v21 =	vld.idx.msk [tilespmem:v7+s21+$0x0], $0xffff;
	[tilespmem:s14+$0x120] =	vst v15  }
0x26d: {  	v15 =	vld.idx.msk [tilespmem:v10+s21+$0x0], $0xffff;
	[tilespmem:s14+$0x130] =	vst v16  }
0x26e: {  	v16 =	vld.idx.msk [tilespmem:v11+s21+$0x0], $0xffff;
	[tilespmem:s14+$0x140] =	vst v17  }
0x26f: {  	v17 =	vld.idx.msk [tilespmem:v12+s21+$0x0], $0xffff;
	[tilespmem:s14+$0x150] =	vst v18  }
0x270: {  	v18 =	vld.idx.msk [tilespmem:v13+s21+$0x0], $0xffff;
	[tilespmem:s14+$0x160] =	vst v19  }
0x271: {  	[tilespmem:s14+$0xFFFFE180] =	vst v20;
	v19 =	vld.idx.msk [tilespmem:v8+s21+$0x0], $0xffff  }
0x272: {  	[tilespmem:s14+$0xFFFFE190] =	vst v21;
	v20 =	vld.idx.msk [tilespmem:v5+s21+$0x0], $0xffff  }
0x273: {  	[tilespmem:s14+$0xFFFFE1A0] =	vst v15;
	v15 =	vld.idx.msk [tilespmem:v9+s21+$0x0], $0xffff  }
0x274: {  	[tilespmem:s14+$0xFFFFE1B0] =	vst v16;
	v16 =	vld.idx.msk [tilespmem:v6+s21+$0x0], $0xffff  }
0x275: {  	[tilespmem:s14+$0xFFFFE1C0] =	vst v17;
	v17 =	vld.idx.msk [tilespmem:v3+s21+$0x0], $0xffff  }
0x276: {  	[tilespmem:s14+$0xFFFFE1D0] =	vst v18;
	v18 =	vld.idx.msk [tilespmem:v2+s21+$0x0], $0xffff  }
0x277: {  	[tilespmem:s14+$0xFFFFE1E0] =	vst v19;
	v19 =	vld.idx.msk [tilespmem:v0+s21+$0x0], $0xffff  }
0x278: {  	[tilespmem:s14+$0xFFFFE1F0] =	vst v20;
	v20 =	vld.idx.msk [tilespmem:v1+s21+$0x0], $0xffff  }
0x279: {  	[tilespmem:s14+$0x180] =	vst v15;
	v15 =	vld.idx.msk [tilespmem:v4+s21+$0x0], $0xffff  }
0x27a: {  	v21 =	vld.idx.msk [tilespmem:v14+s22+$0x0], $0xffff;
	[tilespmem:s14+$0x190] =	vst v16  }
0x27b: {  	v16 =	vld.idx.msk [tilespmem:v7+s22+$0x0], $0xffff;
	[tilespmem:s14+$0x1A0] =	vst v17  }
0x27c: {  	v17 =	vld.idx.msk [tilespmem:v10+s22+$0x0], $0xffff;
	[tilespmem:s14+$0x1B0] =	vst v18  }
0x27d: {  	v18 =	vld.idx.msk [tilespmem:v11+s22+$0x0], $0xffff;
	[tilespmem:s14+$0x1C0] =	vst v19  }
0x27e: {  	v19 =	vld.idx.msk [tilespmem:v12+s22+$0x0], $0xffff;
	[tilespmem:s14+$0x1D0] =	vst v20  }
0x27f: {  	v20 =	vld.idx.msk [tilespmem:v13+s22+$0x0], $0xffff;
	[tilespmem:s14+$0x1E0] =	vst v15  }
0x280: {  	[tilespmem:s14+$0xFFFFE200] =	vst v21;
	v15 =	vld.idx.msk [tilespmem:v8+s22+$0x0], $0xffff  }
0x281: {  	[tilespmem:s14+$0xFFFFE210] =	vst v16;
	v16 =	vld.idx.msk [tilespmem:v5+s22+$0x0], $0xffff  }
0x282: {  	[tilespmem:s14+$0xFFFFE220] =	vst v17;
	v17 =	vld.idx.msk [tilespmem:v9+s22+$0x0], $0xffff  }
0x283: {  	[tilespmem:s14+$0xFFFFE230] =	vst v18;
	v18 =	vld.idx.msk [tilespmem:v6+s22+$0x0], $0xffff  }
0x284: {  	[tilespmem:s14+$0xFFFFE240] =	vst v19;
	v19 =	vld.idx.msk [tilespmem:v3+s22+$0x0], $0xffff  }
0x285: {  	[tilespmem:s14+$0xFFFFE250] =	vst v20;
	v20 =	vld.idx.msk [tilespmem:v2+s22+$0x0], $0xffff  }
0x286: {  	[tilespmem:s14+$0xFFFFE260] =	vst v15;
	v15 =	vld.idx.msk [tilespmem:v0+s22+$0x0], $0xffff  }
0x287: {  	[tilespmem:s14+$0xFFFFE270] =	vst v16;
	v16 =	vld.idx.msk [tilespmem:v1+s22+$0x0], $0xffff  }
0x288: {  	[tilespmem:s14+$0x200] =	vst v17;
	v17 =	vld.idx.msk [tilespmem:v4+s22+$0x0], $0xffff  }
0x289: {  	v21 =	vld.idx.msk [tilespmem:v14+s23+$0x0], $0xffff;
	[tilespmem:s14+$0x210] =	vst v18  }
0x28a: {  	v18 =	vld.idx.msk [tilespmem:v7+s23+$0x0], $0xffff;
	[tilespmem:s14+$0x220] =	vst v19  }
0x28b: {  	v19 =	vld.idx.msk [tilespmem:v10+s23+$0x0], $0xffff;
	[tilespmem:s14+$0x230] =	vst v20  }
0x28c: {  	v20 =	vld.idx.msk [tilespmem:v11+s23+$0x0], $0xffff;
	[tilespmem:s14+$0x240] =	vst v15  }
0x28d: {  	v15 =	vld.idx.msk [tilespmem:v12+s23+$0x0], $0xffff;
	[tilespmem:s14+$0x250] =	vst v16  }
0x28e: {  	v16 =	vld.idx.msk [tilespmem:v13+s23+$0x0], $0xffff;
	[tilespmem:s14+$0x260] =	vst v17  }
0x28f: {  	[tilespmem:s14+$0xFFFFE280] =	vst v21;
	v17 =	vld.idx.msk [tilespmem:v8+s23+$0x0], $0xffff  }
0x290: {  	[tilespmem:s14+$0xFFFFE290] =	vst v18;
	v18 =	vld.idx.msk [tilespmem:v5+s23+$0x0], $0xffff  }
0x291: {  	[tilespmem:s14+$0xFFFFE2A0] =	vst v19;
	v19 =	vld.idx.msk [tilespmem:v9+s23+$0x0], $0xffff  }
0x292: {  	[tilespmem:s14+$0xFFFFE2B0] =	vst v20;
	v20 =	vld.idx.msk [tilespmem:v6+s23+$0x0], $0xffff  }
0x293: {  	[tilespmem:s14+$0xFFFFE2C0] =	vst v15;
	v15 =	vld.idx.msk [tilespmem:v3+s23+$0x0], $0xffff  }
0x294: {  	[tilespmem:s14+$0xFFFFE2D0] =	vst v16;
	v16 =	vld.idx.msk [tilespmem:v2+s23+$0x0], $0xffff  }
0x295: {  	[tilespmem:s14+$0xFFFFE2E0] =	vst v17;
	v17 =	vld.idx.msk [tilespmem:v0+s23+$0x0], $0xffff  }
0x296: {  	[tilespmem:s14+$0xFFFFE2F0] =	vst v18;
	v18 =	vld.idx.msk [tilespmem:v1+s23+$0x0], $0xffff  }
0x297: {  	[tilespmem:s14+$0x280] =	vst v19;
	v19 =	vld.idx.msk [tilespmem:v4+s23+$0x0], $0xffff  }
0x298: {  	v21 =	vld.idx.msk [tilespmem:v14+s24+$0x0], $0xffff;
	[tilespmem:s14+$0x290] =	vst v20  }
0x299: {  	v20 =	vld.idx.msk [tilespmem:v7+s24+$0x0], $0xffff;
	[tilespmem:s14+$0x2A0] =	vst v15  }
0x29a: {  	v15 =	vld.idx.msk [tilespmem:v10+s24+$0x0], $0xffff;
	[tilespmem:s14+$0x2B0] =	vst v16  }
0x29b: {  	v16 =	vld.idx.msk [tilespmem:v11+s24+$0x0], $0xffff;
	[tilespmem:s14+$0x2C0] =	vst v17  }
0x29c: {  	v17 =	vld.idx.msk [tilespmem:v12+s24+$0x0], $0xffff;
	[tilespmem:s14+$0x2D0] =	vst v18  }
0x29d: {  	v18 =	vld.idx.msk [tilespmem:v13+s24+$0x0], $0xffff;
	[tilespmem:s14+$0x2E0] =	vst v19  }
0x29e: {  	[tilespmem:s14+$0xFFFFE300] =	vst v21;
	v19 =	vld.idx.msk [tilespmem:v8+s24+$0x0], $0xffff  }
0x29f: {  	[tilespmem:s14+$0xFFFFE310] =	vst v20;
	v20 =	vld.idx.msk [tilespmem:v5+s24+$0x0], $0xffff  }
0x2a0: {  	[tilespmem:s14+$0xFFFFE320] =	vst v15;
	v15 =	vld.idx.msk [tilespmem:v9+s24+$0x0], $0xffff  }
0x2a1: {  	[tilespmem:s14+$0xFFFFE330] =	vst v16;
	v16 =	vld.idx.msk [tilespmem:v6+s24+$0x0], $0xffff  }
0x2a2: {  	[tilespmem:s14+$0xFFFFE340] =	vst v17;
	v17 =	vld.idx.msk [tilespmem:v3+s24+$0x0], $0xffff  }
0x2a3: {  	[tilespmem:s14+$0xFFFFE350] =	vst v18;
	v18 =	vld.idx.msk [tilespmem:v2+s24+$0x0], $0xffff  }
0x2a4: {  	[tilespmem:s14+$0xFFFFE360] =	vst v19;
	v19 =	vld.idx.msk [tilespmem:v0+s24+$0x0], $0xffff  }
0x2a5: {  	[tilespmem:s14+$0xFFFFE370] =	vst v20;
	v20 =	vld.idx.msk [tilespmem:v1+s24+$0x0], $0xffff  }
0x2a6: {  	[tilespmem:s14+$0x300] =	vst v15;
	v15 =	vld.idx.msk [tilespmem:v4+s24+$0x0], $0xffff  }
0x2a7: {  	v14 =	vld.idx.msk [tilespmem:v14+s25+$0x0], $0xffff;
	[tilespmem:s14+$0x310] =	vst v16  }
0x2a8: {  	v7 =	vld.idx.msk [tilespmem:v7+s25+$0x0], $0xffff;
	[tilespmem:s14+$0x320] =	vst v17  }
0x2a9: {  	v10 =	vld.idx.msk [tilespmem:v10+s25+$0x0], $0xffff;
	[tilespmem:s14+$0x330] =	vst v18  }
0x2aa: {  	v11 =	vld.idx.msk [tilespmem:v11+s25+$0x0], $0xffff;
	[tilespmem:s14+$0x340] =	vst v19  }
0x2ab: {  	v12 =	vld.idx.msk [tilespmem:v12+s25+$0x0], $0xffff;
	[tilespmem:s14+$0x350] =	vst v20  }
0x2ac: {  	v13 =	vld.idx.msk [tilespmem:v13+s25+$0x0], $0xffff;
	[tilespmem:s14+$0x360] =	vst v15  }
0x2ad: {  	[tilespmem:s14+$0xFFFFE380] =	vst v14;
	v8 =	vld.idx.msk [tilespmem:v8+s25+$0x0], $0xffff  }
0x2ae: {  	[tilespmem:s14+$0xFFFFE390] =	vst v7;
	v7 =	vld.idx.msk [tilespmem:v5+s25+$0x0], $0xffff  }
0x2af: {  	[tilespmem:s14+$0xFFFFE3A0] =	vst v10;
	v9 =	vld.idx.msk [tilespmem:v9+s25+$0x0], $0xffff  }
0x2b0: {  	[tilespmem:s14+$0xFFFFE3B0] =	vst v11;
	v5 =	vld.idx.msk [tilespmem:v6+s25+$0x0], $0xffff  }
.Ltmp6:
0x2b1: {  	[tilespmem:s14+$0xFFFFE3C0] =	vst v12;
	v6 =	vld.idx.msk [tilespmem:v3+s25+$0x0], $0xffff;
	(pc) =	sbr.rel @p0 .LBB2_9-.Ltmp6, $4  }
0x2b2: {  	[tilespmem:s14+$0xFFFFE3D0] =	vst v13;
	v2 =	vld.idx.msk [tilespmem:v2+s25+$0x0], $0xffff  }
0x2b3: {  	[tilespmem:s14+$0xFFFFE3E0] =	vst v8;
	v3 =	vld.idx.msk [tilespmem:v0+s25+$0x0], $0xffff  }
0x2b4: {  	[tilespmem:s14+$0xFFFFE3F0] =	vst v7;
	v0 =	vld.idx.msk [tilespmem:v1+s25+$0x0], $0xffff  }
0x2b5: {  	s29 =	sadd.s32 $0x100, s29;
	[tilespmem:s14+$0x380] =	vst v9;
	v1 =	vld.idx.msk [tilespmem:v4+s25+$0x0], $0xffff  }
0x2b6: {  	[tilespmem:s14+$0x390] =	vst v5  }
0x2b7: {  	[tilespmem:s14+$0x3A0] =	vst v6  }
0x2b8: {  	[tilespmem:s14+$0x3B0] =	vst v2  }
0x2b9: {  	p0 =	seq.s32 s17, $0x31;
	[tilespmem:s14+$0x3C0] =	vst v3  }
.Ltmp7:
0x2ba: {  	s15 =	sor.u32 $0x400, s5;
	[tilespmem:s14+$0x3D0] =	vst v0;
	(pc) =	sbr.rel @p0 .LBB2_12-.Ltmp7, $4  }
0x2bb: {  	s29 =	sor.u32 $0x480, s5;
	s15 =	sadd.s32 s2, s15;
	[tilespmem:s14+$0x3E0] =	vst v1  }
0x2bc: {  	[hbm4b:s15+s0] =	stream.strided.scatter [tilespmem:s11], [sflag:$0x4], $0x2000, s1, s0, $0x38;
	[tilespmem:$0x19000] =	vst v63  }
0x2bd: {  	s5 =	sadd.s32 s2, s29  }
0x2be: {  	[hbm4b:s5+s0] =	stream.strided.scatter [tilespmem:s12], [sflag:$0x4], $0x2000, s1, s0, $0x38;
	[tilespmem:$0x19000] =	vst v63  }
0x2bf: {  	s5 =	sadd.s32 $0xC, s13  }
.Ltmp8:
0x2c0: {  	s13 =	sshll.u32 s5, $0x8;
	s5 =	sand.u32 $0xC, s5;
	(pc) =	sbr.rel .LBB2_2-.Ltmp8, $4  }
0x2c1: {  	s13 =	sand.u32 $0x3F000, s13;
	s5 =	sor.u32 s6, s5  }
0x2c2: {  	s5 =	sshll.u32 s5, $0x5;
	s13 =	sadd.s32 s4, s13  }
0x2c3: {  	s17 =	sadd.s32 $0x1, s17;
	s5 =	sadd.s32 s5, s13  }
0x2c4: {  	[tilespmem:s30], [sflag:$0x2] =	stream.strided.gather [hbm4b:s5+s26], $0x800, s28, s26, $0x38;
	[tilespmem:$0x19000] =	vst v63  }
.LBB2_13:
0x2c5: {  	_ =	sfence.sel $0x180000  }
0x2c6: {  	[bflag:$0x0] =	sbarrier.arrive $0xFFFF  }
0x2c7: {  	_ =	strace $0x90000047  }
0x2c8: {  	s0 =	stileid.u32;
	[bflag:$0x2] =	sbarrier.arrive $0xFFFF  }
0x2c9: {  	p0 =	sne.s32 s0, $0x0;
	s0 =	rddreg [dreg:$0x3]  }
0x2ca: {  	s0 =	sadd.s32 @!p0 $0x100000, s0  }
0x2cb: {  	[sflag:s0] =	ssyncadd.tile.s32 @!p0 $0x1;
	_ =	shalt  }
.Lfunc_end2:
_tile_overlayer_lowered:
.L_overlay_start_2:
0x2cc: {  	(tag) =	ssettag $0x2  }
0x2cd: {  	s0 =	rddreg [dreg:$0x0];
	s2 =	stileid.u32  }
0x2ce: {  	s1 =	rddreg [dreg:$0x1];
	p0 =	sne.s32 s2, $0x0  }
0x2cf: {  	s3 =	rddreg [dreg:$0x2];
	[bflag:$0x3] =	sbarrier.arrive $0xFFFF;
	s2 =	simm.s32 @!p0 $0x1C05  }
0x2d0: {  	[timem:s3], [sflag:s2] =	dma.local @!p0 [hbm:s0], s1  }
0x2d1: {  	s0 =	simm.s32 @!p0 $0x5  }
0x2d2: {  	_ =	swait.ge @!p0 [sflag:s0], s1  }
0x2d3: {  	s1 =	ssub.s32 @!p0 $0x0, s1;
	[sflag:s0] =	ssyncset.done @!p0 $0x0  }
0x2d4: {  	[sflag:s0] =	ssyncadd.s32 @!p0 s1  }
0x2d5: {  	[bflag:$0x3] =	sbarrier.arrive $0xFFFF  }
0x2d6: {  	_ =	shalt  }

</sc_bundles>
